<compile_context>
chip_gen: v7x
topology: tpu7x:2x2x1
jax: 0.10.2.dev20260603
libtpu: 0.0.44.dev20260713+nightly
codegen_flags: <defaults>
</compile_context>

<pallas_src>
import functools

import jax
import jax.numpy as jnp
from jax import lax
from jax.experimental import pallas as pl
from jax.experimental.pallas import tpu as pltpu
from jax.experimental.pallas import tpu_sc as plsc

N_NODES = 10000
N_EDGES = 320000
D = 256

NC = 2
NS = 16
NW = NC * NS
ROWS_PER = 320
N_PAD = NW * ROWS_PER
DUMMY = ROWS_PER
ACC_ROWS = ROWS_PER + 8
CHUNK = 2000
N_CHUNKS = N_EDGES // CHUNK
VREGS = CHUNK // 16
CAP = 4352
FLUSH_AT = 2208
G = 56
SCAN_UNROLL = 5


def _linear_block(x_ref, w_ref, tb_ref, pb_ref, o_ref):
    acc = lax.dot_general(x_ref[...], w_ref[...],
                          (((1,), (1,)), ((), ())),
                          preferred_element_type=jnp.float32)
    o_ref[...] = acc + tb_ref[...] + pb_ref[...]


def _linear(feat, phi_W, theta_b2, phi_b2):
    M = feat.shape[0]
    BM = 2000
    return pl.pallas_call(
        _linear_block,
        grid=(M // BM,),
        in_specs=[
            pl.BlockSpec((BM, D), lambda i: (i, 0)),
            pl.BlockSpec((D, D), lambda i: (0, 0)),
            pl.BlockSpec((1, D), lambda i: (0, 0)),
            pl.BlockSpec((1, D), lambda i: (0, 0)),
        ],
        out_specs=pl.BlockSpec((BM, D), lambda i: (i, 0)),
        out_shape=jax.ShapeDtypeStruct((M, D), jnp.float32),
    )(feat, phi_W, theta_b2, phi_b2)


def _sc_segment_max(h, src, dst):
    mesh = plsc.VectorSubcoreMesh(core_axis_name="c", subcore_axis_name="s")

    @functools.partial(
        pl.kernel,
        mesh=mesh,
        out_type=jax.ShapeDtypeStruct((N_PAD, D), jnp.float32),
        compiler_params=pltpu.CompilerParams(needs_layout_passes=False),
        scratch_types=[
            pltpu.VMEM((ACC_ROWS, D), jnp.float32),
            pltpu.VMEM((CHUNK,), jnp.int32),
            pltpu.VMEM((CHUNK,), jnp.int32),
            pltpu.VMEM((CAP,), jnp.int32),
            pltpu.VMEM((CAP,), jnp.int32),
            pltpu.VMEM((2, G, D), jnp.float32),
            pltpu.SemaphoreType.DMA,
        ],
    )
    def seg_max(h_hbm, src_hbm, dst_hbm, out_hbm,
                acc, srcb, dstb, cidx, cdst, rows, sem):
        wid = lax.axis_index("s") * NC + lax.axis_index("c")
        base = (wid * ROWS_PER).astype(jnp.int32)

        neg = jnp.full((16,), -jnp.inf, jnp.float32)
        zero = jnp.zeros((16,), jnp.float32)

        def init_row(r, _):
            for c in range(D // 16):
                acc[r, pl.ds(c * 16, 16)] = neg
            return 0
        lax.fori_loop(0, ACC_ROWS, init_row, 0)

        pad_src = jnp.broadcast_to(wid.astype(jnp.int32), (16,))
        pad_dst = jnp.full((16,), DUMMY, jnp.int32)

        def flush(cnt):
            for kk in range(-(-G // 16) + 1):
                cidx[pl.ds(cnt + kk * 16, 16)] = pad_src
                cdst[pl.ds(cnt + kk * 16, 16)] = pad_dst
            n_sub = (cnt + (G - 1)) // G

            pltpu.async_copy(h_hbm.at[cidx.at[pl.ds(0, G)]], rows.at[0], sem)

            def sub(j, _):
                jb = j & 1
                pltpu.make_async_copy(h_hbm.at[cidx.at[pl.ds(0, G)]],
                                      rows.at[jb], sem).wait()

                @pl.when(j + 1 < n_sub)
                def _():
                    pltpu.async_copy(
                        h_hbm.at[cidx.at[pl.ds((j + 1) * G, G)]],
                        rows.at[1 - jb], sem)

                off = j * G

                def edge(e, _):
                    drow = cdst[pl.ds(off + e, 16)][0]
                    for c in range(D // 16):
                        sl = pl.ds(c * 16, 16)
                        acc[drow, sl] = jnp.maximum(acc[drow, sl],
                                                    rows[jb, e, sl])
                    return 0
                lax.fori_loop(0, G, edge, 0)
                return 0
            lax.fori_loop(0, n_sub, sub, 0)

        def chunk_body(i, cnt):
            eoff = i * CHUNK
            pltpu.sync_copy(src_hbm.at[pl.ds(eoff, CHUNK)], srcb)
            pltpu.sync_copy(dst_hbm.at[pl.ds(eoff, CHUNK)], dstb)

            def vec(v, c):
                for u in range(SCAN_UNROLL):
                    sl = pl.ds((v * SCAN_UNROLL + u) * 16, 16)
                    s = srcb[sl]
                    d = dstb[sl]
                    m = (d >= base) & (d < base + ROWS_PER)
                    plsc.store_compressed(cidx.at[pl.ds(c, 16)], s, mask=m)
                    plsc.store_compressed(cdst.at[pl.ds(c, 16)], d - base,
                                          mask=m)
                    c = c + plsc.all_reduce_population_count(m)[0]
                return c
            cnt = lax.fori_loop(0, VREGS // SCAN_UNROLL, vec, cnt)

            def do_flush(c):
                flush(c)
                return jnp.int32(0)
            return lax.cond(cnt >= FLUSH_AT, do_flush, lambda c: c, cnt)

        cnt = lax.fori_loop(0, N_CHUNKS, chunk_body, jnp.int32(0))

        def final_flush(c):
            flush(c)
            return jnp.int32(0)
        lax.cond(cnt > 0, final_flush, lambda c: c, cnt)

        def fin_row(r, _):
            for c in range(D // 16):
                sl = pl.ds(c * 16, 16)
                v = acc[r, sl]
                acc[r, sl] = jnp.where(v == neg, zero, v)
            return 0
        lax.fori_loop(0, ROWS_PER, fin_row, 0)

        pltpu.sync_copy(acc.at[pl.ds(0, ROWS_PER)],
                        out_hbm.at[pl.ds(base, ROWS_PER)])

    return seg_max(h, src, dst)


def kernel(feat, edge_index, theta_W, theta_b, phi_W, phi_b):
    theta_b2 = theta_b.reshape(1, D).astype(jnp.float32)
    phi_b2 = phi_b.reshape(1, D).astype(jnp.float32)
    h = _linear(feat, phi_W, theta_b2, phi_b2)
    ei = edge_index.astype(jnp.int32)
    out_pad = _sc_segment_max(h, ei[0], ei[1])
    return out_pad[:N_NODES]

# --- scband reference (transcript-rebuilt; emitter-appended) ---
"""Pipeline reference for scband-custom-gnn-90520730730736 (READ-ONLY COPY).

The authoritative reference and input builder live on the scoring server;
editing this copy changes nothing except your own understanding.
"""

import jax, jax.numpy as jnp
import numpy as np

N_NODES = 10000
N_EDGES = 320000
D_IN = 256
D_OUT = 256

def setup_inputs(seed: int = 0) -> dict:
    key = jax.random.key(seed)
    k1, k2, k3, k4, k5, k6 = jax.random.split(key, 6)
    feat = jax.random.normal(k1, (N_NODES, D_IN), dtype=jnp.float32)
    edge_index = jax.random.randint(k2, (2, N_EDGES), 0, N_NODES, dtype=jnp.int64)
    bound = 1.0 / np.sqrt(D_IN)
    theta_W = jax.random.uniform(k3, (D_OUT, D_IN), minval=-bound, maxval=bound, dtype=jnp.float32)
    theta_b = jax.random.uniform(k4, (D_OUT,), minval=-bound, maxval=bound, dtype=jnp.float32)
    phi_W = jax.random.uniform(k5, (D_OUT, D_IN), minval=-bound, maxval=bound, dtype=jnp.float32)
    phi_b = jax.random.uniform(k6, (D_OUT,), minval=-bound, maxval=bound, dtype=jnp.float32)
    return {"feat": feat, "edge_index": edge_index, "theta_W": theta_W, "theta_b": theta_b, "phi_W": phi_W, "phi_b": phi_b}

def reference(feat, edge_index, theta_W, theta_b, phi_W, phi_b):
    # apply_nodes: first = first - first  (zeros), then first = theta(first) = theta bias broadcast
    first_in = feat - feat
    first = first_in @ theta_W.T + theta_b
    # second = phi(feat)
    second = feat @ phi_W.T + phi_b
    h = first + second
    src = edge_index[0]
    dst = edge_index[1]
    # update_all(copy_src('h','m'), max('m','h')): per-dst max over incoming messages
    m = jnp.take(h, src, axis=0)
    out = jax.ops.segment_max(m, dst, num_segments=feat.shape[0])
    # DGL fills zero-in-degree nodes with 0
    out = jnp.where(jnp.isneginf(out), jnp.zeros_like(out), out)
    return out

if __name__ == "__main__":
    import jax
    _d = setup_inputs()
    print(jax.jit(kernel)(*tuple(_d.values())))

</pallas_src>

<mosaic_0001>
#map = affine_map<(d0, d1) -> (0, 0)>
#map1 = affine_map<(d0, d1) -> (0)>
module attributes {stable_mosaic.version = 14 : i64} {
  func.func @seg_max(%arg0: i32, %arg1: i32, %arg2: memref<10000x256xf32, #tpu.memory_space<hbm>>, %arg3: memref<320000xi32, #tpu.memory_space<hbm>>, %arg4: memref<320000xi32, #tpu.memory_space<hbm>>, %arg5: memref<10240x256xf32, #tpu.memory_space<hbm>>, %arg6: memref<328x256xf32, #tpu.memory_space<vmem>>, %arg7: memref<2000xi32, #tpu.memory_space<vmem>>, %arg8: memref<2000xi32, #tpu.memory_space<vmem>>, %arg9: memref<4352xi32, #tpu.memory_space<vmem>>, %arg10: memref<4352xi32, #tpu.memory_space<vmem>>, %arg11: memref<2x56x256xf32, #tpu.memory_space<vmem>>, %arg12: memref<!tpu.dma_semaphore, #tpu.memory_space<semaphore_mem>>) attributes {dimension_semantics = [#tpu.dimension_semantics<core_parallel>, #tpu.dimension_semantics<subcore_parallel>], iteration_bounds = array<i64: 2, 16>, scalar_prefetch = 0 : i64, scratch_operands = 7 : i64, tpu.core_type = #tpu.core_type<sc_vector_subcore>, window_params = [{transform_indices = #map}, {transform_indices = #map1}, {transform_indices = #map1}, {transform_indices = #map}]} {
    %mul3A = arith.constant 2 : i32
    %mul3A_0 = arith.muli %arg1, %mul3A : i32
    %add3A = arith.addi %mul3A_0, %arg0 : i32
    %mul3A_1 = arith.constant 320 : i32
    %mul3A_2 = arith.muli %add3A, %mul3A_1 : i32
    %broadcast_in_dim3A = arith.constant 0xFF800000 : f32
    %broadcast_in_dim3A_3 = vector.broadcast %broadcast_in_dim3A : f32 to vector<16xf32>
    %broadcast_in_dim3A_4 = arith.constant 0.000000e+00 : f32
    %broadcast_in_dim3A_5 = vector.broadcast %broadcast_in_dim3A_4 : f32 to vector<16xf32>
    %scan3A = arith.constant 0 : i32
    %scan3A_6 = arith.constant 0 : i32
    %scan3A_7 = arith.constant 328 : i32
    %scan3A_8 = arith.addi %scan3A_6, %scan3A_7 : i32
    %scan3A_9 = arith.constant 1 : i32
    %scan3A_10 = scf.for %scan3A_32 = %scan3A_6 to %scan3A_8 step %scan3A_9 iter_args(%scan3A_33 = %scan3A) -> (i32)  : i32 {
      %swap3A = arith.index_cast %scan3A_32 : i32 to index
      %swap3A_34 = arith.constant 0 : index
      %swap3A_35 = tpu.vector_load %arg6[%swap3A, %swap3A_34] {strides = array<i32>} : memref<328x256xf32, #tpu.memory_space<vmem>>, vector<16xf32>,
      tpu.vector_store %arg6[%swap3A, %swap3A_34], %broadcast_in_dim3A_3 {strides = array<i32>} : memref<328x256xf32, #tpu.memory_space<vmem>>, vector<16xf32>,
      %swap3A_36 = arith.index_cast %scan3A_32 : i32 to index
      %swap3A_37 = arith.constant 16 : index
      %swap3A_38 = tpu.vector_load %arg6[%swap3A_36, %swap3A_37] {strides = array<i32>} : memref<328x256xf32, #tpu.memory_space<vmem>>, vector<16xf32>,
      tpu.vector_store %arg6[%swap3A_36, %swap3A_37], %broadcast_in_dim3A_3 {strides = array<i32>} : memref<328x256xf32, #tpu.memory_space<vmem>>, vector<16xf32>,
      %swap3A_39 = arith.index_cast %scan3A_32 : i32 to index
      %swap3A_40 = arith.constant 32 : index
      %swap3A_41 = tpu.vector_load %arg6[%swap3A_39, %swap3A_40] {strides = array<i32>} : memref<328x256xf32, #tpu.memory_space<vmem>>, vector<16xf32>,
      tpu.vector_store %arg6[%swap3A_39, %swap3A_40], %broadcast_in_dim3A_3 {strides = array<i32>} : memref<328x256xf32, #tpu.memory_space<vmem>>, vector<16xf32>,
      %swap3A_42 = arith.index_cast %scan3A_32 : i32 to index
      %swap3A_43 = arith.constant 48 : index
      %swap3A_44 = tpu.vector_load %arg6[%swap3A_42, %swap3A_43] {strides = array<i32>} : memref<328x256xf32, #tpu.memory_space<vmem>>, vector<16xf32>,
      tpu.vector_store %arg6[%swap3A_42, %swap3A_43], %broadcast_in_dim3A_3 {strides = array<i32>} : memref<328x256xf32, #tpu.memory_space<vmem>>, vector<16xf32>,
      %swap3A_45 = arith.index_cast %scan3A_32 : i32 to index
      %swap3A_46 = arith.constant 64 : index
      %swap3A_47 = tpu.vector_load %arg6[%swap3A_45, %swap3A_46] {strides = array<i32>} : memref<328x256xf32, #tpu.memory_space<vmem>>, vector<16xf32>,
      tpu.vector_store %arg6[%swap3A_45, %swap3A_46], %broadcast_in_dim3A_3 {strides = array<i32>} : memref<328x256xf32, #tpu.memory_space<vmem>>, vector<16xf32>,
      %swap3A_48 = arith.index_cast %scan3A_32 : i32 to index
      %swap3A_49 = arith.constant 80 : index
      %swap3A_50 = tpu.vector_load %arg6[%swap3A_48, %swap3A_49] {strides = array<i32>} : memref<328x256xf32, #tpu.memory_space<vmem>>, vector<16xf32>,
      tpu.vector_store %arg6[%swap3A_48, %swap3A_49], %broadcast_in_dim3A_3 {strides = array<i32>} : memref<328x256xf32, #tpu.memory_space<vmem>>, vector<16xf32>,
      %swap3A_51 = arith.index_cast %scan3A_32 : i32 to index
      %swap3A_52 = arith.constant 96 : index
      %swap3A_53 = tpu.vector_load %arg6[%swap3A_51, %swap3A_52] {strides = array<i32>} : memref<328x256xf32, #tpu.memory_space<vmem>>, vector<16xf32>,
      tpu.vector_store %arg6[%swap3A_51, %swap3A_52], %broadcast_in_dim3A_3 {strides = array<i32>} : memref<328x256xf32, #tpu.memory_space<vmem>>, vector<16xf32>,
      %swap3A_54 = arith.index_cast %scan3A_32 : i32 to index
      %swap3A_55 = arith.constant 112 : index
      %swap3A_56 = tpu.vector_load %arg6[%swap3A_54, %swap3A_55] {strides = array<i32>} : memref<328x256xf32, #tpu.memory_space<vmem>>, vector<16xf32>,
      tpu.vector_store %arg6[%swap3A_54, %swap3A_55], %broadcast_in_dim3A_3 {strides = array<i32>} : memref<328x256xf32, #tpu.memory_space<vmem>>, vector<16xf32>,
      %swap3A_57 = arith.index_cast %scan3A_32 : i32 to index
      %swap3A_58 = arith.constant 128 : index
      %swap3A_59 = tpu.vector_load %arg6[%swap3A_57, %swap3A_58] {strides = array<i32>} : memref<328x256xf32, #tpu.memory_space<vmem>>, vector<16xf32>,
      tpu.vector_store %arg6[%swap3A_57, %swap3A_58], %broadcast_in_dim3A_3 {strides = array<i32>} : memref<328x256xf32, #tpu.memory_space<vmem>>, vector<16xf32>,
      %swap3A_60 = arith.index_cast %scan3A_32 : i32 to index
      %swap3A_61 = arith.constant 144 : index
      %swap3A_62 = tpu.vector_load %arg6[%swap3A_60, %swap3A_61] {strides = array<i32>} : memref<328x256xf32, #tpu.memory_space<vmem>>, vector<16xf32>,
      tpu.vector_store %arg6[%swap3A_60, %swap3A_61], %broadcast_in_dim3A_3 {strides = array<i32>} : memref<328x256xf32, #tpu.memory_space<vmem>>, vector<16xf32>,
      %swap3A_63 = arith.index_cast %scan3A_32 : i32 to index
      %swap3A_64 = arith.constant 160 : index
      %swap3A_65 = tpu.vector_load %arg6[%swap3A_63, %swap3A_64] {strides = array<i32>} : memref<328x256xf32, #tpu.memory_space<vmem>>, vector<16xf32>,
      tpu.vector_store %arg6[%swap3A_63, %swap3A_64], %broadcast_in_dim3A_3 {strides = array<i32>} : memref<328x256xf32, #tpu.memory_space<vmem>>, vector<16xf32>,
      %swap3A_66 = arith.index_cast %scan3A_32 : i32 to index
      %swap3A_67 = arith.constant 176 : index
      %swap3A_68 = tpu.vector_load %arg6[%swap3A_66, %swap3A_67] {strides = array<i32>} : memref<328x256xf32, #tpu.memory_space<vmem>>, vector<16xf32>,
      tpu.vector_store %arg6[%swap3A_66, %swap3A_67], %broadcast_in_dim3A_3 {strides = array<i32>} : memref<328x256xf32, #tpu.memory_space<vmem>>, vector<16xf32>,
      %swap3A_69 = arith.index_cast %scan3A_32 : i32 to index
      %swap3A_70 = arith.constant 192 : index
      %swap3A_71 = tpu.vector_load %arg6[%swap3A_69, %swap3A_70] {strides = array<i32>} : memref<328x256xf32, #tpu.memory_space<vmem>>, vector<16xf32>,
      tpu.vector_store %arg6[%swap3A_69, %swap3A_70], %broadcast_in_dim3A_3 {strides = array<i32>} : memref<328x256xf32, #tpu.memory_space<vmem>>, vector<16xf32>,
      %swap3A_72 = arith.index_cast %scan3A_32 : i32 to index
      %swap3A_73 = arith.constant 208 : index
      %swap3A_74 = tpu.vector_load %arg6[%swap3A_72, %swap3A_73] {strides = array<i32>} : memref<328x256xf32, #tpu.memory_space<vmem>>, vector<16xf32>,
      tpu.vector_store %arg6[%swap3A_72, %swap3A_73], %broadcast_in_dim3A_3 {strides = array<i32>} : memref<328x256xf32, #tpu.memory_space<vmem>>, vector<16xf32>,
      %swap3A_75 = arith.index_cast %scan3A_32 : i32 to index
      %swap3A_76 = arith.constant 224 : index
      %swap3A_77 = tpu.vector_load %arg6[%swap3A_75, %swap3A_76] {strides = array<i32>} : memref<328x256xf32, #tpu.memory_space<vmem>>, vector<16xf32>,
      tpu.vector_store %arg6[%swap3A_75, %swap3A_76], %broadcast_in_dim3A_3 {strides = array<i32>} : memref<328x256xf32, #tpu.memory_space<vmem>>, vector<16xf32>,
      %swap3A_78 = arith.index_cast %scan3A_32 : i32 to index
      %swap3A_79 = arith.constant 240 : index
      %swap3A_80 = tpu.vector_load %arg6[%swap3A_78, %swap3A_79] {strides = array<i32>} : memref<328x256xf32, #tpu.memory_space<vmem>>, vector<16xf32>,
      tpu.vector_store %arg6[%swap3A_78, %swap3A_79], %broadcast_in_dim3A_3 {strides = array<i32>} : memref<328x256xf32, #tpu.memory_space<vmem>>, vector<16xf32>,
      %scan3A_81 = arith.constant 0 : i32
      scf.yield %scan3A_81 : i32
    }
    %scan3A_11 = arith.constant 328 : i32
    %broadcast_in_dim3A_12 = vector.broadcast %add3A : i32 to vector<16xi32>
    %broadcast_in_dim3A_13 = arith.constant 320 : i32
    %broadcast_in_dim3A_14 = vector.broadcast %broadcast_in_dim3A_13 : i32 to vector<16xi32>
    %scan3A_15 = arith.constant 0 : i32
    %scan3A_16 = arith.constant 0 : i32
    %scan3A_17 = arith.constant 160 : i32
    %scan3A_18 = arith.addi %scan3A_16, %scan3A_17 : i32
    %scan3A_19 = arith.constant 1 : i32
    %scan3A_20 = scf.for %scan3A_32 = %scan3A_16 to %scan3A_18 step %scan3A_19 iter_args(%scan3A_33 = %scan3A_15) -> (i32)  : i32 {
      %mul3A_34 = arith.constant 2000 : i32
      %mul3A_35 = arith.muli %scan3A_32, %mul3A_34 : i32
      "tpu.region"() ({
        %run_scoped3A = tpu.sem_alloc : memref<!tpu.dma_semaphore, #tpu.memory_space<semaphore_mem>>
        %dma_start3A = tpu.memref_slice %arg3[%mul3A_35] : memref<320000xi32, #tpu.memory_space<hbm>> -> memref<2000xi32, #tpu.memory_space<hbm>>
        %dma_start3A_47 = tpu.memref_slice %arg3[%mul3A_35] : memref<320000xi32, #tpu.memory_space<hbm>> -> memref<2000xi32, #tpu.memory_space<hbm>>
        tpu.enqueue_dma source(%dma_start3A_47 : memref<2000xi32, #tpu.memory_space<hbm>>) target(%arg7 : memref<2000xi32, #tpu.memory_space<vmem>>) target_semaphore(%run_scoped3A : memref<!tpu.dma_semaphore, #tpu.memory_space<semaphore_mem>>)
        %dma_wait3A = tpu.memref_slice %arg3[%mul3A_35] : memref<320000xi32, #tpu.memory_space<hbm>> -> memref<2000xi32, #tpu.memory_space<hbm>>
        %dma_wait3A_48 = tpu.memref_slice %arg3[%mul3A_35] : memref<320000xi32, #tpu.memory_space<hbm>> -> memref<2000xi32, #tpu.memory_space<hbm>>
        tpu.wait_dma2 semaphore(%run_scoped3A : memref<!tpu.dma_semaphore, #tpu.memory_space<semaphore_mem>>) src(%dma_wait3A_48 : memref<2000xi32, #tpu.memory_space<hbm>>) dst(%arg7 : memref<2000xi32, #tpu.memory_space<vmem>>)
        tpu.yield
      }) : () -> ()
      "tpu.region"() ({
        %run_scoped3A = tpu.sem_alloc : memref<!tpu.dma_semaphore, #tpu.memory_space<semaphore_mem>>
        %dma_start3A = tpu.memref_slice %arg4[%mul3A_35] : memref<320000xi32, #tpu.memory_space<hbm>> -> memref<2000xi32, #tpu.memory_space<hbm>>
        %dma_start3A_47 = tpu.memref_slice %arg4[%mul3A_35] : memref<320000xi32, #tpu.memory_space<hbm>> -> memref<2000xi32, #tpu.memory_space<hbm>>
        tpu.enqueue_dma source(%dma_start3A_47 : memref<2000xi32, #tpu.memory_space<hbm>>) target(%arg8 : memref<2000xi32, #tpu.memory_space<vmem>>) target_semaphore(%run_scoped3A : memref<!tpu.dma_semaphore, #tpu.memory_space<semaphore_mem>>)
        %dma_wait3A = tpu.memref_slice %arg4[%mul3A_35] : memref<320000xi32, #tpu.memory_space<hbm>> -> memref<2000xi32, #tpu.memory_space<hbm>>
        %dma_wait3A_48 = tpu.memref_slice %arg4[%mul3A_35] : memref<320000xi32, #tpu.memory_space<hbm>> -> memref<2000xi32, #tpu.memory_space<hbm>>
        tpu.wait_dma2 semaphore(%run_scoped3A : memref<!tpu.dma_semaphore, #tpu.memory_space<semaphore_mem>>) src(%dma_wait3A_48 : memref<2000xi32, #tpu.memory_space<hbm>>) dst(%arg8 : memref<2000xi32, #tpu.memory_space<vmem>>)
        tpu.yield
      }) : () -> ()
      %scan3A_36 = arith.constant 0 : i32
      %scan3A_37 = arith.constant 25 : i32
      %scan3A_38 = arith.addi %scan3A_36, %scan3A_37 : i32
      %scan3A_39 = arith.constant 1 : i32
      %scan3A_40 = scf.for %scan3A_47 = %scan3A_36 to %scan3A_38 step %scan3A_39 iter_args(%scan3A_48 = %scan3A_33) -> (i32)  : i32 {
        %mul3A_49 = arith.constant 5 : i32
        %mul3A_50 = arith.muli %scan3A_47, %mul3A_49 : i32
        %add3A_51 = arith.constant 0 : i32
        %add3A_52 = arith.addi %mul3A_50, %add3A_51 : i32
        %mul3A_53 = arith.constant 16 : i32
        %mul3A_54 = arith.muli %add3A_52, %mul3A_53 : i32
        %get3A = arith.index_cast %mul3A_54 : i32 to index
        %get3A_55 = tpu.vector_load %arg7[%get3A] {strides = array<i32>} : memref<2000xi32, #tpu.memory_space<vmem>>, vector<16xi32>,
        %get3A_56 = arith.index_cast %mul3A_54 : i32 to index
        %get3A_57 = tpu.vector_load %arg8[%get3A_56] {strides = array<i32>} : memref<2000xi32, #tpu.memory_space<vmem>>, vector<16xi32>,
        %ge3A_58 = vector.broadcast %mul3A_2 : i32 to vector<16xi32>
        %ge3A_59 = arith.cmpi sge, %get3A_57, %ge3A_58 : vector<16xi32>
        %add3A_60 = arith.constant 320 : i32
        %add3A_61 = arith.addi %mul3A_2, %add3A_60 : i32
        %lt3A = vector.broadcast %add3A_61 : i32 to vector<16xi32>
        %lt3A_62 = arith.cmpi slt, %get3A_57, %lt3A : vector<16xi32>
        %and3A = arith.andi %ge3A_59, %lt3A_62 : vector<16xi1>
        %swap3A = arith.index_cast %scan3A_48 : i32 to index
        %swap3A_63 = tpu.vector_load %arg9[%swap3A] masked %and3A {strides = array<i32>} : memref<4352xi32, #tpu.memory_space<vmem>>, vector<16xi32>, vector<16xi1>
        tpu.vector_store %arg9[%swap3A], %get3A_55 masked %and3A {strides = array<i32>} : memref<4352xi32, #tpu.memory_space<vmem>>, vector<16xi32>, vector<16xi1>
        %sub3A = vector.broadcast %mul3A_2 : i32 to vector<16xi32>
        %sub3A_64 = arith.subi %get3A_57, %sub3A : vector<16xi32>
        %swap3A_65 = arith.index_cast %scan3A_48 : i32 to index
        %swap3A_66 = tpu.vector_load %arg10[%swap3A_65] masked %and3A {strides = array<i32>} : memref<4352xi32, #tpu.memory_space<vmem>>, vector<16xi32>, vector<16xi1>
        tpu.vector_store %arg10[%swap3A_65], %sub3A_64 masked %and3A {strides = array<i32>} : memref<4352xi32, #tpu.memory_space<vmem>>, vector<16xi32>, vector<16xi1>
        %all_reduce_population_count3A = tpu.all_reduce %and3A {dim = 0 : i64, kind = #tpu.reduction_kind<sum>} : vector<16xi1> -> vector<16xi32>
        %slice3A = vector.extract_strided_slice %all_reduce_population_count3A {offsets = [0], sizes = [1], strides = [1]} : vector<16xi32> to vector<1xi32>
        %squeeze3A = vector.extract %slice3A[0] : i32 from vector<1xi32>
        %add3A_67 = arith.addi %scan3A_48, %squeeze3A : i32
        %mul3A_68 = arith.constant 5 : i32
        %mul3A_69 = arith.muli %scan3A_47, %mul3A_68 : i32
        %add3A_70 = arith.constant 1 : i32
        %add3A_71 = arith.addi %mul3A_69, %add3A_70 : i32
        %mul3A_72 = arith.constant 16 : i32
        %mul3A_73 = arith.muli %add3A_71, %mul3A_72 : i32
        %get3A_74 = arith.index_cast %mul3A_73 : i32 to index
        %get3A_75 = tpu.vector_load %arg7[%get3A_74] {strides = array<i32>} : memref<2000xi32, #tpu.memory_space<vmem>>, vector<16xi32>,
        %get3A_76 = arith.index_cast %mul3A_73 : i32 to index
        %get3A_77 = tpu.vector_load %arg8[%get3A_76] {strides = array<i32>} : memref<2000xi32, #tpu.memory_space<vmem>>, vector<16xi32>,
        %ge3A_78 = vector.broadcast %mul3A_2 : i32 to vector<16xi32>
        %ge3A_79 = arith.cmpi sge, %get3A_77, %ge3A_78 : vector<16xi32>
        %add3A_80 = arith.constant 320 : i32
        %add3A_81 = arith.addi %mul3A_2, %add3A_80 : i32
        %lt3A_82 = vector.broadcast %add3A_81 : i32 to vector<16xi32>
        %lt3A_83 = arith.cmpi slt, %get3A_77, %lt3A_82 : vector<16xi32>
        %and3A_84 = arith.andi %ge3A_79, %lt3A_83 : vector<16xi1>
        %swap3A_85 = arith.index_cast %add3A_67 : i32 to index
        %swap3A_86 = tpu.vector_load %arg9[%swap3A_85] masked %and3A_84 {strides = array<i32>} : memref<4352xi32, #tpu.memory_space<vmem>>, vector<16xi32>, vector<16xi1>
        tpu.vector_store %arg9[%swap3A_85], %get3A_75 masked %and3A_84 {strides = array<i32>} : memref<4352xi32, #tpu.memory_space<vmem>>, vector<16xi32>, vector<16xi1>
        %sub3A_87 = vector.broadcast %mul3A_2 : i32 to vector<16xi32>
        %sub3A_88 = arith.subi %get3A_77, %sub3A_87 : vector<16xi32>
        %swap3A_89 = arith.index_cast %add3A_67 : i32 to index
        %swap3A_90 = tpu.vector_load %arg10[%swap3A_89] masked %and3A_84 {strides = array<i32>} : memref<4352xi32, #tpu.memory_space<vmem>>, vector<16xi32>, vector<16xi1>
        tpu.vector_store %arg10[%swap3A_89], %sub3A_88 masked %and3A_84 {strides = array<i32>} : memref<4352xi32, #tpu.memory_space<vmem>>, vector<16xi32>, vector<16xi1>
        %all_reduce_population_count3A_91 = tpu.all_reduce %and3A_84 {dim = 0 : i64, kind = #tpu.reduction_kind<sum>} : vector<16xi1> -> vector<16xi32>
        %slice3A_92 = vector.extract_strided_slice %all_reduce_population_count3A_91 {offsets = [0], sizes = [1], strides = [1]} : vector<16xi32> to vector<1xi32>
        %squeeze3A_93 = vector.extract %slice3A_92[0] : i32 from vector<1xi32>
        %add3A_94 = arith.addi %add3A_67, %squeeze3A_93 : i32
        %mul3A_95 = arith.constant 5 : i32
        %mul3A_96 = arith.muli %scan3A_47, %mul3A_95 : i32
        %add3A_97 = arith.constant 2 : i32
        %add3A_98 = arith.addi %mul3A_96, %add3A_97 : i32
        %mul3A_99 = arith.constant 16 : i32
        %mul3A_100 = arith.muli %add3A_98, %mul3A_99 : i32
        %get3A_101 = arith.index_cast %mul3A_100 : i32 to index
        %get3A_102 = tpu.vector_load %arg7[%get3A_101] {strides = array<i32>} : memref<2000xi32, #tpu.memory_space<vmem>>, vector<16xi32>,
        %get3A_103 = arith.index_cast %mul3A_100 : i32 to index
        %get3A_104 = tpu.vector_load %arg8[%get3A_103] {strides = array<i32>} : memref<2000xi32, #tpu.memory_space<vmem>>, vector<16xi32>,
        %ge3A_105 = vector.broadcast %mul3A_2 : i32 to vector<16xi32>
        %ge3A_106 = arith.cmpi sge, %get3A_104, %ge3A_105 : vector<16xi32>
        %add3A_107 = arith.constant 320 : i32
        %add3A_108 = arith.addi %mul3A_2, %add3A_107 : i32
        %lt3A_109 = vector.broadcast %add3A_108 : i32 to vector<16xi32>
        %lt3A_110 = arith.cmpi slt, %get3A_104, %lt3A_109 : vector<16xi32>
        %and3A_111 = arith.andi %ge3A_106, %lt3A_110 : vector<16xi1>
        %swap3A_112 = arith.index_cast %add3A_94 : i32 to index
        %swap3A_113 = tpu.vector_load %arg9[%swap3A_112] masked %and3A_111 {strides = array<i32>} : memref<4352xi32, #tpu.memory_space<vmem>>, vector<16xi32>, vector<16xi1>
        tpu.vector_store %arg9[%swap3A_112], %get3A_102 masked %and3A_111 {strides = array<i32>} : memref<4352xi32, #tpu.memory_space<vmem>>, vector<16xi32>, vector<16xi1>
        %sub3A_114 = vector.broadcast %mul3A_2 : i32 to vector<16xi32>
        %sub3A_115 = arith.subi %get3A_104, %sub3A_114 : vector<16xi32>
        %swap3A_116 = arith.index_cast %add3A_94 : i32 to index
        %swap3A_117 = tpu.vector_load %arg10[%swap3A_116] masked %and3A_111 {strides = array<i32>} : memref<4352xi32, #tpu.memory_space<vmem>>, vector<16xi32>, vector<16xi1>
        tpu.vector_store %arg10[%swap3A_116], %sub3A_115 masked %and3A_111 {strides = array<i32>} : memref<4352xi32, #tpu.memory_space<vmem>>, vector<16xi32>, vector<16xi1>
        %all_reduce_population_count3A_118 = tpu.all_reduce %and3A_111 {dim = 0 : i64, kind = #tpu.reduction_kind<sum>} : vector<16xi1> -> vector<16xi32>
        %slice3A_119 = vector.extract_strided_slice %all_reduce_population_count3A_118 {offsets = [0], sizes = [1], strides = [1]} : vector<16xi32> to vector<1xi32>
        %squeeze3A_120 = vector.extract %slice3A_119[0] : i32 from vector<1xi32>
        %add3A_121 = arith.addi %add3A_94, %squeeze3A_120 : i32
        %mul3A_122 = arith.constant 5 : i32
        %mul3A_123 = arith.muli %scan3A_47, %mul3A_122 : i32
        %add3A_124 = arith.constant 3 : i32
        %add3A_125 = arith.addi %mul3A_123, %add3A_124 : i32
        %mul3A_126 = arith.constant 16 : i32
        %mul3A_127 = arith.muli %add3A_125, %mul3A_126 : i32
        %get3A_128 = arith.index_cast %mul3A_127 : i32 to index
        %get3A_129 = tpu.vector_load %arg7[%get3A_128] {strides = array<i32>} : memref<2000xi32, #tpu.memory_space<vmem>>, vector<16xi32>,
        %get3A_130 = arith.index_cast %mul3A_127 : i32 to index
        %get3A_131 = tpu.vector_load %arg8[%get3A_130] {strides = array<i32>} : memref<2000xi32, #tpu.memory_space<vmem>>, vector<16xi32>,
        %ge3A_132 = vector.broadcast %mul3A_2 : i32 to vector<16xi32>
        %ge3A_133 = arith.cmpi sge, %get3A_131, %ge3A_132 : vector<16xi32>
        %add3A_134 = arith.constant 320 : i32
        %add3A_135 = arith.addi %mul3A_2, %add3A_134 : i32
        %lt3A_136 = vector.broadcast %add3A_135 : i32 to vector<16xi32>
        %lt3A_137 = arith.cmpi slt, %get3A_131, %lt3A_136 : vector<16xi32>
        %and3A_138 = arith.andi %ge3A_133, %lt3A_137 : vector<16xi1>
        %swap3A_139 = arith.index_cast %add3A_121 : i32 to index
        %swap3A_140 = tpu.vector_load %arg9[%swap3A_139] masked %and3A_138 {strides = array<i32>} : memref<4352xi32, #tpu.memory_space<vmem>>, vector<16xi32>, vector<16xi1>
        tpu.vector_store %arg9[%swap3A_139], %get3A_129 masked %and3A_138 {strides = array<i32>} : memref<4352xi32, #tpu.memory_space<vmem>>, vector<16xi32>, vector<16xi1>
        %sub3A_141 = vector.broadcast %mul3A_2 : i32 to vector<16xi32>
        %sub3A_142 = arith.subi %get3A_131, %sub3A_141 : vector<16xi32>
        %swap3A_143 = arith.index_cast %add3A_121 : i32 to index
        %swap3A_144 = tpu.vector_load %arg10[%swap3A_143] masked %and3A_138 {strides = array<i32>} : memref<4352xi32, #tpu.memory_space<vmem>>, vector<16xi32>, vector<16xi1>
        tpu.vector_store %arg10[%swap3A_143], %sub3A_142 masked %and3A_138 {strides = array<i32>} : memref<4352xi32, #tpu.memory_space<vmem>>, vector<16xi32>, vector<16xi1>
        %all_reduce_population_count3A_145 = tpu.all_reduce %and3A_138 {dim = 0 : i64, kind = #tpu.reduction_kind<sum>} : vector<16xi1> -> vector<16xi32>
        %slice3A_146 = vector.extract_strided_slice %all_reduce_population_count3A_145 {offsets = [0], sizes = [1], strides = [1]} : vector<16xi32> to vector<1xi32>
        %squeeze3A_147 = vector.extract %slice3A_146[0] : i32 from vector<1xi32>
        %add3A_148 = arith.addi %add3A_121, %squeeze3A_147 : i32
        %mul3A_149 = arith.constant 5 : i32
        %mul3A_150 = arith.muli %scan3A_47, %mul3A_149 : i32
        %add3A_151 = arith.constant 4 : i32
        %add3A_152 = arith.addi %mul3A_150, %add3A_151 : i32
        %mul3A_153 = arith.constant 16 : i32
        %mul3A_154 = arith.muli %add3A_152, %mul3A_153 : i32
        %get3A_155 = arith.index_cast %mul3A_154 : i32 to index
        %get3A_156 = tpu.vector_load %arg7[%get3A_155] {strides = array<i32>} : memref<2000xi32, #tpu.memory_space<vmem>>, vector<16xi32>,
        %get3A_157 = arith.index_cast %mul3A_154 : i32 to index
        %get3A_158 = tpu.vector_load %arg8[%get3A_157] {strides = array<i32>} : memref<2000xi32, #tpu.memory_space<vmem>>, vector<16xi32>,
        %ge3A_159 = vector.broadcast %mul3A_2 : i32 to vector<16xi32>
        %ge3A_160 = arith.cmpi sge, %get3A_158, %ge3A_159 : vector<16xi32>
        %add3A_161 = arith.constant 320 : i32
        %add3A_162 = arith.addi %mul3A_2, %add3A_161 : i32
        %lt3A_163 = vector.broadcast %add3A_162 : i32 to vector<16xi32>
        %lt3A_164 = arith.cmpi slt, %get3A_158, %lt3A_163 : vector<16xi32>
        %and3A_165 = arith.andi %ge3A_160, %lt3A_164 : vector<16xi1>
        %swap3A_166 = arith.index_cast %add3A_148 : i32 to index
        %swap3A_167 = tpu.vector_load %arg9[%swap3A_166] masked %and3A_165 {strides = array<i32>} : memref<4352xi32, #tpu.memory_space<vmem>>, vector<16xi32>, vector<16xi1>
        tpu.vector_store %arg9[%swap3A_166], %get3A_156 masked %and3A_165 {strides = array<i32>} : memref<4352xi32, #tpu.memory_space<vmem>>, vector<16xi32>, vector<16xi1>
        %sub3A_168 = vector.broadcast %mul3A_2 : i32 to vector<16xi32>
        %sub3A_169 = arith.subi %get3A_158, %sub3A_168 : vector<16xi32>
        %swap3A_170 = arith.index_cast %add3A_148 : i32 to index
        %swap3A_171 = tpu.vector_load %arg10[%swap3A_170] masked %and3A_165 {strides = array<i32>} : memref<4352xi32, #tpu.memory_space<vmem>>, vector<16xi32>, vector<16xi1>
        tpu.vector_store %arg10[%swap3A_170], %sub3A_169 masked %and3A_165 {strides = array<i32>} : memref<4352xi32, #tpu.memory_space<vmem>>, vector<16xi32>, vector<16xi1>
        %all_reduce_population_count3A_172 = tpu.all_reduce %and3A_165 {dim = 0 : i64, kind = #tpu.reduction_kind<sum>} : vector<16xi1> -> vector<16xi32>
        %slice3A_173 = vector.extract_strided_slice %all_reduce_population_count3A_172 {offsets = [0], sizes = [1], strides = [1]} : vector<16xi32> to vector<1xi32>
        %squeeze3A_174 = vector.extract %slice3A_173[0] : i32 from vector<1xi32>
        %add3A_175 = arith.addi %add3A_148, %squeeze3A_174 : i32
        scf.yield %add3A_175 : i32
      }
      %scan3A_41 = arith.constant 25 : i32
      %ge3A = arith.constant 2208 : i32
      %ge3A_42 = arith.cmpi sge, %scan3A_40, %ge3A : i32
      %convert_element_type3A_43 = arith.extui %ge3A_42 : i1 to i32
      %cond3A_44 = arith.constant 0 : i32
      %cond3A_45 = arith.cmpi ne, %convert_element_type3A_43, %cond3A_44 : i32
      %cond3A_46 = scf.if %cond3A_45 -> (i32) {
        %add3A_47 = arith.constant 0 : i32
        %add3A_48 = arith.addi %scan3A_40, %add3A_47 : i32
        %swap3A = arith.index_cast %add3A_48 : i32 to index
        %swap3A_49 = tpu.vector_load %arg9[%swap3A] {strides = array<i32>} : memref<4352xi32, #tpu.memory_space<vmem>>, vector<16xi32>,
        tpu.vector_store %arg9[%swap3A], %broadcast_in_dim3A_12 {strides = array<i32>} : memref<4352xi32, #tpu.memory_space<vmem>>, vector<16xi32>,
        %add3A_50 = arith.constant 0 : i32
        %add3A_51 = arith.addi %scan3A_40, %add3A_50 : i32
        %swap3A_52 = arith.index_cast %add3A_51 : i32 to index
        %swap3A_53 = tpu.vector_load %arg10[%swap3A_52] {strides = array<i32>} : memref<4352xi32, #tpu.memory_space<vmem>>, vector<16xi32>,
        tpu.vector_store %arg10[%swap3A_52], %broadcast_in_dim3A_14 {strides = array<i32>} : memref<4352xi32, #tpu.memory_space<vmem>>, vector<16xi32>,
        %add3A_54 = arith.constant 16 : i32
        %add3A_55 = arith.addi %scan3A_40, %add3A_54 : i32
        %swap3A_56 = arith.index_cast %add3A_55 : i32 to index
        %swap3A_57 = tpu.vector_load %arg9[%swap3A_56] {strides = array<i32>} : memref<4352xi32, #tpu.memory_space<vmem>>, vector<16xi32>,
        tpu.vector_store %arg9[%swap3A_56], %broadcast_in_dim3A_12 {strides = array<i32>} : memref<4352xi32, #tpu.memory_space<vmem>>, vector<16xi32>,
        %add3A_58 = arith.constant 16 : i32
        %add3A_59 = arith.addi %scan3A_40, %add3A_58 : i32
        %swap3A_60 = arith.index_cast %add3A_59 : i32 to index
        %swap3A_61 = tpu.vector_load %arg10[%swap3A_60] {strides = array<i32>} : memref<4352xi32, #tpu.memory_space<vmem>>, vector<16xi32>,
        tpu.vector_store %arg10[%swap3A_60], %broadcast_in_dim3A_14 {strides = array<i32>} : memref<4352xi32, #tpu.memory_space<vmem>>, vector<16xi32>,
        %add3A_62 = arith.constant 32 : i32
        %add3A_63 = arith.addi %scan3A_40, %add3A_62 : i32
        %swap3A_64 = arith.index_cast %add3A_63 : i32 to index
        %swap3A_65 = tpu.vector_load %arg9[%swap3A_64] {strides = array<i32>} : memref<4352xi32, #tpu.memory_space<vmem>>, vector<16xi32>,
        tpu.vector_store %arg9[%swap3A_64], %broadcast_in_dim3A_12 {strides = array<i32>} : memref<4352xi32, #tpu.memory_space<vmem>>, vector<16xi32>,
        %add3A_66 = arith.constant 32 : i32
        %add3A_67 = arith.addi %scan3A_40, %add3A_66 : i32
        %swap3A_68 = arith.index_cast %add3A_67 : i32 to index
        %swap3A_69 = tpu.vector_load %arg10[%swap3A_68] {strides = array<i32>} : memref<4352xi32, #tpu.memory_space<vmem>>, vector<16xi32>,
        tpu.vector_store %arg10[%swap3A_68], %broadcast_in_dim3A_14 {strides = array<i32>} : memref<4352xi32, #tpu.memory_space<vmem>>, vector<16xi32>,
        %add3A_70 = arith.constant 48 : i32
        %add3A_71 = arith.addi %scan3A_40, %add3A_70 : i32
        %swap3A_72 = arith.index_cast %add3A_71 : i32 to index
        %swap3A_73 = tpu.vector_load %arg9[%swap3A_72] {strides = array<i32>} : memref<4352xi32, #tpu.memory_space<vmem>>, vector<16xi32>,
        tpu.vector_store %arg9[%swap3A_72], %broadcast_in_dim3A_12 {strides = array<i32>} : memref<4352xi32, #tpu.memory_space<vmem>>, vector<16xi32>,
        %add3A_74 = arith.constant 48 : i32
        %add3A_75 = arith.addi %scan3A_40, %add3A_74 : i32
        %swap3A_76 = arith.index_cast %add3A_75 : i32 to index
        %swap3A_77 = tpu.vector_load %arg10[%swap3A_76] {strides = array<i32>} : memref<4352xi32, #tpu.memory_space<vmem>>, vector<16xi32>,
        tpu.vector_store %arg10[%swap3A_76], %broadcast_in_dim3A_14 {strides = array<i32>} : memref<4352xi32, #tpu.memory_space<vmem>>, vector<16xi32>,
        %add3A_78 = arith.constant 64 : i32
        %add3A_79 = arith.addi %scan3A_40, %add3A_78 : i32
        %swap3A_80 = arith.index_cast %add3A_79 : i32 to index
        %swap3A_81 = tpu.vector_load %arg9[%swap3A_80] {strides = array<i32>} : memref<4352xi32, #tpu.memory_space<vmem>>, vector<16xi32>,
        tpu.vector_store %arg9[%swap3A_80], %broadcast_in_dim3A_12 {strides = array<i32>} : memref<4352xi32, #tpu.memory_space<vmem>>, vector<16xi32>,
        %add3A_82 = arith.constant 64 : i32
        %add3A_83 = arith.addi %scan3A_40, %add3A_82 : i32
        %swap3A_84 = arith.index_cast %add3A_83 : i32 to index
        %swap3A_85 = tpu.vector_load %arg10[%swap3A_84] {strides = array<i32>} : memref<4352xi32, #tpu.memory_space<vmem>>, vector<16xi32>,
        tpu.vector_store %arg10[%swap3A_84], %broadcast_in_dim3A_14 {strides = array<i32>} : memref<4352xi32, #tpu.memory_space<vmem>>, vector<16xi32>,
        %add3A_86 = arith.constant 55 : i32
        %add3A_87 = arith.addi %scan3A_40, %add3A_86 : i32
        %jit3A = arith.constant 56 : i32
        %div3A = arith.divsi %add3A_87, %jit3A : i32
        %sign3A = arith.constant 0 : i32
        %sign3A_88 = arith.cmpi sgt, %add3A_87, %sign3A : i32
        %sign3A_89 = arith.extui %sign3A_88 : i1 to i32
        %sign3A_90 = arith.constant 0 : i32
        %sign3A_91 = arith.cmpi slt, %add3A_87, %sign3A_90 : i32
        %sign3A_92 = arith.extui %sign3A_91 : i1 to i32
        %sign3A_93 = arith.subi %sign3A_89, %sign3A_92 : i32
        %sign3A_94 = arith.constant 0 : i32
        %sign3A_95 = arith.cmpi sgt, %jit3A, %sign3A_94 : i32
        %sign3A_96 = arith.extui %sign3A_95 : i1 to i32
        %sign3A_97 = arith.constant 0 : i32
        %sign3A_98 = arith.cmpi slt, %jit3A, %sign3A_97 : i32
        %sign3A_99 = arith.extui %sign3A_98 : i1 to i32
        %sign3A_100 = arith.subi %sign3A_96, %sign3A_99 : i32
        %ne3A = arith.cmpi ne, %sign3A_93, %sign3A_100 : i32
        %rem3A = arith.remsi %add3A_87, %jit3A : i32
        %ne3A_101 = arith.constant 0 : i32
        %ne3A_102 = arith.cmpi ne, %rem3A, %ne3A_101 : i32
        %and3A = arith.andi %ne3A, %ne3A_102 : i1
        %sub3A = arith.constant 1 : i32
        %sub3A_103 = arith.subi %div3A, %sub3A : i32
        %select_n3A = arith.select %and3A, %sub3A_103, %div3A : i32
        %dma_start3A = arith.constant 0 : i32
        %dma_start3A_104 = arith.constant 0 : i32
        %dma_start3A_105 = arith.constant 0 : i32
        %dma_start3A_106 = tpu.memref_slice %arg11[%dma_start3A, %dma_start3A_104, %dma_start3A_105] : memref<2x56x256xf32, #tpu.memory_space<vmem>> -> memref<1x56x256xf32, #tpu.memory_space<vmem>>
        %dma_start3A_107 = tpu.memref_squeeze %dma_start3A_106 : memref<1x56x256xf32, #tpu.memory_space<vmem>> -> memref<56x256xf32, #tpu.memory_space<vmem>>
        %dma_start3A_108 = arith.constant 0 : i32
        %dma_start3A_109 = tpu.memref_slice %arg9[%dma_start3A_108] : memref<4352xi32, #tpu.memory_space<vmem>> -> memref<56xi32, #tpu.memory_space<vmem>>
        %dma_start3A_110 = arith.constant 0 : i32
        %dma_start3A_111 = arith.constant 0 : i32
        %dma_start3A_112 = tpu.memref_slice %arg2[%dma_start3A_110, %dma_start3A_111] : memref<10000x256xf32, #tpu.memory_space<hbm>> -> memref<10000x256xf32, #tpu.memory_space<hbm>>
        tpu.enqueue_indirect_dma source(%dma_start3A_112 : memref<10000x256xf32, #tpu.memory_space<hbm>>) target(%dma_start3A_107 : memref<56x256xf32, #tpu.memory_space<vmem>>) offsets(%dma_start3A_109 : memref<56xi32, #tpu.memory_space<vmem>>) semaphore(%arg12 : memref<!tpu.dma_semaphore, #tpu.memory_space<semaphore_mem>>)
        %while3A = arith.constant 0 : i32
        %while3A_113 = arith.constant 0 : i32
        %while3A_114 = arith.subi %select_n3A, %while3A : i32
        %while3A_115 = arith.addi %while3A, %while3A_114 : i32
        %while3A_116 = arith.constant 1 : i32
        %while3A_117 = arith.divsi %while3A_114, %while3A_116 : i32
        %while3A_118 = arith.muli %while3A_117, %while3A_116 : i32
        %while3A_119 = arith.addi %while3A, %while3A_118 : i32
        %while3A_120 = arith.constant 1 : i32
        %while3A_121 = scf.for %while3A_125 = %while3A to %while3A_119 step %while3A_120 iter_args(%while3A_126 = %while3A_113) -> (i32)  : i32 {
          %and3A_127 = arith.constant 1 : i32
          %and3A_128 = arith.andi %while3A_125, %and3A_127 : i32
          %dma_wait3A = arith.constant 0 : i32
          %dma_wait3A_129 = arith.constant 0 : i32
          %dma_wait3A_130 = tpu.memref_slice %arg11[%and3A_128, %dma_wait3A, %dma_wait3A_129] : memref<2x56x256xf32, #tpu.memory_space<vmem>> -> memref<1x56x256xf32, #tpu.memory_space<vmem>>
          %dma_wait3A_131 = tpu.memref_squeeze %dma_wait3A_130 : memref<1x56x256xf32, #tpu.memory_space<vmem>> -> memref<56x256xf32, #tpu.memory_space<vmem>>
          %dma_wait3A_132 = arith.constant 0 : i32
          %dma_wait3A_133 = tpu.memref_slice %arg9[%dma_wait3A_132] : memref<4352xi32, #tpu.memory_space<vmem>> -> memref<56xi32, #tpu.memory_space<vmem>>
          %dma_wait3A_134 = arith.constant 0 : i32
          %dma_wait3A_135 = arith.constant 0 : i32
          %dma_wait3A_136 = tpu.memref_slice %arg2[%dma_wait3A_134, %dma_wait3A_135] : memref<10000x256xf32, #tpu.memory_space<hbm>> -> memref<10000x256xf32, #tpu.memory_space<hbm>>
          tpu.wait_indirect_dma semaphore(%arg12 : memref<!tpu.dma_semaphore, #tpu.memory_space<semaphore_mem>>) src(%dma_wait3A_136 : memref<10000x256xf32, #tpu.memory_space<hbm>>) dst(%dma_wait3A_131 : memref<56x256xf32, #tpu.memory_space<vmem>>)
          %add3A_137 = arith.constant 1 : i32
          %add3A_138 = arith.addi %while3A_125, %add3A_137 : i32
          %lt3A = arith.cmpi slt, %add3A_138, %select_n3A : i32
          %convert_element_type3A_139 = arith.extui %lt3A : i1 to i32
          %cond3A_140 = arith.constant 0 : i32
          %cond3A_141 = arith.cmpi ne, %convert_element_type3A_139, %cond3A_140 : i32
          scf.if %cond3A_141 {
            %add3A_152 = arith.constant 1 : i32
            %add3A_153 = arith.addi %while3A_125, %add3A_152 : i32
            %mul3A_154 = arith.constant 56 : i32
            %mul3A_155 = arith.muli %add3A_153, %mul3A_154 : i32
            %sub3A_156 = arith.constant 1 : i32
            %sub3A_157 = arith.subi %sub3A_156, %and3A_128 : i32
            %dma_start3A_158 = arith.constant 0 : i32
            %dma_start3A_159 = arith.constant 0 : i32
            %dma_start3A_160 = tpu.memref_slice %arg11[%sub3A_157, %dma_start3A_158, %dma_start3A_159] : memref<2x56x256xf32, #tpu.memory_space<vmem>> -> memref<1x56x256xf32, #tpu.memory_space<vmem>>
            %dma_start3A_161 = tpu.memref_squeeze %dma_start3A_160 : memref<1x56x256xf32, #tpu.memory_space<vmem>> -> memref<56x256xf32, #tpu.memory_space<vmem>>
            %dma_start3A_162 = tpu.memref_slice %arg9[%mul3A_155] : memref<4352xi32, #tpu.memory_space<vmem>> -> memref<56xi32, #tpu.memory_space<vmem>>
            %dma_start3A_163 = arith.constant 0 : i32
            %dma_start3A_164 = arith.constant 0 : i32
            %dma_start3A_165 = tpu.memref_slice %arg2[%dma_start3A_163, %dma_start3A_164] : memref<10000x256xf32, #tpu.memory_space<hbm>> -> memref<10000x256xf32, #tpu.memory_space<hbm>>
            tpu.enqueue_indirect_dma source(%dma_start3A_165 : memref<10000x256xf32, #tpu.memory_space<hbm>>) target(%dma_start3A_161 : memref<56x256xf32, #tpu.memory_space<vmem>>) offsets(%dma_start3A_162 : memref<56xi32, #tpu.memory_space<vmem>>) semaphore(%arg12 : memref<!tpu.dma_semaphore, #tpu.memory_space<semaphore_mem>>)
          } else {
          }
          %mul3A_142 = arith.constant 56 : i32
          %mul3A_143 = arith.muli %while3A_125, %mul3A_142 : i32
          %scan3A_144 = arith.constant 0 : i32
          %scan3A_145 = arith.constant 0 : i32
          %scan3A_146 = arith.constant 56 : i32
          %scan3A_147 = arith.addi %scan3A_145, %scan3A_146 : i32
          %scan3A_148 = arith.constant 1 : i32
          %scan3A_149 = scf.for %scan3A_152 = %scan3A_145 to %scan3A_147 step %scan3A_148 iter_args(%scan3A_153 = %scan3A_144) -> (i32)  : i32 {
            %add3A_154 = arith.addi %mul3A_143, %scan3A_152 : i32
            %get3A = arith.index_cast %add3A_154 : i32 to index
            %get3A_155 = tpu.vector_load %arg10[%get3A] {strides = array<i32>} : memref<4352xi32, #tpu.memory_space<vmem>>, vector<16xi32>,
            %slice3A = vector.extract_strided_slice %get3A_155 {offsets = [0], sizes = [1], strides = [1]} : vector<16xi32> to vector<1xi32>
            %squeeze3A = vector.extract %slice3A[0] : i32 from vector<1xi32>
            %get3A_156 = arith.index_cast %squeeze3A : i32 to index
            %get3A_157 = arith.constant 0 : index
            %get3A_158 = tpu.vector_load %arg6[%get3A_156, %get3A_157] {strides = array<i32>} : memref<328x256xf32, #tpu.memory_space<vmem>>, vector<16xf32>,
            %get3A_159 = arith.index_cast %and3A_128 : i32 to index
            %get3A_160 = arith.index_cast %scan3A_152 : i32 to index
            %get3A_161 = arith.constant 0 : index
            %get3A_162 = tpu.vector_load %arg11[%get3A_159, %get3A_160, %get3A_161] {strides = array<i32>} : memref<2x56x256xf32, #tpu.memory_space<vmem>>, vector<16xf32>,
            %max3A = arith.maximumf %get3A_158, %get3A_162 : vector<16xf32>
            %swap3A_163 = arith.index_cast %squeeze3A : i32 to index
            %swap3A_164 = arith.constant 0 : index
            %swap3A_165 = tpu.vector_load %arg6[%swap3A_163, %swap3A_164] {strides = array<i32>} : memref<328x256xf32, #tpu.memory_space<vmem>>, vector<16xf32>,
            tpu.vector_store %arg6[%swap3A_163, %swap3A_164], %max3A {strides = array<i32>} : memref<328x256xf32, #tpu.memory_space<vmem>>, vector<16xf32>,
            %get3A_166 = arith.index_cast %squeeze3A : i32 to index
            %get3A_167 = arith.constant 16 : index
            %get3A_168 = tpu.vector_load %arg6[%get3A_166, %get3A_167] {strides = array<i32>} : memref<328x256xf32, #tpu.memory_space<vmem>>, vector<16xf32>,
            %get3A_169 = arith.index_cast %and3A_128 : i32 to index
            %get3A_170 = arith.index_cast %scan3A_152 : i32 to index
            %get3A_171 = arith.constant 16 : index
            %get3A_172 = tpu.vector_load %arg11[%get3A_169, %get3A_170, %get3A_171] {strides = array<i32>} : memref<2x56x256xf32, #tpu.memory_space<vmem>>, vector<16xf32>,
            %max3A_173 = arith.maximumf %get3A_168, %get3A_172 : vector<16xf32>
            %swap3A_174 = arith.index_cast %squeeze3A : i32 to index
            %swap3A_175 = arith.constant 16 : index
            %swap3A_176 = tpu.vector_load %arg6[%swap3A_174, %swap3A_175] {strides = array<i32>} : memref<328x256xf32, #tpu.memory_space<vmem>>, vector<16xf32>,
            tpu.vector_store %arg6[%swap3A_174, %swap3A_175], %max3A_173 {strides = array<i32>} : memref<328x256xf32, #tpu.memory_space<vmem>>, vector<16xf32>,
            %get3A_177 = arith.index_cast %squeeze3A : i32 to index
            %get3A_178 = arith.constant 32 : index
            %get3A_179 = tpu.vector_load %arg6[%get3A_177, %get3A_178] {strides = array<i32>} : memref<328x256xf32, #tpu.memory_space<vmem>>, vector<16xf32>,
            %get3A_180 = arith.index_cast %and3A_128 : i32 to index
            %get3A_181 = arith.index_cast %scan3A_152 : i32 to index
            %get3A_182 = arith.constant 32 : index
            %get3A_183 = tpu.vector_load %arg11[%get3A_180, %get3A_181, %get3A_182] {strides = array<i32>} : memref<2x56x256xf32, #tpu.memory_space<vmem>>, vector<16xf32>,
            %max3A_184 = arith.maximumf %get3A_179, %get3A_183 : vector<16xf32>
            %swap3A_185 = arith.index_cast %squeeze3A : i32 to index
            %swap3A_186 = arith.constant 32 : index
            %swap3A_187 = tpu.vector_load %arg6[%swap3A_185, %swap3A_186] {strides = array<i32>} : memref<328x256xf32, #tpu.memory_space<vmem>>, vector<16xf32>,
            tpu.vector_store %arg6[%swap3A_185, %swap3A_186], %max3A_184 {strides = array<i32>} : memref<328x256xf32, #tpu.memory_space<vmem>>, vector<16xf32>,
            %get3A_188 = arith.index_cast %squeeze3A : i32 to index
            %get3A_189 = arith.constant 48 : index
            %get3A_190 = tpu.vector_load %arg6[%get3A_188, %get3A_189] {strides = array<i32>} : memref<328x256xf32, #tpu.memory_space<vmem>>, vector<16xf32>,
            %get3A_191 = arith.index_cast %and3A_128 : i32 to index
            %get3A_192 = arith.index_cast %scan3A_152 : i32 to index
            %get3A_193 = arith.constant 48 : index
            %get3A_194 = tpu.vector_load %arg11[%get3A_191, %get3A_192, %get3A_193] {strides = array<i32>} : memref<2x56x256xf32, #tpu.memory_space<vmem>>, vector<16xf32>,
            %max3A_195 = arith.maximumf %get3A_190, %get3A_194 : vector<16xf32>
            %swap3A_196 = arith.index_cast %squeeze3A : i32 to index
            %swap3A_197 = arith.constant 48 : index
            %swap3A_198 = tpu.vector_load %arg6[%swap3A_196, %swap3A_197] {strides = array<i32>} : memref<328x256xf32, #tpu.memory_space<vmem>>, vector<16xf32>,
            tpu.vector_store %arg6[%swap3A_196, %swap3A_197], %max3A_195 {strides = array<i32>} : memref<328x256xf32, #tpu.memory_space<vmem>>, vector<16xf32>,
            %get3A_199 = arith.index_cast %squeeze3A : i32 to index
            %get3A_200 = arith.constant 64 : index
            %get3A_201 = tpu.vector_load %arg6[%get3A_199, %get3A_200] {strides = array<i32>} : memref<328x256xf32, #tpu.memory_space<vmem>>, vector<16xf32>,
            %get3A_202 = arith.index_cast %and3A_128 : i32 to index
            %get3A_203 = arith.index_cast %scan3A_152 : i32 to index
            %get3A_204 = arith.constant 64 : index
            %get3A_205 = tpu.vector_load %arg11[%get3A_202, %get3A_203, %get3A_204] {strides = array<i32>} : memref<2x56x256xf32, #tpu.memory_space<vmem>>, vector<16xf32>,
            %max3A_206 = arith.maximumf %get3A_201, %get3A_205 : vector<16xf32>
            %swap3A_207 = arith.index_cast %squeeze3A : i32 to index
            %swap3A_208 = arith.constant 64 : index
            %swap3A_209 = tpu.vector_load %arg6[%swap3A_207, %swap3A_208] {strides = array<i32>} : memref<328x256xf32, #tpu.memory_space<vmem>>, vector<16xf32>,
            tpu.vector_store %arg6[%swap3A_207, %swap3A_208], %max3A_206 {strides = array<i32>} : memref<328x256xf32, #tpu.memory_space<vmem>>, vector<16xf32>,
            %get3A_210 = arith.index_cast %squeeze3A : i32 to index
            %get3A_211 = arith.constant 80 : index
            %get3A_212 = tpu.vector_load %arg6[%get3A_210, %get3A_211] {strides = array<i32>} : memref<328x256xf32, #tpu.memory_space<vmem>>, vector<16xf32>,
            %get3A_213 = arith.index_cast %and3A_128 : i32 to index
            %get3A_214 = arith.index_cast %scan3A_152 : i32 to index
            %get3A_215 = arith.constant 80 : index
            %get3A_216 = tpu.vector_load %arg11[%get3A_213, %get3A_214, %get3A_215] {strides = array<i32>} : memref<2x56x256xf32, #tpu.memory_space<vmem>>, vector<16xf32>,
            %max3A_217 = arith.maximumf %get3A_212, %get3A_216 : vector<16xf32>
            %swap3A_218 = arith.index_cast %squeeze3A : i32 to index
            %swap3A_219 = arith.constant 80 : index
            %swap3A_220 = tpu.vector_load %arg6[%swap3A_218, %swap3A_219] {strides = array<i32>} : memref<328x256xf32, #tpu.memory_space<vmem>>, vector<16xf32>,
            tpu.vector_store %arg6[%swap3A_218, %swap3A_219], %max3A_217 {strides = array<i32>} : memref<328x256xf32, #tpu.memory_space<vmem>>, vector<16xf32>,
            %get3A_221 = arith.index_cast %squeeze3A : i32 to index
            %get3A_222 = arith.constant 96 : index
            %get3A_223 = tpu.vector_load %arg6[%get3A_221, %get3A_222] {strides = array<i32>} : memref<328x256xf32, #tpu.memory_space<vmem>>, vector<16xf32>,
            %get3A_224 = arith.index_cast %and3A_128 : i32 to index
            %get3A_225 = arith.index_cast %scan3A_152 : i32 to index
            %get3A_226 = arith.constant 96 : index
            %get3A_227 = tpu.vector_load %arg11[%get3A_224, %get3A_225, %get3A_226] {strides = array<i32>} : memref<2x56x256xf32, #tpu.memory_space<vmem>>, vector<16xf32>,
            %max3A_228 = arith.maximumf %get3A_223, %get3A_227 : vector<16xf32>
            %swap3A_229 = arith.index_cast %squeeze3A : i32 to index
            %swap3A_230 = arith.constant 96 : index
            %swap3A_231 = tpu.vector_load %arg6[%swap3A_229, %swap3A_230] {strides = array<i32>} : memref<328x256xf32, #tpu.memory_space<vmem>>, vector<16xf32>,
            tpu.vector_store %arg6[%swap3A_229, %swap3A_230], %max3A_228 {strides = array<i32>} : memref<328x256xf32, #tpu.memory_space<vmem>>, vector<16xf32>,
            %get3A_232 = arith.index_cast %squeeze3A : i32 to index
            %get3A_233 = arith.constant 112 : index
            %get3A_234 = tpu.vector_load %arg6[%get3A_232, %get3A_233] {strides = array<i32>} : memref<328x256xf32, #tpu.memory_space<vmem>>, vector<16xf32>,
            %get3A_235 = arith.index_cast %and3A_128 : i32 to index
            %get3A_236 = arith.index_cast %scan3A_152 : i32 to index
            %get3A_237 = arith.constant 112 : index
            %get3A_238 = tpu.vector_load %arg11[%get3A_235, %get3A_236, %get3A_237] {strides = array<i32>} : memref<2x56x256xf32, #tpu.memory_space<vmem>>, vector<16xf32>,
            %max3A_239 = arith.maximumf %get3A_234, %get3A_238 : vector<16xf32>
            %swap3A_240 = arith.index_cast %squeeze3A : i32 to index
            %swap3A_241 = arith.constant 112 : index
            %swap3A_242 = tpu.vector_load %arg6[%swap3A_240, %swap3A_241] {strides = array<i32>} : memref<328x256xf32, #tpu.memory_space<vmem>>, vector<16xf32>,
            tpu.vector_store %arg6[%swap3A_240, %swap3A_241], %max3A_239 {strides = array<i32>} : memref<328x256xf32, #tpu.memory_space<vmem>>, vector<16xf32>,
            %get3A_243 = arith.index_cast %squeeze3A : i32 to index
            %get3A_244 = arith.constant 128 : index
            %get3A_245 = tpu.vector_load %arg6[%get3A_243, %get3A_244] {strides = array<i32>} : memref<328x256xf32, #tpu.memory_space<vmem>>, vector<16xf32>,
            %get3A_246 = arith.index_cast %and3A_128 : i32 to index
            %get3A_247 = arith.index_cast %scan3A_152 : i32 to index
            %get3A_248 = arith.constant 128 : index
            %get3A_249 = tpu.vector_load %arg11[%get3A_246, %get3A_247, %get3A_248] {strides = array<i32>} : memref<2x56x256xf32, #tpu.memory_space<vmem>>, vector<16xf32>,
            %max3A_250 = arith.maximumf %get3A_245, %get3A_249 : vector<16xf32>
            %swap3A_251 = arith.index_cast %squeeze3A : i32 to index
            %swap3A_252 = arith.constant 128 : index
            %swap3A_253 = tpu.vector_load %arg6[%swap3A_251, %swap3A_252] {strides = array<i32>} : memref<328x256xf32, #tpu.memory_space<vmem>>, vector<16xf32>,
            tpu.vector_store %arg6[%swap3A_251, %swap3A_252], %max3A_250 {strides = array<i32>} : memref<328x256xf32, #tpu.memory_space<vmem>>, vector<16xf32>,
            %get3A_254 = arith.index_cast %squeeze3A : i32 to index
            %get3A_255 = arith.constant 144 : index
            %get3A_256 = tpu.vector_load %arg6[%get3A_254, %get3A_255] {strides = array<i32>} : memref<328x256xf32, #tpu.memory_space<vmem>>, vector<16xf32>,
            %get3A_257 = arith.index_cast %and3A_128 : i32 to index
            %get3A_258 = arith.index_cast %scan3A_152 : i32 to index
            %get3A_259 = arith.constant 144 : index
            %get3A_260 = tpu.vector_load %arg11[%get3A_257, %get3A_258, %get3A_259] {strides = array<i32>} : memref<2x56x256xf32, #tpu.memory_space<vmem>>, vector<16xf32>,
            %max3A_261 = arith.maximumf %get3A_256, %get3A_260 : vector<16xf32>
            %swap3A_262 = arith.index_cast %squeeze3A : i32 to index
            %swap3A_263 = arith.constant 144 : index
            %swap3A_264 = tpu.vector_load %arg6[%swap3A_262, %swap3A_263] {strides = array<i32>} : memref<328x256xf32, #tpu.memory_space<vmem>>, vector<16xf32>,
            tpu.vector_store %arg6[%swap3A_262, %swap3A_263], %max3A_261 {strides = array<i32>} : memref<328x256xf32, #tpu.memory_space<vmem>>, vector<16xf32>,
            %get3A_265 = arith.index_cast %squeeze3A : i32 to index
            %get3A_266 = arith.constant 160 : index
            %get3A_267 = tpu.vector_load %arg6[%get3A_265, %get3A_266] {strides = array<i32>} : memref<328x256xf32, #tpu.memory_space<vmem>>, vector<16xf32>,
            %get3A_268 = arith.index_cast %and3A_128 : i32 to index
            %get3A_269 = arith.index_cast %scan3A_152 : i32 to index
            %get3A_270 = arith.constant 160 : index
            %get3A_271 = tpu.vector_load %arg11[%get3A_268, %get3A_269, %get3A_270] {strides = array<i32>} : memref<2x56x256xf32, #tpu.memory_space<vmem>>, vector<16xf32>,
            %max3A_272 = arith.maximumf %get3A_267, %get3A_271 : vector<16xf32>
            %swap3A_273 = arith.index_cast %squeeze3A : i32 to index
            %swap3A_274 = arith.constant 160 : index
            %swap3A_275 = tpu.vector_load %arg6[%swap3A_273, %swap3A_274] {strides = array<i32>} : memref<328x256xf32, #tpu.memory_space<vmem>>, vector<16xf32>,
            tpu.vector_store %arg6[%swap3A_273, %swap3A_274], %max3A_272 {strides = array<i32>} : memref<328x256xf32, #tpu.memory_space<vmem>>, vector<16xf32>,
            %get3A_276 = arith.index_cast %squeeze3A : i32 to index
            %get3A_277 = arith.constant 176 : index
            %get3A_278 = tpu.vector_load %arg6[%get3A_276, %get3A_277] {strides = array<i32>} : memref<328x256xf32, #tpu.memory_space<vmem>>, vector<16xf32>,
            %get3A_279 = arith.index_cast %and3A_128 : i32 to index
            %get3A_280 = arith.index_cast %scan3A_152 : i32 to index
            %get3A_281 = arith.constant 176 : index
            %get3A_282 = tpu.vector_load %arg11[%get3A_279, %get3A_280, %get3A_281] {strides = array<i32>} : memref<2x56x256xf32, #tpu.memory_space<vmem>>, vector<16xf32>,
            %max3A_283 = arith.maximumf %get3A_278, %get3A_282 : vector<16xf32>
            %swap3A_284 = arith.index_cast %squeeze3A : i32 to index
            %swap3A_285 = arith.constant 176 : index
            %swap3A_286 = tpu.vector_load %arg6[%swap3A_284, %swap3A_285] {strides = array<i32>} : memref<328x256xf32, #tpu.memory_space<vmem>>, vector<16xf32>,
            tpu.vector_store %arg6[%swap3A_284, %swap3A_285], %max3A_283 {strides = array<i32>} : memref<328x256xf32, #tpu.memory_space<vmem>>, vector<16xf32>,
            %get3A_287 = arith.index_cast %squeeze3A : i32 to index
            %get3A_288 = arith.constant 192 : index
            %get3A_289 = tpu.vector_load %arg6[%get3A_287, %get3A_288] {strides = array<i32>} : memref<328x256xf32, #tpu.memory_space<vmem>>, vector<16xf32>,
            %get3A_290 = arith.index_cast %and3A_128 : i32 to index
            %get3A_291 = arith.index_cast %scan3A_152 : i32 to index
            %get3A_292 = arith.constant 192 : index
            %get3A_293 = tpu.vector_load %arg11[%get3A_290, %get3A_291, %get3A_292] {strides = array<i32>} : memref<2x56x256xf32, #tpu.memory_space<vmem>>, vector<16xf32>,
            %max3A_294 = arith.maximumf %get3A_289, %get3A_293 : vector<16xf32>
            %swap3A_295 = arith.index_cast %squeeze3A : i32 to index
            %swap3A_296 = arith.constant 192 : index
            %swap3A_297 = tpu.vector_load %arg6[%swap3A_295, %swap3A_296] {strides = array<i32>} : memref<328x256xf32, #tpu.memory_space<vmem>>, vector<16xf32>,
            tpu.vector_store %arg6[%swap3A_295, %swap3A_296], %max3A_294 {strides = array<i32>} : memref<328x256xf32, #tpu.memory_space<vmem>>, vector<16xf32>,
            %get3A_298 = arith.index_cast %squeeze3A : i32 to index
            %get3A_299 = arith.constant 208 : index
            %get3A_300 = tpu.vector_load %arg6[%get3A_298, %get3A_299] {strides = array<i32>} : memref<328x256xf32, #tpu.memory_space<vmem>>, vector<16xf32>,
            %get3A_301 = arith.index_cast %and3A_128 : i32 to index
            %get3A_302 = arith.index_cast %scan3A_152 : i32 to index
            %get3A_303 = arith.constant 208 : index
            %get3A_304 = tpu.vector_load %arg11[%get3A_301, %get3A_302, %get3A_303] {strides = array<i32>} : memref<2x56x256xf32, #tpu.memory_space<vmem>>, vector<16xf32>,
            %max3A_305 = arith.maximumf %get3A_300, %get3A_304 : vector<16xf32>
            %swap3A_306 = arith.index_cast %squeeze3A : i32 to index
            %swap3A_307 = arith.constant 208 : index
            %swap3A_308 = tpu.vector_load %arg6[%swap3A_306, %swap3A_307] {strides = array<i32>} : memref<328x256xf32, #tpu.memory_space<vmem>>, vector<16xf32>,
            tpu.vector_store %arg6[%swap3A_306, %swap3A_307], %max3A_305 {strides = array<i32>} : memref<328x256xf32, #tpu.memory_space<vmem>>, vector<16xf32>,
            %get3A_309 = arith.index_cast %squeeze3A : i32 to index
            %get3A_310 = arith.constant 224 : index
            %get3A_311 = tpu.vector_load %arg6[%get3A_309, %get3A_310] {strides = array<i32>} : memref<328x256xf32, #tpu.memory_space<vmem>>, vector<16xf32>,
            %get3A_312 = arith.index_cast %and3A_128 : i32 to index
            %get3A_313 = arith.index_cast %scan3A_152 : i32 to index
            %get3A_314 = arith.constant 224 : index
            %get3A_315 = tpu.vector_load %arg11[%get3A_312, %get3A_313, %get3A_314] {strides = array<i32>} : memref<2x56x256xf32, #tpu.memory_space<vmem>>, vector<16xf32>,
            %max3A_316 = arith.maximumf %get3A_311, %get3A_315 : vector<16xf32>
            %swap3A_317 = arith.index_cast %squeeze3A : i32 to index
            %swap3A_318 = arith.constant 224 : index
            %swap3A_319 = tpu.vector_load %arg6[%swap3A_317, %swap3A_318] {strides = array<i32>} : memref<328x256xf32, #tpu.memory_space<vmem>>, vector<16xf32>,
            tpu.vector_store %arg6[%swap3A_317, %swap3A_318], %max3A_316 {strides = array<i32>} : memref<328x256xf32, #tpu.memory_space<vmem>>, vector<16xf32>,
            %get3A_320 = arith.index_cast %squeeze3A : i32 to index
            %get3A_321 = arith.constant 240 : index
            %get3A_322 = tpu.vector_load %arg6[%get3A_320, %get3A_321] {strides = array<i32>} : memref<328x256xf32, #tpu.memory_space<vmem>>, vector<16xf32>,
            %get3A_323 = arith.index_cast %and3A_128 : i32 to index
            %get3A_324 = arith.index_cast %scan3A_152 : i32 to index
            %get3A_325 = arith.constant 240 : index
            %get3A_326 = tpu.vector_load %arg11[%get3A_323, %get3A_324, %get3A_325] {strides = array<i32>} : memref<2x56x256xf32, #tpu.memory_space<vmem>>, vector<16xf32>,
            %max3A_327 = arith.maximumf %get3A_322, %get3A_326 : vector<16xf32>
            %swap3A_328 = arith.index_cast %squeeze3A : i32 to index
            %swap3A_329 = arith.constant 240 : index
            %swap3A_330 = tpu.vector_load %arg6[%swap3A_328, %swap3A_329] {strides = array<i32>} : memref<328x256xf32, #tpu.memory_space<vmem>>, vector<16xf32>,
            tpu.vector_store %arg6[%swap3A_328, %swap3A_329], %max3A_327 {strides = array<i32>} : memref<328x256xf32, #tpu.memory_space<vmem>>, vector<16xf32>,
            %scan3A_331 = arith.constant 0 : i32
            scf.yield %scan3A_331 : i32
          }
          %scan3A_150 = arith.constant 56 : i32
          %while3A_151 = arith.constant 0 : i32
          scf.yield %while3A_151 : i32
        }
        %while3A_122 = arith.constant 1 : i32
        %while3A_123 = scf.for %while3A_125 = %while3A_119 to %while3A_115 step %while3A_122 iter_args(%while3A_126 = %while3A_121) -> (i32)  : i32 {
          %and3A_127 = arith.constant 1 : i32
          %and3A_128 = arith.andi %while3A_125, %and3A_127 : i32
          %dma_wait3A = arith.constant 0 : i32
          %dma_wait3A_129 = arith.constant 0 : i32
          %dma_wait3A_130 = tpu.memref_slice %arg11[%and3A_128, %dma_wait3A, %dma_wait3A_129] : memref<2x56x256xf32, #tpu.memory_space<vmem>> -> memref<1x56x256xf32, #tpu.memory_space<vmem>>
          %dma_wait3A_131 = tpu.memref_squeeze %dma_wait3A_130 : memref<1x56x256xf32, #tpu.memory_space<vmem>> -> memref<56x256xf32, #tpu.memory_space<vmem>>
          %dma_wait3A_132 = arith.constant 0 : i32
          %dma_wait3A_133 = tpu.memref_slice %arg9[%dma_wait3A_132] : memref<4352xi32, #tpu.memory_space<vmem>> -> memref<56xi32, #tpu.memory_space<vmem>>
          %dma_wait3A_134 = arith.constant 0 : i32
          %dma_wait3A_135 = arith.constant 0 : i32
          %dma_wait3A_136 = tpu.memref_slice %arg2[%dma_wait3A_134, %dma_wait3A_135] : memref<10000x256xf32, #tpu.memory_space<hbm>> -> memref<10000x256xf32, #tpu.memory_space<hbm>>
          tpu.wait_indirect_dma semaphore(%arg12 : memref<!tpu.dma_semaphore, #tpu.memory_space<semaphore_mem>>) src(%dma_wait3A_136 : memref<10000x256xf32, #tpu.memory_space<hbm>>) dst(%dma_wait3A_131 : memref<56x256xf32, #tpu.memory_space<vmem>>)
          %add3A_137 = arith.constant 1 : i32
          %add3A_138 = arith.addi %while3A_125, %add3A_137 : i32
          %lt3A = arith.cmpi slt, %add3A_138, %select_n3A : i32
          %convert_element_type3A_139 = arith.extui %lt3A : i1 to i32
          %cond3A_140 = arith.constant 0 : i32
          %cond3A_141 = arith.cmpi ne, %convert_element_type3A_139, %cond3A_140 : i32
          scf.if %cond3A_141 {
            %add3A_152 = arith.constant 1 : i32
            %add3A_153 = arith.addi %while3A_125, %add3A_152 : i32
            %mul3A_154 = arith.constant 56 : i32
            %mul3A_155 = arith.muli %add3A_153, %mul3A_154 : i32
            %sub3A_156 = arith.constant 1 : i32
            %sub3A_157 = arith.subi %sub3A_156, %and3A_128 : i32
            %dma_start3A_158 = arith.constant 0 : i32
            %dma_start3A_159 = arith.constant 0 : i32
            %dma_start3A_160 = tpu.memref_slice %arg11[%sub3A_157, %dma_start3A_158, %dma_start3A_159] : memref<2x56x256xf32, #tpu.memory_space<vmem>> -> memref<1x56x256xf32, #tpu.memory_space<vmem>>
            %dma_start3A_161 = tpu.memref_squeeze %dma_start3A_160 : memref<1x56x256xf32, #tpu.memory_space<vmem>> -> memref<56x256xf32, #tpu.memory_space<vmem>>
            %dma_start3A_162 = tpu.memref_slice %arg9[%mul3A_155] : memref<4352xi32, #tpu.memory_space<vmem>> -> memref<56xi32, #tpu.memory_space<vmem>>
            %dma_start3A_163 = arith.constant 0 : i32
            %dma_start3A_164 = arith.constant 0 : i32
            %dma_start3A_165 = tpu.memref_slice %arg2[%dma_start3A_163, %dma_start3A_164] : memref<10000x256xf32, #tpu.memory_space<hbm>> -> memref<10000x256xf32, #tpu.memory_space<hbm>>
            tpu.enqueue_indirect_dma source(%dma_start3A_165 : memref<10000x256xf32, #tpu.memory_space<hbm>>) target(%dma_start3A_161 : memref<56x256xf32, #tpu.memory_space<vmem>>) offsets(%dma_start3A_162 : memref<56xi32, #tpu.memory_space<vmem>>) semaphore(%arg12 : memref<!tpu.dma_semaphore, #tpu.memory_space<semaphore_mem>>)
          } else {
          }
          %mul3A_142 = arith.constant 56 : i32
          %mul3A_143 = arith.muli %while3A_125, %mul3A_142 : i32
          %scan3A_144 = arith.constant 0 : i32
          %scan3A_145 = arith.constant 0 : i32
          %scan3A_146 = arith.constant 56 : i32
          %scan3A_147 = arith.addi %scan3A_145, %scan3A_146 : i32
          %scan3A_148 = arith.constant 1 : i32
          %scan3A_149 = scf.for %scan3A_152 = %scan3A_145 to %scan3A_147 step %scan3A_148 iter_args(%scan3A_153 = %scan3A_144) -> (i32)  : i32 {
            %add3A_154 = arith.addi %mul3A_143, %scan3A_152 : i32
            %get3A = arith.index_cast %add3A_154 : i32 to index
            %get3A_155 = tpu.vector_load %arg10[%get3A] {strides = array<i32>} : memref<4352xi32, #tpu.memory_space<vmem>>, vector<16xi32>,
            %slice3A = vector.extract_strided_slice %get3A_155 {offsets = [0], sizes = [1], strides = [1]} : vector<16xi32> to vector<1xi32>
            %squeeze3A = vector.extract %slice3A[0] : i32 from vector<1xi32>
            %get3A_156 = arith.index_cast %squeeze3A : i32 to index
            %get3A_157 = arith.constant 0 : index
            %get3A_158 = tpu.vector_load %arg6[%get3A_156, %get3A_157] {strides = array<i32>} : memref<328x256xf32, #tpu.memory_space<vmem>>, vector<16xf32>,
            %get3A_159 = arith.index_cast %and3A_128 : i32 to index
            %get3A_160 = arith.index_cast %scan3A_152 : i32 to index
            %get3A_161 = arith.constant 0 : index
            %get3A_162 = tpu.vector_load %arg11[%get3A_159, %get3A_160, %get3A_161] {strides = array<i32>} : memref<2x56x256xf32, #tpu.memory_space<vmem>>, vector<16xf32>,
            %max3A = arith.maximumf %get3A_158, %get3A_162 : vector<16xf32>
            %swap3A_163 = arith.index_cast %squeeze3A : i32 to index
            %swap3A_164 = arith.constant 0 : index
            %swap3A_165 = tpu.vector_load %arg6[%swap3A_163, %swap3A_164] {strides = array<i32>} : memref<328x256xf32, #tpu.memory_space<vmem>>, vector<16xf32>,
            tpu.vector_store %arg6[%swap3A_163, %swap3A_164], %max3A {strides = array<i32>} : memref<328x256xf32, #tpu.memory_space<vmem>>, vector<16xf32>,
            %get3A_166 = arith.index_cast %squeeze3A : i32 to index
            %get3A_167 = arith.constant 16 : index
            %get3A_168 = tpu.vector_load %arg6[%get3A_166, %get3A_167] {strides = array<i32>} : memref<328x256xf32, #tpu.memory_space<vmem>>, vector<16xf32>,
            %get3A_169 = arith.index_cast %and3A_128 : i32 to index
            %get3A_170 = arith.index_cast %scan3A_152 : i32 to index
            %get3A_171 = arith.constant 16 : index
            %get3A_172 = tpu.vector_load %arg11[%get3A_169, %get3A_170, %get3A_171] {strides = array<i32>} : memref<2x56x256xf32, #tpu.memory_space<vmem>>, vector<16xf32>,
            %max3A_173 = arith.maximumf %get3A_168, %get3A_172 : vector<16xf32>
            %swap3A_174 = arith.index_cast %squeeze3A : i32 to index
            %swap3A_175 = arith.constant 16 : index
            %swap3A_176 = tpu.vector_load %arg6[%swap3A_174, %swap3A_175] {strides = array<i32>} : memref<328x256xf32, #tpu.memory_space<vmem>>, vector<16xf32>,
            tpu.vector_store %arg6[%swap3A_174, %swap3A_175], %max3A_173 {strides = array<i32>} : memref<328x256xf32, #tpu.memory_space<vmem>>, vector<16xf32>,
            %get3A_177 = arith.index_cast %squeeze3A : i32 to index
            %get3A_178 = arith.constant 32 : index
            %get3A_179 = tpu.vector_load %arg6[%get3A_177, %get3A_178] {strides = array<i32>} : memref<328x256xf32, #tpu.memory_space<vmem>>, vector<16xf32>,
            %get3A_180 = arith.index_cast %and3A_128 : i32 to index
            %get3A_181 = arith.index_cast %scan3A_152 : i32 to index
            %get3A_182 = arith.constant 32 : index
            %get3A_183 = tpu.vector_load %arg11[%get3A_180, %get3A_181, %get3A_182] {strides = array<i32>} : memref<2x56x256xf32, #tpu.memory_space<vmem>>, vector<16xf32>,
            %max3A_184 = arith.maximumf %get3A_179, %get3A_183 : vector<16xf32>
            %swap3A_185 = arith.index_cast %squeeze3A : i32 to index
            %swap3A_186 = arith.constant 32 : index
            %swap3A_187 = tpu.vector_load %arg6[%swap3A_185, %swap3A_186] {strides = array<i32>} : memref<328x256xf32, #tpu.memory_space<vmem>>, vector<16xf32>,
            tpu.vector_store %arg6[%swap3A_185, %swap3A_186], %max3A_184 {strides = array<i32>} : memref<328x256xf32, #tpu.memory_space<vmem>>, vector<16xf32>,
            %get3A_188 = arith.index_cast %squeeze3A : i32 to index
            %get3A_189 = arith.constant 48 : index
            %get3A_190 = tpu.vector_load %arg6[%get3A_188, %get3A_189] {strides = array<i32>} : memref<328x256xf32, #tpu.memory_space<vmem>>, vector<16xf32>,
            %get3A_191 = arith.index_cast %and3A_128 : i32 to index
            %get3A_192 = arith.index_cast %scan3A_152 : i32 to index
            %get3A_193 = arith.constant 48 : index
            %get3A_194 = tpu.vector_load %arg11[%get3A_191, %get3A_192, %get3A_193] {strides = array<i32>} : memref<2x56x256xf32, #tpu.memory_space<vmem>>, vector<16xf32>,
            %max3A_195 = arith.maximumf %get3A_190, %get3A_194 : vector<16xf32>
            %swap3A_196 = arith.index_cast %squeeze3A : i32 to index
            %swap3A_197 = arith.constant 48 : index
            %swap3A_198 = tpu.vector_load %arg6[%swap3A_196, %swap3A_197] {strides = array<i32>} : memref<328x256xf32, #tpu.memory_space<vmem>>, vector<16xf32>,
            tpu.vector_store %arg6[%swap3A_196, %swap3A_197], %max3A_195 {strides = array<i32>} : memref<328x256xf32, #tpu.memory_space<vmem>>, vector<16xf32>,
            %get3A_199 = arith.index_cast %squeeze3A : i32 to index
            %get3A_200 = arith.constant 64 : index
            %get3A_201 = tpu.vector_load %arg6[%get3A_199, %get3A_200] {strides = array<i32>} : memref<328x256xf32, #tpu.memory_space<vmem>>, vector<16xf32>,
            %get3A_202 = arith.index_cast %and3A_128 : i32 to index
            %get3A_203 = arith.index_cast %scan3A_152 : i32 to index
            %get3A_204 = arith.constant 64 : index
            %get3A_205 = tpu.vector_load %arg11[%get3A_202, %get3A_203, %get3A_204] {strides = array<i32>} : memref<2x56x256xf32, #tpu.memory_space<vmem>>, vector<16xf32>,
            %max3A_206 = arith.maximumf %get3A_201, %get3A_205 : vector<16xf32>
            %swap3A_207 = arith.index_cast %squeeze3A : i32 to index
            %swap3A_208 = arith.constant 64 : index
            %swap3A_209 = tpu.vector_load %arg6[%swap3A_207, %swap3A_208] {strides = array<i32>} : memref<328x256xf32, #tpu.memory_space<vmem>>, vector<16xf32>,
            tpu.vector_store %arg6[%swap3A_207, %swap3A_208], %max3A_206 {strides = array<i32>} : memref<328x256xf32, #tpu.memory_space<vmem>>, vector<16xf32>,
            %get3A_210 = arith.index_cast %squeeze3A : i32 to index
            %get3A_211 = arith.constant 80 : index
            %get3A_212 = tpu.vector_load %arg6[%get3A_210, %get3A_211] {strides = array<i32>} : memref<328x256xf32, #tpu.memory_space<vmem>>, vector<16xf32>,
            %get3A_213 = arith.index_cast %and3A_128 : i32 to index
            %get3A_214 = arith.index_cast %scan3A_152 : i32 to index
            %get3A_215 = arith.constant 80 : index
            %get3A_216 = tpu.vector_load %arg11[%get3A_213, %get3A_214, %get3A_215] {strides = array<i32>} : memref<2x56x256xf32, #tpu.memory_space<vmem>>, vector<16xf32>,
            %max3A_217 = arith.maximumf %get3A_212, %get3A_216 : vector<16xf32>
            %swap3A_218 = arith.index_cast %squeeze3A : i32 to index
            %swap3A_219 = arith.constant 80 : index
            %swap3A_220 = tpu.vector_load %arg6[%swap3A_218, %swap3A_219] {strides = array<i32>} : memref<328x256xf32, #tpu.memory_space<vmem>>, vector<16xf32>,
            tpu.vector_store %arg6[%swap3A_218, %swap3A_219], %max3A_217 {strides = array<i32>} : memref<328x256xf32, #tpu.memory_space<vmem>>, vector<16xf32>,
            %get3A_221 = arith.index_cast %squeeze3A : i32 to index
            %get3A_222 = arith.constant 96 : index
            %get3A_223 = tpu.vector_load %arg6[%get3A_221, %get3A_222] {strides = array<i32>} : memref<328x256xf32, #tpu.memory_space<vmem>>, vector<16xf32>,
            %get3A_224 = arith.index_cast %and3A_128 : i32 to index
            %get3A_225 = arith.index_cast %scan3A_152 : i32 to index
            %get3A_226 = arith.constant 96 : index
            %get3A_227 = tpu.vector_load %arg11[%get3A_224, %get3A_225, %get3A_226] {strides = array<i32>} : memref<2x56x256xf32, #tpu.memory_space<vmem>>, vector<16xf32>,
            %max3A_228 = arith.maximumf %get3A_223, %get3A_227 : vector<16xf32>
            %swap3A_229 = arith.index_cast %squeeze3A : i32 to index
            %swap3A_230 = arith.constant 96 : index
            %swap3A_231 = tpu.vector_load %arg6[%swap3A_229, %swap3A_230] {strides = array<i32>} : memref<328x256xf32, #tpu.memory_space<vmem>>, vector<16xf32>,
            tpu.vector_store %arg6[%swap3A_229, %swap3A_230], %max3A_228 {strides = array<i32>} : memref<328x256xf32, #tpu.memory_space<vmem>>, vector<16xf32>,
            %get3A_232 = arith.index_cast %squeeze3A : i32 to index
            %get3A_233 = arith.constant 112 : index
            %get3A_234 = tpu.vector_load %arg6[%get3A_232, %get3A_233] {strides = array<i32>} : memref<328x256xf32, #tpu.memory_space<vmem>>, vector<16xf32>,
            %get3A_235 = arith.index_cast %and3A_128 : i32 to index
            %get3A_236 = arith.index_cast %scan3A_152 : i32 to index
            %get3A_237 = arith.constant 112 : index
            %get3A_238 = tpu.vector_load %arg11[%get3A_235, %get3A_236, %get3A_237] {strides = array<i32>} : memref<2x56x256xf32, #tpu.memory_space<vmem>>, vector<16xf32>,
            %max3A_239 = arith.maximumf %get3A_234, %get3A_238 : vector<16xf32>
            %swap3A_240 = arith.index_cast %squeeze3A : i32 to index
            %swap3A_241 = arith.constant 112 : index
            %swap3A_242 = tpu.vector_load %arg6[%swap3A_240, %swap3A_241] {strides = array<i32>} : memref<328x256xf32, #tpu.memory_space<vmem>>, vector<16xf32>,
            tpu.vector_store %arg6[%swap3A_240, %swap3A_241], %max3A_239 {strides = array<i32>} : memref<328x256xf32, #tpu.memory_space<vmem>>, vector<16xf32>,
            %get3A_243 = arith.index_cast %squeeze3A : i32 to index
            %get3A_244 = arith.constant 128 : index
            %get3A_245 = tpu.vector_load %arg6[%get3A_243, %get3A_244] {strides = array<i32>} : memref<328x256xf32, #tpu.memory_space<vmem>>, vector<16xf32>,
            %get3A_246 = arith.index_cast %and3A_128 : i32 to index
            %get3A_247 = arith.index_cast %scan3A_152 : i32 to index
            %get3A_248 = arith.constant 128 : index
            %get3A_249 = tpu.vector_load %arg11[%get3A_246, %get3A_247, %get3A_248] {strides = array<i32>} : memref<2x56x256xf32, #tpu.memory_space<vmem>>, vector<16xf32>,
            %max3A_250 = arith.maximumf %get3A_245, %get3A_249 : vector<16xf32>
            %swap3A_251 = arith.index_cast %squeeze3A : i32 to index
            %swap3A_252 = arith.constant 128 : index
            %swap3A_253 = tpu.vector_load %arg6[%swap3A_251, %swap3A_252] {strides = array<i32>} : memref<328x256xf32, #tpu.memory_space<vmem>>, vector<16xf32>,
            tpu.vector_store %arg6[%swap3A_251, %swap3A_252], %max3A_250 {strides = array<i32>} : memref<328x256xf32, #tpu.memory_space<vmem>>, vector<16xf32>,
            %get3A_254 = arith.index_cast %squeeze3A : i32 to index
            %get3A_255 = arith.constant 144 : index
            %get3A_256 = tpu.vector_load %arg6[%get3A_254, %get3A_255] {strides = array<i32>} : memref<328x256xf32, #tpu.memory_space<vmem>>, vector<16xf32>,
            %get3A_257 = arith.index_cast %and3A_128 : i32 to index
            %get3A_258 = arith.index_cast %scan3A_152 : i32 to index
            %get3A_259 = arith.constant 144 : index
            %get3A_260 = tpu.vector_load %arg11[%get3A_257, %get3A_258, %get3A_259] {strides = array<i32>} : memref<2x56x256xf32, #tpu.memory_space<vmem>>, vector<16xf32>,
            %max3A_261 = arith.maximumf %get3A_256, %get3A_260 : vector<16xf32>
            %swap3A_262 = arith.index_cast %squeeze3A : i32 to index
            %swap3A_263 = arith.constant 144 : index
            %swap3A_264 = tpu.vector_load %arg6[%swap3A_262, %swap3A_263] {strides = array<i32>} : memref<328x256xf32, #tpu.memory_space<vmem>>, vector<16xf32>,
            tpu.vector_store %arg6[%swap3A_262, %swap3A_263], %max3A_261 {strides = array<i32>} : memref<328x256xf32, #tpu.memory_space<vmem>>, vector<16xf32>,
            %get3A_265 = arith.index_cast %squeeze3A : i32 to index
            %get3A_266 = arith.constant 160 : index
            %get3A_267 = tpu.vector_load %arg6[%get3A_265, %get3A_266] {strides = array<i32>} : memref<328x256xf32, #tpu.memory_space<vmem>>, vector<16xf32>,
            %get3A_268 = arith.index_cast %and3A_128 : i32 to index
            %get3A_269 = arith.index_cast %scan3A_152 : i32 to index
            %get3A_270 = arith.constant 160 : index
            %get3A_271 = tpu.vector_load %arg11[%get3A_268, %get3A_269, %get3A_270] {strides = array<i32>} : memref<2x56x256xf32, #tpu.memory_space<vmem>>, vector<16xf32>,
            %max3A_272 = arith.maximumf %get3A_267, %get3A_271 : vector<16xf32>
            %swap3A_273 = arith.index_cast %squeeze3A : i32 to index
            %swap3A_274 = arith.constant 160 : index
            %swap3A_275 = tpu.vector_load %arg6[%swap3A_273, %swap3A_274] {strides = array<i32>} : memref<328x256xf32, #tpu.memory_space<vmem>>, vector<16xf32>,
            tpu.vector_store %arg6[%swap3A_273, %swap3A_274], %max3A_272 {strides = array<i32>} : memref<328x256xf32, #tpu.memory_space<vmem>>, vector<16xf32>,
            %get3A_276 = arith.index_cast %squeeze3A : i32 to index
            %get3A_277 = arith.constant 176 : index
            %get3A_278 = tpu.vector_load %arg6[%get3A_276, %get3A_277] {strides = array<i32>} : memref<328x256xf32, #tpu.memory_space<vmem>>, vector<16xf32>,
            %get3A_279 = arith.index_cast %and3A_128 : i32 to index
            %get3A_280 = arith.index_cast %scan3A_152 : i32 to index
            %get3A_281 = arith.constant 176 : index
            %get3A_282 = tpu.vector_load %arg11[%get3A_279, %get3A_280, %get3A_281] {strides = array<i32>} : memref<2x56x256xf32, #tpu.memory_space<vmem>>, vector<16xf32>,
            %max3A_283 = arith.maximumf %get3A_278, %get3A_282 : vector<16xf32>
            %swap3A_284 = arith.index_cast %squeeze3A : i32 to index
            %swap3A_285 = arith.constant 176 : index
            %swap3A_286 = tpu.vector_load %arg6[%swap3A_284, %swap3A_285] {strides = array<i32>} : memref<328x256xf32, #tpu.memory_space<vmem>>, vector<16xf32>,
            tpu.vector_store %arg6[%swap3A_284, %swap3A_285], %max3A_283 {strides = array<i32>} : memref<328x256xf32, #tpu.memory_space<vmem>>, vector<16xf32>,
            %get3A_287 = arith.index_cast %squeeze3A : i32 to index
            %get3A_288 = arith.constant 192 : index
            %get3A_289 = tpu.vector_load %arg6[%get3A_287, %get3A_288] {strides = array<i32>} : memref<328x256xf32, #tpu.memory_space<vmem>>, vector<16xf32>,
            %get3A_290 = arith.index_cast %and3A_128 : i32 to index
            %get3A_291 = arith.index_cast %scan3A_152 : i32 to index
            %get3A_292 = arith.constant 192 : index
            %get3A_293 = tpu.vector_load %arg11[%get3A_290, %get3A_291, %get3A_292] {strides = array<i32>} : memref<2x56x256xf32, #tpu.memory_space<vmem>>, vector<16xf32>,
            %max3A_294 = arith.maximumf %get3A_289, %get3A_293 : vector<16xf32>
            %swap3A_295 = arith.index_cast %squeeze3A : i32 to index
            %swap3A_296 = arith.constant 192 : index
            %swap3A_297 = tpu.vector_load %arg6[%swap3A_295, %swap3A_296] {strides = array<i32>} : memref<328x256xf32, #tpu.memory_space<vmem>>, vector<16xf32>,
            tpu.vector_store %arg6[%swap3A_295, %swap3A_296], %max3A_294 {strides = array<i32>} : memref<328x256xf32, #tpu.memory_space<vmem>>, vector<16xf32>,
            %get3A_298 = arith.index_cast %squeeze3A : i32 to index
            %get3A_299 = arith.constant 208 : index
            %get3A_300 = tpu.vector_load %arg6[%get3A_298, %get3A_299] {strides = array<i32>} : memref<328x256xf32, #tpu.memory_space<vmem>>, vector<16xf32>,
            %get3A_301 = arith.index_cast %and3A_128 : i32 to index
            %get3A_302 = arith.index_cast %scan3A_152 : i32 to index
            %get3A_303 = arith.constant 208 : index
            %get3A_304 = tpu.vector_load %arg11[%get3A_301, %get3A_302, %get3A_303] {strides = array<i32>} : memref<2x56x256xf32, #tpu.memory_space<vmem>>, vector<16xf32>,
            %max3A_305 = arith.maximumf %get3A_300, %get3A_304 : vector<16xf32>
            %swap3A_306 = arith.index_cast %squeeze3A : i32 to index
            %swap3A_307 = arith.constant 208 : index
            %swap3A_308 = tpu.vector_load %arg6[%swap3A_306, %swap3A_307] {strides = array<i32>} : memref<328x256xf32, #tpu.memory_space<vmem>>, vector<16xf32>,
            tpu.vector_store %arg6[%swap3A_306, %swap3A_307], %max3A_305 {strides = array<i32>} : memref<328x256xf32, #tpu.memory_space<vmem>>, vector<16xf32>,
            %get3A_309 = arith.index_cast %squeeze3A : i32 to index
            %get3A_310 = arith.constant 224 : index
            %get3A_311 = tpu.vector_load %arg6[%get3A_309, %get3A_310] {strides = array<i32>} : memref<328x256xf32, #tpu.memory_space<vmem>>, vector<16xf32>,
            %get3A_312 = arith.index_cast %and3A_128 : i32 to index
            %get3A_313 = arith.index_cast %scan3A_152 : i32 to index
            %get3A_314 = arith.constant 224 : index
            %get3A_315 = tpu.vector_load %arg11[%get3A_312, %get3A_313, %get3A_314] {strides = array<i32>} : memref<2x56x256xf32, #tpu.memory_space<vmem>>, vector<16xf32>,
            %max3A_316 = arith.maximumf %get3A_311, %get3A_315 : vector<16xf32>
            %swap3A_317 = arith.index_cast %squeeze3A : i32 to index
            %swap3A_318 = arith.constant 224 : index
            %swap3A_319 = tpu.vector_load %arg6[%swap3A_317, %swap3A_318] {strides = array<i32>} : memref<328x256xf32, #tpu.memory_space<vmem>>, vector<16xf32>,
            tpu.vector_store %arg6[%swap3A_317, %swap3A_318], %max3A_316 {strides = array<i32>} : memref<328x256xf32, #tpu.memory_space<vmem>>, vector<16xf32>,
            %get3A_320 = arith.index_cast %squeeze3A : i32 to index
            %get3A_321 = arith.constant 240 : index
            %get3A_322 = tpu.vector_load %arg6[%get3A_320, %get3A_321] {strides = array<i32>} : memref<328x256xf32, #tpu.memory_space<vmem>>, vector<16xf32>,
            %get3A_323 = arith.index_cast %and3A_128 : i32 to index
            %get3A_324 = arith.index_cast %scan3A_152 : i32 to index
            %get3A_325 = arith.constant 240 : index
            %get3A_326 = tpu.vector_load %arg11[%get3A_323, %get3A_324, %get3A_325] {strides = array<i32>} : memref<2x56x256xf32, #tpu.memory_space<vmem>>, vector<16xf32>,
            %max3A_327 = arith.maximumf %get3A_322, %get3A_326 : vector<16xf32>
            %swap3A_328 = arith.index_cast %squeeze3A : i32 to index
            %swap3A_329 = arith.constant 240 : index
            %swap3A_330 = tpu.vector_load %arg6[%swap3A_328, %swap3A_329] {strides = array<i32>} : memref<328x256xf32, #tpu.memory_space<vmem>>, vector<16xf32>,
            tpu.vector_store %arg6[%swap3A_328, %swap3A_329], %max3A_327 {strides = array<i32>} : memref<328x256xf32, #tpu.memory_space<vmem>>, vector<16xf32>,
            %scan3A_331 = arith.constant 0 : i32
            scf.yield %scan3A_331 : i32
          }
          %scan3A_150 = arith.constant 56 : i32
          %while3A_151 = arith.constant 0 : i32
          scf.yield %while3A_151 : i32
        }
        %cond3A_124 = arith.constant 0 : i32
        scf.yield %cond3A_124 : i32
      } else {
        scf.yield %scan3A_40 : i32
      }
      scf.yield %cond3A_46 : i32
    }
    %scan3A_21 = arith.constant 160 : i32
    %gt3A = arith.constant 0 : i32
    %gt3A_22 = arith.cmpi sgt, %scan3A_20, %gt3A : i32
    %convert_element_type3A = arith.extui %gt3A_22 : i1 to i32
    %cond3A = arith.constant 0 : i32
    %cond3A_23 = arith.cmpi ne, %convert_element_type3A, %cond3A : i32
    %cond3A_24 = scf.if %cond3A_23 -> (i32) {
      %add3A_32 = arith.constant 0 : i32
      %add3A_33 = arith.addi %scan3A_20, %add3A_32 : i32
      %swap3A = arith.index_cast %add3A_33 : i32 to index
      %swap3A_34 = tpu.vector_load %arg9[%swap3A] {strides = array<i32>} : memref<4352xi32, #tpu.memory_space<vmem>>, vector<16xi32>,
      tpu.vector_store %arg9[%swap3A], %broadcast_in_dim3A_12 {strides = array<i32>} : memref<4352xi32, #tpu.memory_space<vmem>>, vector<16xi32>,
      %add3A_35 = arith.constant 0 : i32
      %add3A_36 = arith.addi %scan3A_20, %add3A_35 : i32
      %swap3A_37 = arith.index_cast %add3A_36 : i32 to index
      %swap3A_38 = tpu.vector_load %arg10[%swap3A_37] {strides = array<i32>} : memref<4352xi32, #tpu.memory_space<vmem>>, vector<16xi32>,
      tpu.vector_store %arg10[%swap3A_37], %broadcast_in_dim3A_14 {strides = array<i32>} : memref<4352xi32, #tpu.memory_space<vmem>>, vector<16xi32>,
      %add3A_39 = arith.constant 16 : i32
      %add3A_40 = arith.addi %scan3A_20, %add3A_39 : i32
      %swap3A_41 = arith.index_cast %add3A_40 : i32 to index
      %swap3A_42 = tpu.vector_load %arg9[%swap3A_41] {strides = array<i32>} : memref<4352xi32, #tpu.memory_space<vmem>>, vector<16xi32>,
      tpu.vector_store %arg9[%swap3A_41], %broadcast_in_dim3A_12 {strides = array<i32>} : memref<4352xi32, #tpu.memory_space<vmem>>, vector<16xi32>,
      %add3A_43 = arith.constant 16 : i32
      %add3A_44 = arith.addi %scan3A_20, %add3A_43 : i32
      %swap3A_45 = arith.index_cast %add3A_44 : i32 to index
      %swap3A_46 = tpu.vector_load %arg10[%swap3A_45] {strides = array<i32>} : memref<4352xi32, #tpu.memory_space<vmem>>, vector<16xi32>,
      tpu.vector_store %arg10[%swap3A_45], %broadcast_in_dim3A_14 {strides = array<i32>} : memref<4352xi32, #tpu.memory_space<vmem>>, vector<16xi32>,
      %add3A_47 = arith.constant 32 : i32
      %add3A_48 = arith.addi %scan3A_20, %add3A_47 : i32
      %swap3A_49 = arith.index_cast %add3A_48 : i32 to index
      %swap3A_50 = tpu.vector_load %arg9[%swap3A_49] {strides = array<i32>} : memref<4352xi32, #tpu.memory_space<vmem>>, vector<16xi32>,
      tpu.vector_store %arg9[%swap3A_49], %broadcast_in_dim3A_12 {strides = array<i32>} : memref<4352xi32, #tpu.memory_space<vmem>>, vector<16xi32>,
      %add3A_51 = arith.constant 32 : i32
      %add3A_52 = arith.addi %scan3A_20, %add3A_51 : i32
      %swap3A_53 = arith.index_cast %add3A_52 : i32 to index
      %swap3A_54 = tpu.vector_load %arg10[%swap3A_53] {strides = array<i32>} : memref<4352xi32, #tpu.memory_space<vmem>>, vector<16xi32>,
      tpu.vector_store %arg10[%swap3A_53], %broadcast_in_dim3A_14 {strides = array<i32>} : memref<4352xi32, #tpu.memory_space<vmem>>, vector<16xi32>,
      %add3A_55 = arith.constant 48 : i32
      %add3A_56 = arith.addi %scan3A_20, %add3A_55 : i32
      %swap3A_57 = arith.index_cast %add3A_56 : i32 to index
      %swap3A_58 = tpu.vector_load %arg9[%swap3A_57] {strides = array<i32>} : memref<4352xi32, #tpu.memory_space<vmem>>, vector<16xi32>,
      tpu.vector_store %arg9[%swap3A_57], %broadcast_in_dim3A_12 {strides = array<i32>} : memref<4352xi32, #tpu.memory_space<vmem>>, vector<16xi32>,
      %add3A_59 = arith.constant 48 : i32
      %add3A_60 = arith.addi %scan3A_20, %add3A_59 : i32
      %swap3A_61 = arith.index_cast %add3A_60 : i32 to index
      %swap3A_62 = tpu.vector_load %arg10[%swap3A_61] {strides = array<i32>} : memref<4352xi32, #tpu.memory_space<vmem>>, vector<16xi32>,
      tpu.vector_store %arg10[%swap3A_61], %broadcast_in_dim3A_14 {strides = array<i32>} : memref<4352xi32, #tpu.memory_space<vmem>>, vector<16xi32>,
      %add3A_63 = arith.constant 64 : i32
      %add3A_64 = arith.addi %scan3A_20, %add3A_63 : i32
      %swap3A_65 = arith.index_cast %add3A_64 : i32 to index
      %swap3A_66 = tpu.vector_load %arg9[%swap3A_65] {strides = array<i32>} : memref<4352xi32, #tpu.memory_space<vmem>>, vector<16xi32>,
      tpu.vector_store %arg9[%swap3A_65], %broadcast_in_dim3A_12 {strides = array<i32>} : memref<4352xi32, #tpu.memory_space<vmem>>, vector<16xi32>,
      %add3A_67 = arith.constant 64 : i32
      %add3A_68 = arith.addi %scan3A_20, %add3A_67 : i32
      %swap3A_69 = arith.index_cast %add3A_68 : i32 to index
      %swap3A_70 = tpu.vector_load %arg10[%swap3A_69] {strides = array<i32>} : memref<4352xi32, #tpu.memory_space<vmem>>, vector<16xi32>,
      tpu.vector_store %arg10[%swap3A_69], %broadcast_in_dim3A_14 {strides = array<i32>} : memref<4352xi32, #tpu.memory_space<vmem>>, vector<16xi32>,
      %add3A_71 = arith.constant 55 : i32
      %add3A_72 = arith.addi %scan3A_20, %add3A_71 : i32
      %jit3A = arith.constant 56 : i32
      %div3A = arith.divsi %add3A_72, %jit3A : i32
      %sign3A = arith.constant 0 : i32
      %sign3A_73 = arith.cmpi sgt, %add3A_72, %sign3A : i32
      %sign3A_74 = arith.extui %sign3A_73 : i1 to i32
      %sign3A_75 = arith.constant 0 : i32
      %sign3A_76 = arith.cmpi slt, %add3A_72, %sign3A_75 : i32
      %sign3A_77 = arith.extui %sign3A_76 : i1 to i32
      %sign3A_78 = arith.subi %sign3A_74, %sign3A_77 : i32
      %sign3A_79 = arith.constant 0 : i32
      %sign3A_80 = arith.cmpi sgt, %jit3A, %sign3A_79 : i32
      %sign3A_81 = arith.extui %sign3A_80 : i1 to i32
      %sign3A_82 = arith.constant 0 : i32
      %sign3A_83 = arith.cmpi slt, %jit3A, %sign3A_82 : i32
      %sign3A_84 = arith.extui %sign3A_83 : i1 to i32
      %sign3A_85 = arith.subi %sign3A_81, %sign3A_84 : i32
      %ne3A = arith.cmpi ne, %sign3A_78, %sign3A_85 : i32
      %rem3A = arith.remsi %add3A_72, %jit3A : i32
      %ne3A_86 = arith.constant 0 : i32
      %ne3A_87 = arith.cmpi ne, %rem3A, %ne3A_86 : i32
      %and3A = arith.andi %ne3A, %ne3A_87 : i1
      %sub3A = arith.constant 1 : i32
      %sub3A_88 = arith.subi %div3A, %sub3A : i32
      %select_n3A = arith.select %and3A, %sub3A_88, %div3A : i32
      %dma_start3A = arith.constant 0 : i32
      %dma_start3A_89 = arith.constant 0 : i32
      %dma_start3A_90 = arith.constant 0 : i32
      %dma_start3A_91 = tpu.memref_slice %arg11[%dma_start3A, %dma_start3A_89, %dma_start3A_90] : memref<2x56x256xf32, #tpu.memory_space<vmem>> -> memref<1x56x256xf32, #tpu.memory_space<vmem>>
      %dma_start3A_92 = tpu.memref_squeeze %dma_start3A_91 : memref<1x56x256xf32, #tpu.memory_space<vmem>> -> memref<56x256xf32, #tpu.memory_space<vmem>>
      %dma_start3A_93 = arith.constant 0 : i32
      %dma_start3A_94 = tpu.memref_slice %arg9[%dma_start3A_93] : memref<4352xi32, #tpu.memory_space<vmem>> -> memref<56xi32, #tpu.memory_space<vmem>>
      %dma_start3A_95 = arith.constant 0 : i32
      %dma_start3A_96 = arith.constant 0 : i32
      %dma_start3A_97 = tpu.memref_slice %arg2[%dma_start3A_95, %dma_start3A_96] : memref<10000x256xf32, #tpu.memory_space<hbm>> -> memref<10000x256xf32, #tpu.memory_space<hbm>>
      tpu.enqueue_indirect_dma source(%dma_start3A_97 : memref<10000x256xf32, #tpu.memory_space<hbm>>) target(%dma_start3A_92 : memref<56x256xf32, #tpu.memory_space<vmem>>) offsets(%dma_start3A_94 : memref<56xi32, #tpu.memory_space<vmem>>) semaphore(%arg12 : memref<!tpu.dma_semaphore, #tpu.memory_space<semaphore_mem>>)
      %while3A = arith.constant 0 : i32
      %while3A_98 = arith.constant 0 : i32
      %while3A_99 = arith.subi %select_n3A, %while3A : i32
      %while3A_100 = arith.addi %while3A, %while3A_99 : i32
      %while3A_101 = arith.constant 1 : i32
      %while3A_102 = arith.divsi %while3A_99, %while3A_101 : i32
      %while3A_103 = arith.muli %while3A_102, %while3A_101 : i32
      %while3A_104 = arith.addi %while3A, %while3A_103 : i32
      %while3A_105 = arith.constant 1 : i32
      %while3A_106 = scf.for %while3A_110 = %while3A to %while3A_104 step %while3A_105 iter_args(%while3A_111 = %while3A_98) -> (i32)  : i32 {
        %and3A_112 = arith.constant 1 : i32
        %and3A_113 = arith.andi %while3A_110, %and3A_112 : i32
        %dma_wait3A = arith.constant 0 : i32
        %dma_wait3A_114 = arith.constant 0 : i32
        %dma_wait3A_115 = tpu.memref_slice %arg11[%and3A_113, %dma_wait3A, %dma_wait3A_114] : memref<2x56x256xf32, #tpu.memory_space<vmem>> -> memref<1x56x256xf32, #tpu.memory_space<vmem>>
        %dma_wait3A_116 = tpu.memref_squeeze %dma_wait3A_115 : memref<1x56x256xf32, #tpu.memory_space<vmem>> -> memref<56x256xf32, #tpu.memory_space<vmem>>
        %dma_wait3A_117 = arith.constant 0 : i32
        %dma_wait3A_118 = tpu.memref_slice %arg9[%dma_wait3A_117] : memref<4352xi32, #tpu.memory_space<vmem>> -> memref<56xi32, #tpu.memory_space<vmem>>
        %dma_wait3A_119 = arith.constant 0 : i32
        %dma_wait3A_120 = arith.constant 0 : i32
        %dma_wait3A_121 = tpu.memref_slice %arg2[%dma_wait3A_119, %dma_wait3A_120] : memref<10000x256xf32, #tpu.memory_space<hbm>> -> memref<10000x256xf32, #tpu.memory_space<hbm>>
        tpu.wait_indirect_dma semaphore(%arg12 : memref<!tpu.dma_semaphore, #tpu.memory_space<semaphore_mem>>) src(%dma_wait3A_121 : memref<10000x256xf32, #tpu.memory_space<hbm>>) dst(%dma_wait3A_116 : memref<56x256xf32, #tpu.memory_space<vmem>>)
        %add3A_122 = arith.constant 1 : i32
        %add3A_123 = arith.addi %while3A_110, %add3A_122 : i32
        %lt3A = arith.cmpi slt, %add3A_123, %select_n3A : i32
        %convert_element_type3A_124 = arith.extui %lt3A : i1 to i32
        %cond3A_125 = arith.constant 0 : i32
        %cond3A_126 = arith.cmpi ne, %convert_element_type3A_124, %cond3A_125 : i32
        scf.if %cond3A_126 {
          %add3A_137 = arith.constant 1 : i32
          %add3A_138 = arith.addi %while3A_110, %add3A_137 : i32
          %mul3A_139 = arith.constant 56 : i32
          %mul3A_140 = arith.muli %add3A_138, %mul3A_139 : i32
          %sub3A_141 = arith.constant 1 : i32
          %sub3A_142 = arith.subi %sub3A_141, %and3A_113 : i32
          %dma_start3A_143 = arith.constant 0 : i32
          %dma_start3A_144 = arith.constant 0 : i32
          %dma_start3A_145 = tpu.memref_slice %arg11[%sub3A_142, %dma_start3A_143, %dma_start3A_144] : memref<2x56x256xf32, #tpu.memory_space<vmem>> -> memref<1x56x256xf32, #tpu.memory_space<vmem>>
          %dma_start3A_146 = tpu.memref_squeeze %dma_start3A_145 : memref<1x56x256xf32, #tpu.memory_space<vmem>> -> memref<56x256xf32, #tpu.memory_space<vmem>>
          %dma_start3A_147 = tpu.memref_slice %arg9[%mul3A_140] : memref<4352xi32, #tpu.memory_space<vmem>> -> memref<56xi32, #tpu.memory_space<vmem>>
          %dma_start3A_148 = arith.constant 0 : i32
          %dma_start3A_149 = arith.constant 0 : i32
          %dma_start3A_150 = tpu.memref_slice %arg2[%dma_start3A_148, %dma_start3A_149] : memref<10000x256xf32, #tpu.memory_space<hbm>> -> memref<10000x256xf32, #tpu.memory_space<hbm>>
          tpu.enqueue_indirect_dma source(%dma_start3A_150 : memref<10000x256xf32, #tpu.memory_space<hbm>>) target(%dma_start3A_146 : memref<56x256xf32, #tpu.memory_space<vmem>>) offsets(%dma_start3A_147 : memref<56xi32, #tpu.memory_space<vmem>>) semaphore(%arg12 : memref<!tpu.dma_semaphore, #tpu.memory_space<semaphore_mem>>)
        } else {
        }
        %mul3A_127 = arith.constant 56 : i32
        %mul3A_128 = arith.muli %while3A_110, %mul3A_127 : i32
        %scan3A_129 = arith.constant 0 : i32
        %scan3A_130 = arith.constant 0 : i32
        %scan3A_131 = arith.constant 56 : i32
        %scan3A_132 = arith.addi %scan3A_130, %scan3A_131 : i32
        %scan3A_133 = arith.constant 1 : i32
        %scan3A_134 = scf.for %scan3A_137 = %scan3A_130 to %scan3A_132 step %scan3A_133 iter_args(%scan3A_138 = %scan3A_129) -> (i32)  : i32 {
          %add3A_139 = arith.addi %mul3A_128, %scan3A_137 : i32
          %get3A = arith.index_cast %add3A_139 : i32 to index
          %get3A_140 = tpu.vector_load %arg10[%get3A] {strides = array<i32>} : memref<4352xi32, #tpu.memory_space<vmem>>, vector<16xi32>,
          %slice3A = vector.extract_strided_slice %get3A_140 {offsets = [0], sizes = [1], strides = [1]} : vector<16xi32> to vector<1xi32>
          %squeeze3A = vector.extract %slice3A[0] : i32 from vector<1xi32>
          %get3A_141 = arith.index_cast %squeeze3A : i32 to index
          %get3A_142 = arith.constant 0 : index
          %get3A_143 = tpu.vector_load %arg6[%get3A_141, %get3A_142] {strides = array<i32>} : memref<328x256xf32, #tpu.memory_space<vmem>>, vector<16xf32>,
          %get3A_144 = arith.index_cast %and3A_113 : i32 to index
          %get3A_145 = arith.index_cast %scan3A_137 : i32 to index
          %get3A_146 = arith.constant 0 : index
          %get3A_147 = tpu.vector_load %arg11[%get3A_144, %get3A_145, %get3A_146] {strides = array<i32>} : memref<2x56x256xf32, #tpu.memory_space<vmem>>, vector<16xf32>,
          %max3A = arith.maximumf %get3A_143, %get3A_147 : vector<16xf32>
          %swap3A_148 = arith.index_cast %squeeze3A : i32 to index
          %swap3A_149 = arith.constant 0 : index
          %swap3A_150 = tpu.vector_load %arg6[%swap3A_148, %swap3A_149] {strides = array<i32>} : memref<328x256xf32, #tpu.memory_space<vmem>>, vector<16xf32>,
          tpu.vector_store %arg6[%swap3A_148, %swap3A_149], %max3A {strides = array<i32>} : memref<328x256xf32, #tpu.memory_space<vmem>>, vector<16xf32>,
          %get3A_151 = arith.index_cast %squeeze3A : i32 to index
          %get3A_152 = arith.constant 16 : index
          %get3A_153 = tpu.vector_load %arg6[%get3A_151, %get3A_152] {strides = array<i32>} : memref<328x256xf32, #tpu.memory_space<vmem>>, vector<16xf32>,
          %get3A_154 = arith.index_cast %and3A_113 : i32 to index
          %get3A_155 = arith.index_cast %scan3A_137 : i32 to index
          %get3A_156 = arith.constant 16 : index
          %get3A_157 = tpu.vector_load %arg11[%get3A_154, %get3A_155, %get3A_156] {strides = array<i32>} : memref<2x56x256xf32, #tpu.memory_space<vmem>>, vector<16xf32>,
          %max3A_158 = arith.maximumf %get3A_153, %get3A_157 : vector<16xf32>
          %swap3A_159 = arith.index_cast %squeeze3A : i32 to index
          %swap3A_160 = arith.constant 16 : index
          %swap3A_161 = tpu.vector_load %arg6[%swap3A_159, %swap3A_160] {strides = array<i32>} : memref<328x256xf32, #tpu.memory_space<vmem>>, vector<16xf32>,
          tpu.vector_store %arg6[%swap3A_159, %swap3A_160], %max3A_158 {strides = array<i32>} : memref<328x256xf32, #tpu.memory_space<vmem>>, vector<16xf32>,
          %get3A_162 = arith.index_cast %squeeze3A : i32 to index
          %get3A_163 = arith.constant 32 : index
          %get3A_164 = tpu.vector_load %arg6[%get3A_162, %get3A_163] {strides = array<i32>} : memref<328x256xf32, #tpu.memory_space<vmem>>, vector<16xf32>,
          %get3A_165 = arith.index_cast %and3A_113 : i32 to index
          %get3A_166 = arith.index_cast %scan3A_137 : i32 to index
          %get3A_167 = arith.constant 32 : index
          %get3A_168 = tpu.vector_load %arg11[%get3A_165, %get3A_166, %get3A_167] {strides = array<i32>} : memref<2x56x256xf32, #tpu.memory_space<vmem>>, vector<16xf32>,
          %max3A_169 = arith.maximumf %get3A_164, %get3A_168 : vector<16xf32>
          %swap3A_170 = arith.index_cast %squeeze3A : i32 to index
          %swap3A_171 = arith.constant 32 : index
          %swap3A_172 = tpu.vector_load %arg6[%swap3A_170, %swap3A_171] {strides = array<i32>} : memref<328x256xf32, #tpu.memory_space<vmem>>, vector<16xf32>,
          tpu.vector_store %arg6[%swap3A_170, %swap3A_171], %max3A_169 {strides = array<i32>} : memref<328x256xf32, #tpu.memory_space<vmem>>, vector<16xf32>,
          %get3A_173 = arith.index_cast %squeeze3A : i32 to index
          %get3A_174 = arith.constant 48 : index
          %get3A_175 = tpu.vector_load %arg6[%get3A_173, %get3A_174] {strides = array<i32>} : memref<328x256xf32, #tpu.memory_space<vmem>>, vector<16xf32>,
          %get3A_176 = arith.index_cast %and3A_113 : i32 to index
          %get3A_177 = arith.index_cast %scan3A_137 : i32 to index
          %get3A_178 = arith.constant 48 : index
          %get3A_179 = tpu.vector_load %arg11[%get3A_176, %get3A_177, %get3A_178] {strides = array<i32>} : memref<2x56x256xf32, #tpu.memory_space<vmem>>, vector<16xf32>,
          %max3A_180 = arith.maximumf %get3A_175, %get3A_179 : vector<16xf32>
          %swap3A_181 = arith.index_cast %squeeze3A : i32 to index
          %swap3A_182 = arith.constant 48 : index
          %swap3A_183 = tpu.vector_load %arg6[%swap3A_181, %swap3A_182] {strides = array<i32>} : memref<328x256xf32, #tpu.memory_space<vmem>>, vector<16xf32>,
          tpu.vector_store %arg6[%swap3A_181, %swap3A_182], %max3A_180 {strides = array<i32>} : memref<328x256xf32, #tpu.memory_space<vmem>>, vector<16xf32>,
          %get3A_184 = arith.index_cast %squeeze3A : i32 to index
          %get3A_185 = arith.constant 64 : index
          %get3A_186 = tpu.vector_load %arg6[%get3A_184, %get3A_185] {strides = array<i32>} : memref<328x256xf32, #tpu.memory_space<vmem>>, vector<16xf32>,
          %get3A_187 = arith.index_cast %and3A_113 : i32 to index
          %get3A_188 = arith.index_cast %scan3A_137 : i32 to index
          %get3A_189 = arith.constant 64 : index
          %get3A_190 = tpu.vector_load %arg11[%get3A_187, %get3A_188, %get3A_189] {strides = array<i32>} : memref<2x56x256xf32, #tpu.memory_space<vmem>>, vector<16xf32>,
          %max3A_191 = arith.maximumf %get3A_186, %get3A_190 : vector<16xf32>
          %swap3A_192 = arith.index_cast %squeeze3A : i32 to index
          %swap3A_193 = arith.constant 64 : index
          %swap3A_194 = tpu.vector_load %arg6[%swap3A_192, %swap3A_193] {strides = array<i32>} : memref<328x256xf32, #tpu.memory_space<vmem>>, vector<16xf32>,
          tpu.vector_store %arg6[%swap3A_192, %swap3A_193], %max3A_191 {strides = array<i32>} : memref<328x256xf32, #tpu.memory_space<vmem>>, vector<16xf32>,
          %get3A_195 = arith.index_cast %squeeze3A : i32 to index
          %get3A_196 = arith.constant 80 : index
          %get3A_197 = tpu.vector_load %arg6[%get3A_195, %get3A_196] {strides = array<i32>} : memref<328x256xf32, #tpu.memory_space<vmem>>, vector<16xf32>,
          %get3A_198 = arith.index_cast %and3A_113 : i32 to index
          %get3A_199 = arith.index_cast %scan3A_137 : i32 to index
          %get3A_200 = arith.constant 80 : index
          %get3A_201 = tpu.vector_load %arg11[%get3A_198, %get3A_199, %get3A_200] {strides = array<i32>} : memref<2x56x256xf32, #tpu.memory_space<vmem>>, vector<16xf32>,
          %max3A_202 = arith.maximumf %get3A_197, %get3A_201 : vector<16xf32>
          %swap3A_203 = arith.index_cast %squeeze3A : i32 to index
          %swap3A_204 = arith.constant 80 : index
          %swap3A_205 = tpu.vector_load %arg6[%swap3A_203, %swap3A_204] {strides = array<i32>} : memref<328x256xf32, #tpu.memory_space<vmem>>, vector<16xf32>,
          tpu.vector_store %arg6[%swap3A_203, %swap3A_204], %max3A_202 {strides = array<i32>} : memref<328x256xf32, #tpu.memory_space<vmem>>, vector<16xf32>,
          %get3A_206 = arith.index_cast %squeeze3A : i32 to index
          %get3A_207 = arith.constant 96 : index
          %get3A_208 = tpu.vector_load %arg6[%get3A_206, %get3A_207] {strides = array<i32>} : memref<328x256xf32, #tpu.memory_space<vmem>>, vector<16xf32>,
          %get3A_209 = arith.index_cast %and3A_113 : i32 to index
          %get3A_210 = arith.index_cast %scan3A_137 : i32 to index
          %get3A_211 = arith.constant 96 : index
          %get3A_212 = tpu.vector_load %arg11[%get3A_209, %get3A_210, %get3A_211] {strides = array<i32>} : memref<2x56x256xf32, #tpu.memory_space<vmem>>, vector<16xf32>,
          %max3A_213 = arith.maximumf %get3A_208, %get3A_212 : vector<16xf32>
          %swap3A_214 = arith.index_cast %squeeze3A : i32 to index
          %swap3A_215 = arith.constant 96 : index
          %swap3A_216 = tpu.vector_load %arg6[%swap3A_214, %swap3A_215] {strides = array<i32>} : memref<328x256xf32, #tpu.memory_space<vmem>>, vector<16xf32>,
          tpu.vector_store %arg6[%swap3A_214, %swap3A_215], %max3A_213 {strides = array<i32>} : memref<328x256xf32, #tpu.memory_space<vmem>>, vector<16xf32>,
          %get3A_217 = arith.index_cast %squeeze3A : i32 to index
          %get3A_218 = arith.constant 112 : index
          %get3A_219 = tpu.vector_load %arg6[%get3A_217, %get3A_218] {strides = array<i32>} : memref<328x256xf32, #tpu.memory_space<vmem>>, vector<16xf32>,
          %get3A_220 = arith.index_cast %and3A_113 : i32 to index
          %get3A_221 = arith.index_cast %scan3A_137 : i32 to index
          %get3A_222 = arith.constant 112 : index
          %get3A_223 = tpu.vector_load %arg11[%get3A_220, %get3A_221, %get3A_222] {strides = array<i32>} : memref<2x56x256xf32, #tpu.memory_space<vmem>>, vector<16xf32>,
          %max3A_224 = arith.maximumf %get3A_219, %get3A_223 : vector<16xf32>
          %swap3A_225 = arith.index_cast %squeeze3A : i32 to index
          %swap3A_226 = arith.constant 112 : index
          %swap3A_227 = tpu.vector_load %arg6[%swap3A_225, %swap3A_226] {strides = array<i32>} : memref<328x256xf32, #tpu.memory_space<vmem>>, vector<16xf32>,
          tpu.vector_store %arg6[%swap3A_225, %swap3A_226], %max3A_224 {strides = array<i32>} : memref<328x256xf32, #tpu.memory_space<vmem>>, vector<16xf32>,
          %get3A_228 = arith.index_cast %squeeze3A : i32 to index
          %get3A_229 = arith.constant 128 : index
          %get3A_230 = tpu.vector_load %arg6[%get3A_228, %get3A_229] {strides = array<i32>} : memref<328x256xf32, #tpu.memory_space<vmem>>, vector<16xf32>,
          %get3A_231 = arith.index_cast %and3A_113 : i32 to index
          %get3A_232 = arith.index_cast %scan3A_137 : i32 to index
          %get3A_233 = arith.constant 128 : index
          %get3A_234 = tpu.vector_load %arg11[%get3A_231, %get3A_232, %get3A_233] {strides = array<i32>} : memref<2x56x256xf32, #tpu.memory_space<vmem>>, vector<16xf32>,
          %max3A_235 = arith.maximumf %get3A_230, %get3A_234 : vector<16xf32>
          %swap3A_236 = arith.index_cast %squeeze3A : i32 to index
          %swap3A_237 = arith.constant 128 : index
          %swap3A_238 = tpu.vector_load %arg6[%swap3A_236, %swap3A_237] {strides = array<i32>} : memref<328x256xf32, #tpu.memory_space<vmem>>, vector<16xf32>,
          tpu.vector_store %arg6[%swap3A_236, %swap3A_237], %max3A_235 {strides = array<i32>} : memref<328x256xf32, #tpu.memory_space<vmem>>, vector<16xf32>,
          %get3A_239 = arith.index_cast %squeeze3A : i32 to index
          %get3A_240 = arith.constant 144 : index
          %get3A_241 = tpu.vector_load %arg6[%get3A_239, %get3A_240] {strides = array<i32>} : memref<328x256xf32, #tpu.memory_space<vmem>>, vector<16xf32>,
          %get3A_242 = arith.index_cast %and3A_113 : i32 to index
          %get3A_243 = arith.index_cast %scan3A_137 : i32 to index
          %get3A_244 = arith.constant 144 : index
          %get3A_245 = tpu.vector_load %arg11[%get3A_242, %get3A_243, %get3A_244] {strides = array<i32>} : memref<2x56x256xf32, #tpu.memory_space<vmem>>, vector<16xf32>,
          %max3A_246 = arith.maximumf %get3A_241, %get3A_245 : vector<16xf32>
          %swap3A_247 = arith.index_cast %squeeze3A : i32 to index
          %swap3A_248 = arith.constant 144 : index
          %swap3A_249 = tpu.vector_load %arg6[%swap3A_247, %swap3A_248] {strides = array<i32>} : memref<328x256xf32, #tpu.memory_space<vmem>>, vector<16xf32>,
          tpu.vector_store %arg6[%swap3A_247, %swap3A_248], %max3A_246 {strides = array<i32>} : memref<328x256xf32, #tpu.memory_space<vmem>>, vector<16xf32>,
          %get3A_250 = arith.index_cast %squeeze3A : i32 to index
          %get3A_251 = arith.constant 160 : index
          %get3A_252 = tpu.vector_load %arg6[%get3A_250, %get3A_251] {strides = array<i32>} : memref<328x256xf32, #tpu.memory_space<vmem>>, vector<16xf32>,
          %get3A_253 = arith.index_cast %and3A_113 : i32 to index
          %get3A_254 = arith.index_cast %scan3A_137 : i32 to index
          %get3A_255 = arith.constant 160 : index
          %get3A_256 = tpu.vector_load %arg11[%get3A_253, %get3A_254, %get3A_255] {strides = array<i32>} : memref<2x56x256xf32, #tpu.memory_space<vmem>>, vector<16xf32>,
          %max3A_257 = arith.maximumf %get3A_252, %get3A_256 : vector<16xf32>
          %swap3A_258 = arith.index_cast %squeeze3A : i32 to index
          %swap3A_259 = arith.constant 160 : index
          %swap3A_260 = tpu.vector_load %arg6[%swap3A_258, %swap3A_259] {strides = array<i32>} : memref<328x256xf32, #tpu.memory_space<vmem>>, vector<16xf32>,
          tpu.vector_store %arg6[%swap3A_258, %swap3A_259], %max3A_257 {strides = array<i32>} : memref<328x256xf32, #tpu.memory_space<vmem>>, vector<16xf32>,
          %get3A_261 = arith.index_cast %squeeze3A : i32 to index
          %get3A_262 = arith.constant 176 : index
          %get3A_263 = tpu.vector_load %arg6[%get3A_261, %get3A_262] {strides = array<i32>} : memref<328x256xf32, #tpu.memory_space<vmem>>, vector<16xf32>,
          %get3A_264 = arith.index_cast %and3A_113 : i32 to index
          %get3A_265 = arith.index_cast %scan3A_137 : i32 to index
          %get3A_266 = arith.constant 176 : index
          %get3A_267 = tpu.vector_load %arg11[%get3A_264, %get3A_265, %get3A_266] {strides = array<i32>} : memref<2x56x256xf32, #tpu.memory_space<vmem>>, vector<16xf32>,
          %max3A_268 = arith.maximumf %get3A_263, %get3A_267 : vector<16xf32>
          %swap3A_269 = arith.index_cast %squeeze3A : i32 to index
          %swap3A_270 = arith.constant 176 : index
          %swap3A_271 = tpu.vector_load %arg6[%swap3A_269, %swap3A_270] {strides = array<i32>} : memref<328x256xf32, #tpu.memory_space<vmem>>, vector<16xf32>,
          tpu.vector_store %arg6[%swap3A_269, %swap3A_270], %max3A_268 {strides = array<i32>} : memref<328x256xf32, #tpu.memory_space<vmem>>, vector<16xf32>,
          %get3A_272 = arith.index_cast %squeeze3A : i32 to index
          %get3A_273 = arith.constant 192 : index
          %get3A_274 = tpu.vector_load %arg6[%get3A_272, %get3A_273] {strides = array<i32>} : memref<328x256xf32, #tpu.memory_space<vmem>>, vector<16xf32>,
          %get3A_275 = arith.index_cast %and3A_113 : i32 to index
          %get3A_276 = arith.index_cast %scan3A_137 : i32 to index
          %get3A_277 = arith.constant 192 : index
          %get3A_278 = tpu.vector_load %arg11[%get3A_275, %get3A_276, %get3A_277] {strides = array<i32>} : memref<2x56x256xf32, #tpu.memory_space<vmem>>, vector<16xf32>,
          %max3A_279 = arith.maximumf %get3A_274, %get3A_278 : vector<16xf32>
          %swap3A_280 = arith.index_cast %squeeze3A : i32 to index
          %swap3A_281 = arith.constant 192 : index
          %swap3A_282 = tpu.vector_load %arg6[%swap3A_280, %swap3A_281] {strides = array<i32>} : memref<328x256xf32, #tpu.memory_space<vmem>>, vector<16xf32>,
          tpu.vector_store %arg6[%swap3A_280, %swap3A_281], %max3A_279 {strides = array<i32>} : memref<328x256xf32, #tpu.memory_space<vmem>>, vector<16xf32>,
          %get3A_283 = arith.index_cast %squeeze3A : i32 to index
          %get3A_284 = arith.constant 208 : index
          %get3A_285 = tpu.vector_load %arg6[%get3A_283, %get3A_284] {strides = array<i32>} : memref<328x256xf32, #tpu.memory_space<vmem>>, vector<16xf32>,
          %get3A_286 = arith.index_cast %and3A_113 : i32 to index
          %get3A_287 = arith.index_cast %scan3A_137 : i32 to index
          %get3A_288 = arith.constant 208 : index
          %get3A_289 = tpu.vector_load %arg11[%get3A_286, %get3A_287, %get3A_288] {strides = array<i32>} : memref<2x56x256xf32, #tpu.memory_space<vmem>>, vector<16xf32>,
          %max3A_290 = arith.maximumf %get3A_285, %get3A_289 : vector<16xf32>
          %swap3A_291 = arith.index_cast %squeeze3A : i32 to index
          %swap3A_292 = arith.constant 208 : index
          %swap3A_293 = tpu.vector_load %arg6[%swap3A_291, %swap3A_292] {strides = array<i32>} : memref<328x256xf32, #tpu.memory_space<vmem>>, vector<16xf32>,
          tpu.vector_store %arg6[%swap3A_291, %swap3A_292], %max3A_290 {strides = array<i32>} : memref<328x256xf32, #tpu.memory_space<vmem>>, vector<16xf32>,
          %get3A_294 = arith.index_cast %squeeze3A : i32 to index
          %get3A_295 = arith.constant 224 : index
          %get3A_296 = tpu.vector_load %arg6[%get3A_294, %get3A_295] {strides = array<i32>} : memref<328x256xf32, #tpu.memory_space<vmem>>, vector<16xf32>,
          %get3A_297 = arith.index_cast %and3A_113 : i32 to index
          %get3A_298 = arith.index_cast %scan3A_137 : i32 to index
          %get3A_299 = arith.constant 224 : index
          %get3A_300 = tpu.vector_load %arg11[%get3A_297, %get3A_298, %get3A_299] {strides = array<i32>} : memref<2x56x256xf32, #tpu.memory_space<vmem>>, vector<16xf32>,
          %max3A_301 = arith.maximumf %get3A_296, %get3A_300 : vector<16xf32>
          %swap3A_302 = arith.index_cast %squeeze3A : i32 to index
          %swap3A_303 = arith.constant 224 : index
          %swap3A_304 = tpu.vector_load %arg6[%swap3A_302, %swap3A_303] {strides = array<i32>} : memref<328x256xf32, #tpu.memory_space<vmem>>, vector<16xf32>,
          tpu.vector_store %arg6[%swap3A_302, %swap3A_303], %max3A_301 {strides = array<i32>} : memref<328x256xf32, #tpu.memory_space<vmem>>, vector<16xf32>,
          %get3A_305 = arith.index_cast %squeeze3A : i32 to index
          %get3A_306 = arith.constant 240 : index
          %get3A_307 = tpu.vector_load %arg6[%get3A_305, %get3A_306] {strides = array<i32>} : memref<328x256xf32, #tpu.memory_space<vmem>>, vector<16xf32>,
          %get3A_308 = arith.index_cast %and3A_113 : i32 to index
          %get3A_309 = arith.index_cast %scan3A_137 : i32 to index
          %get3A_310 = arith.constant 240 : index
          %get3A_311 = tpu.vector_load %arg11[%get3A_308, %get3A_309, %get3A_310] {strides = array<i32>} : memref<2x56x256xf32, #tpu.memory_space<vmem>>, vector<16xf32>,
          %max3A_312 = arith.maximumf %get3A_307, %get3A_311 : vector<16xf32>
          %swap3A_313 = arith.index_cast %squeeze3A : i32 to index
          %swap3A_314 = arith.constant 240 : index
          %swap3A_315 = tpu.vector_load %arg6[%swap3A_313, %swap3A_314] {strides = array<i32>} : memref<328x256xf32, #tpu.memory_space<vmem>>, vector<16xf32>,
          tpu.vector_store %arg6[%swap3A_313, %swap3A_314], %max3A_312 {strides = array<i32>} : memref<328x256xf32, #tpu.memory_space<vmem>>, vector<16xf32>,
          %scan3A_316 = arith.constant 0 : i32
          scf.yield %scan3A_316 : i32
        }
        %scan3A_135 = arith.constant 56 : i32
        %while3A_136 = arith.constant 0 : i32
        scf.yield %while3A_136 : i32
      }
      %while3A_107 = arith.constant 1 : i32
      %while3A_108 = scf.for %while3A_110 = %while3A_104 to %while3A_100 step %while3A_107 iter_args(%while3A_111 = %while3A_106) -> (i32)  : i32 {
        %and3A_112 = arith.constant 1 : i32
        %and3A_113 = arith.andi %while3A_110, %and3A_112 : i32
        %dma_wait3A = arith.constant 0 : i32
        %dma_wait3A_114 = arith.constant 0 : i32
        %dma_wait3A_115 = tpu.memref_slice %arg11[%and3A_113, %dma_wait3A, %dma_wait3A_114] : memref<2x56x256xf32, #tpu.memory_space<vmem>> -> memref<1x56x256xf32, #tpu.memory_space<vmem>>
        %dma_wait3A_116 = tpu.memref_squeeze %dma_wait3A_115 : memref<1x56x256xf32, #tpu.memory_space<vmem>> -> memref<56x256xf32, #tpu.memory_space<vmem>>
        %dma_wait3A_117 = arith.constant 0 : i32
        %dma_wait3A_118 = tpu.memref_slice %arg9[%dma_wait3A_117] : memref<4352xi32, #tpu.memory_space<vmem>> -> memref<56xi32, #tpu.memory_space<vmem>>
        %dma_wait3A_119 = arith.constant 0 : i32
        %dma_wait3A_120 = arith.constant 0 : i32
        %dma_wait3A_121 = tpu.memref_slice %arg2[%dma_wait3A_119, %dma_wait3A_120] : memref<10000x256xf32, #tpu.memory_space<hbm>> -> memref<10000x256xf32, #tpu.memory_space<hbm>>
        tpu.wait_indirect_dma semaphore(%arg12 : memref<!tpu.dma_semaphore, #tpu.memory_space<semaphore_mem>>) src(%dma_wait3A_121 : memref<10000x256xf32, #tpu.memory_space<hbm>>) dst(%dma_wait3A_116 : memref<56x256xf32, #tpu.memory_space<vmem>>)
        %add3A_122 = arith.constant 1 : i32
        %add3A_123 = arith.addi %while3A_110, %add3A_122 : i32
        %lt3A = arith.cmpi slt, %add3A_123, %select_n3A : i32
        %convert_element_type3A_124 = arith.extui %lt3A : i1 to i32
        %cond3A_125 = arith.constant 0 : i32
        %cond3A_126 = arith.cmpi ne, %convert_element_type3A_124, %cond3A_125 : i32
        scf.if %cond3A_126 {
          %add3A_137 = arith.constant 1 : i32
          %add3A_138 = arith.addi %while3A_110, %add3A_137 : i32
          %mul3A_139 = arith.constant 56 : i32
          %mul3A_140 = arith.muli %add3A_138, %mul3A_139 : i32
          %sub3A_141 = arith.constant 1 : i32
          %sub3A_142 = arith.subi %sub3A_141, %and3A_113 : i32
          %dma_start3A_143 = arith.constant 0 : i32
          %dma_start3A_144 = arith.constant 0 : i32
          %dma_start3A_145 = tpu.memref_slice %arg11[%sub3A_142, %dma_start3A_143, %dma_start3A_144] : memref<2x56x256xf32, #tpu.memory_space<vmem>> -> memref<1x56x256xf32, #tpu.memory_space<vmem>>
          %dma_start3A_146 = tpu.memref_squeeze %dma_start3A_145 : memref<1x56x256xf32, #tpu.memory_space<vmem>> -> memref<56x256xf32, #tpu.memory_space<vmem>>
          %dma_start3A_147 = tpu.memref_slice %arg9[%mul3A_140] : memref<4352xi32, #tpu.memory_space<vmem>> -> memref<56xi32, #tpu.memory_space<vmem>>
          %dma_start3A_148 = arith.constant 0 : i32
          %dma_start3A_149 = arith.constant 0 : i32
          %dma_start3A_150 = tpu.memref_slice %arg2[%dma_start3A_148, %dma_start3A_149] : memref<10000x256xf32, #tpu.memory_space<hbm>> -> memref<10000x256xf32, #tpu.memory_space<hbm>>
          tpu.enqueue_indirect_dma source(%dma_start3A_150 : memref<10000x256xf32, #tpu.memory_space<hbm>>) target(%dma_start3A_146 : memref<56x256xf32, #tpu.memory_space<vmem>>) offsets(%dma_start3A_147 : memref<56xi32, #tpu.memory_space<vmem>>) semaphore(%arg12 : memref<!tpu.dma_semaphore, #tpu.memory_space<semaphore_mem>>)
        } else {
        }
        %mul3A_127 = arith.constant 56 : i32
        %mul3A_128 = arith.muli %while3A_110, %mul3A_127 : i32
        %scan3A_129 = arith.constant 0 : i32
        %scan3A_130 = arith.constant 0 : i32
        %scan3A_131 = arith.constant 56 : i32
        %scan3A_132 = arith.addi %scan3A_130, %scan3A_131 : i32
        %scan3A_133 = arith.constant 1 : i32
        %scan3A_134 = scf.for %scan3A_137 = %scan3A_130 to %scan3A_132 step %scan3A_133 iter_args(%scan3A_138 = %scan3A_129) -> (i32)  : i32 {
          %add3A_139 = arith.addi %mul3A_128, %scan3A_137 : i32
          %get3A = arith.index_cast %add3A_139 : i32 to index
          %get3A_140 = tpu.vector_load %arg10[%get3A] {strides = array<i32>} : memref<4352xi32, #tpu.memory_space<vmem>>, vector<16xi32>,
          %slice3A = vector.extract_strided_slice %get3A_140 {offsets = [0], sizes = [1], strides = [1]} : vector<16xi32> to vector<1xi32>
          %squeeze3A = vector.extract %slice3A[0] : i32 from vector<1xi32>
          %get3A_141 = arith.index_cast %squeeze3A : i32 to index
          %get3A_142 = arith.constant 0 : index
          %get3A_143 = tpu.vector_load %arg6[%get3A_141, %get3A_142] {strides = array<i32>} : memref<328x256xf32, #tpu.memory_space<vmem>>, vector<16xf32>,
          %get3A_144 = arith.index_cast %and3A_113 : i32 to index
          %get3A_145 = arith.index_cast %scan3A_137 : i32 to index
          %get3A_146 = arith.constant 0 : index
          %get3A_147 = tpu.vector_load %arg11[%get3A_144, %get3A_145, %get3A_146] {strides = array<i32>} : memref<2x56x256xf32, #tpu.memory_space<vmem>>, vector<16xf32>,
          %max3A = arith.maximumf %get3A_143, %get3A_147 : vector<16xf32>
          %swap3A_148 = arith.index_cast %squeeze3A : i32 to index
          %swap3A_149 = arith.constant 0 : index
          %swap3A_150 = tpu.vector_load %arg6[%swap3A_148, %swap3A_149] {strides = array<i32>} : memref<328x256xf32, #tpu.memory_space<vmem>>, vector<16xf32>,
          tpu.vector_store %arg6[%swap3A_148, %swap3A_149], %max3A {strides = array<i32>} : memref<328x256xf32, #tpu.memory_space<vmem>>, vector<16xf32>,
          %get3A_151 = arith.index_cast %squeeze3A : i32 to index
          %get3A_152 = arith.constant 16 : index
          %get3A_153 = tpu.vector_load %arg6[%get3A_151, %get3A_152] {strides = array<i32>} : memref<328x256xf32, #tpu.memory_space<vmem>>, vector<16xf32>,
          %get3A_154 = arith.index_cast %and3A_113 : i32 to index
          %get3A_155 = arith.index_cast %scan3A_137 : i32 to index
          %get3A_156 = arith.constant 16 : index
          %get3A_157 = tpu.vector_load %arg11[%get3A_154, %get3A_155, %get3A_156] {strides = array<i32>} : memref<2x56x256xf32, #tpu.memory_space<vmem>>, vector<16xf32>,
          %max3A_158 = arith.maximumf %get3A_153, %get3A_157 : vector<16xf32>
          %swap3A_159 = arith.index_cast %squeeze3A : i32 to index
          %swap3A_160 = arith.constant 16 : index
          %swap3A_161 = tpu.vector_load %arg6[%swap3A_159, %swap3A_160] {strides = array<i32>} : memref<328x256xf32, #tpu.memory_space<vmem>>, vector<16xf32>,
          tpu.vector_store %arg6[%swap3A_159, %swap3A_160], %max3A_158 {strides = array<i32>} : memref<328x256xf32, #tpu.memory_space<vmem>>, vector<16xf32>,
          %get3A_162 = arith.index_cast %squeeze3A : i32 to index
          %get3A_163 = arith.constant 32 : index
          %get3A_164 = tpu.vector_load %arg6[%get3A_162, %get3A_163] {strides = array<i32>} : memref<328x256xf32, #tpu.memory_space<vmem>>, vector<16xf32>,
          %get3A_165 = arith.index_cast %and3A_113 : i32 to index
          %get3A_166 = arith.index_cast %scan3A_137 : i32 to index
          %get3A_167 = arith.constant 32 : index
          %get3A_168 = tpu.vector_load %arg11[%get3A_165, %get3A_166, %get3A_167] {strides = array<i32>} : memref<2x56x256xf32, #tpu.memory_space<vmem>>, vector<16xf32>,
          %max3A_169 = arith.maximumf %get3A_164, %get3A_168 : vector<16xf32>
          %swap3A_170 = arith.index_cast %squeeze3A : i32 to index
          %swap3A_171 = arith.constant 32 : index
          %swap3A_172 = tpu.vector_load %arg6[%swap3A_170, %swap3A_171] {strides = array<i32>} : memref<328x256xf32, #tpu.memory_space<vmem>>, vector<16xf32>,
          tpu.vector_store %arg6[%swap3A_170, %swap3A_171], %max3A_169 {strides = array<i32>} : memref<328x256xf32, #tpu.memory_space<vmem>>, vector<16xf32>,
          %get3A_173 = arith.index_cast %squeeze3A : i32 to index
          %get3A_174 = arith.constant 48 : index
          %get3A_175 = tpu.vector_load %arg6[%get3A_173, %get3A_174] {strides = array<i32>} : memref<328x256xf32, #tpu.memory_space<vmem>>, vector<16xf32>,
          %get3A_176 = arith.index_cast %and3A_113 : i32 to index
          %get3A_177 = arith.index_cast %scan3A_137 : i32 to index
          %get3A_178 = arith.constant 48 : index
          %get3A_179 = tpu.vector_load %arg11[%get3A_176, %get3A_177, %get3A_178] {strides = array<i32>} : memref<2x56x256xf32, #tpu.memory_space<vmem>>, vector<16xf32>,
          %max3A_180 = arith.maximumf %get3A_175, %get3A_179 : vector<16xf32>
          %swap3A_181 = arith.index_cast %squeeze3A : i32 to index
          %swap3A_182 = arith.constant 48 : index
          %swap3A_183 = tpu.vector_load %arg6[%swap3A_181, %swap3A_182] {strides = array<i32>} : memref<328x256xf32, #tpu.memory_space<vmem>>, vector<16xf32>,
          tpu.vector_store %arg6[%swap3A_181, %swap3A_182], %max3A_180 {strides = array<i32>} : memref<328x256xf32, #tpu.memory_space<vmem>>, vector<16xf32>,
          %get3A_184 = arith.index_cast %squeeze3A : i32 to index
          %get3A_185 = arith.constant 64 : index
          %get3A_186 = tpu.vector_load %arg6[%get3A_184, %get3A_185] {strides = array<i32>} : memref<328x256xf32, #tpu.memory_space<vmem>>, vector<16xf32>,
          %get3A_187 = arith.index_cast %and3A_113 : i32 to index
          %get3A_188 = arith.index_cast %scan3A_137 : i32 to index
          %get3A_189 = arith.constant 64 : index
          %get3A_190 = tpu.vector_load %arg11[%get3A_187, %get3A_188, %get3A_189] {strides = array<i32>} : memref<2x56x256xf32, #tpu.memory_space<vmem>>, vector<16xf32>,
          %max3A_191 = arith.maximumf %get3A_186, %get3A_190 : vector<16xf32>
          %swap3A_192 = arith.index_cast %squeeze3A : i32 to index
          %swap3A_193 = arith.constant 64 : index
          %swap3A_194 = tpu.vector_load %arg6[%swap3A_192, %swap3A_193] {strides = array<i32>} : memref<328x256xf32, #tpu.memory_space<vmem>>, vector<16xf32>,
          tpu.vector_store %arg6[%swap3A_192, %swap3A_193], %max3A_191 {strides = array<i32>} : memref<328x256xf32, #tpu.memory_space<vmem>>, vector<16xf32>,
          %get3A_195 = arith.index_cast %squeeze3A : i32 to index
          %get3A_196 = arith.constant 80 : index
          %get3A_197 = tpu.vector_load %arg6[%get3A_195, %get3A_196] {strides = array<i32>} : memref<328x256xf32, #tpu.memory_space<vmem>>, vector<16xf32>,
          %get3A_198 = arith.index_cast %and3A_113 : i32 to index
          %get3A_199 = arith.index_cast %scan3A_137 : i32 to index
          %get3A_200 = arith.constant 80 : index
          %get3A_201 = tpu.vector_load %arg11[%get3A_198, %get3A_199, %get3A_200] {strides = array<i32>} : memref<2x56x256xf32, #tpu.memory_space<vmem>>, vector<16xf32>,
          %max3A_202 = arith.maximumf %get3A_197, %get3A_201 : vector<16xf32>
          %swap3A_203 = arith.index_cast %squeeze3A : i32 to index
          %swap3A_204 = arith.constant 80 : index
          %swap3A_205 = tpu.vector_load %arg6[%swap3A_203, %swap3A_204] {strides = array<i32>} : memref<328x256xf32, #tpu.memory_space<vmem>>, vector<16xf32>,
          tpu.vector_store %arg6[%swap3A_203, %swap3A_204], %max3A_202 {strides = array<i32>} : memref<328x256xf32, #tpu.memory_space<vmem>>, vector<16xf32>,
          %get3A_206 = arith.index_cast %squeeze3A : i32 to index
          %get3A_207 = arith.constant 96 : index
          %get3A_208 = tpu.vector_load %arg6[%get3A_206, %get3A_207] {strides = array<i32>} : memref<328x256xf32, #tpu.memory_space<vmem>>, vector<16xf32>,
          %get3A_209 = arith.index_cast %and3A_113 : i32 to index
          %get3A_210 = arith.index_cast %scan3A_137 : i32 to index
          %get3A_211 = arith.constant 96 : index
          %get3A_212 = tpu.vector_load %arg11[%get3A_209, %get3A_210, %get3A_211] {strides = array<i32>} : memref<2x56x256xf32, #tpu.memory_space<vmem>>, vector<16xf32>,
          %max3A_213 = arith.maximumf %get3A_208, %get3A_212 : vector<16xf32>
          %swap3A_214 = arith.index_cast %squeeze3A : i32 to index
          %swap3A_215 = arith.constant 96 : index
          %swap3A_216 = tpu.vector_load %arg6[%swap3A_214, %swap3A_215] {strides = array<i32>} : memref<328x256xf32, #tpu.memory_space<vmem>>, vector<16xf32>,
          tpu.vector_store %arg6[%swap3A_214, %swap3A_215], %max3A_213 {strides = array<i32>} : memref<328x256xf32, #tpu.memory_space<vmem>>, vector<16xf32>,
          %get3A_217 = arith.index_cast %squeeze3A : i32 to index
          %get3A_218 = arith.constant 112 : index
          %get3A_219 = tpu.vector_load %arg6[%get3A_217, %get3A_218] {strides = array<i32>} : memref<328x256xf32, #tpu.memory_space<vmem>>, vector<16xf32>,
          %get3A_220 = arith.index_cast %and3A_113 : i32 to index
          %get3A_221 = arith.index_cast %scan3A_137 : i32 to index
          %get3A_222 = arith.constant 112 : index
          %get3A_223 = tpu.vector_load %arg11[%get3A_220, %get3A_221, %get3A_222] {strides = array<i32>} : memref<2x56x256xf32, #tpu.memory_space<vmem>>, vector<16xf32>,
          %max3A_224 = arith.maximumf %get3A_219, %get3A_223 : vector<16xf32>
          %swap3A_225 = arith.index_cast %squeeze3A : i32 to index
          %swap3A_226 = arith.constant 112 : index
          %swap3A_227 = tpu.vector_load %arg6[%swap3A_225, %swap3A_226] {strides = array<i32>} : memref<328x256xf32, #tpu.memory_space<vmem>>, vector<16xf32>,
          tpu.vector_store %arg6[%swap3A_225, %swap3A_226], %max3A_224 {strides = array<i32>} : memref<328x256xf32, #tpu.memory_space<vmem>>, vector<16xf32>,
          %get3A_228 = arith.index_cast %squeeze3A : i32 to index
          %get3A_229 = arith.constant 128 : index
          %get3A_230 = tpu.vector_load %arg6[%get3A_228, %get3A_229] {strides = array<i32>} : memref<328x256xf32, #tpu.memory_space<vmem>>, vector<16xf32>,
          %get3A_231 = arith.index_cast %and3A_113 : i32 to index
          %get3A_232 = arith.index_cast %scan3A_137 : i32 to index
          %get3A_233 = arith.constant 128 : index
          %get3A_234 = tpu.vector_load %arg11[%get3A_231, %get3A_232, %get3A_233] {strides = array<i32>} : memref<2x56x256xf32, #tpu.memory_space<vmem>>, vector<16xf32>,
          %max3A_235 = arith.maximumf %get3A_230, %get3A_234 : vector<16xf32>
          %swap3A_236 = arith.index_cast %squeeze3A : i32 to index
          %swap3A_237 = arith.constant 128 : index
          %swap3A_238 = tpu.vector_load %arg6[%swap3A_236, %swap3A_237] {strides = array<i32>} : memref<328x256xf32, #tpu.memory_space<vmem>>, vector<16xf32>,
          tpu.vector_store %arg6[%swap3A_236, %swap3A_237], %max3A_235 {strides = array<i32>} : memref<328x256xf32, #tpu.memory_space<vmem>>, vector<16xf32>,
          %get3A_239 = arith.index_cast %squeeze3A : i32 to index
          %get3A_240 = arith.constant 144 : index
          %get3A_241 = tpu.vector_load %arg6[%get3A_239, %get3A_240] {strides = array<i32>} : memref<328x256xf32, #tpu.memory_space<vmem>>, vector<16xf32>,
          %get3A_242 = arith.index_cast %and3A_113 : i32 to index
          %get3A_243 = arith.index_cast %scan3A_137 : i32 to index
          %get3A_244 = arith.constant 144 : index
          %get3A_245 = tpu.vector_load %arg11[%get3A_242, %get3A_243, %get3A_244] {strides = array<i32>} : memref<2x56x256xf32, #tpu.memory_space<vmem>>, vector<16xf32>,
          %max3A_246 = arith.maximumf %get3A_241, %get3A_245 : vector<16xf32>
          %swap3A_247 = arith.index_cast %squeeze3A : i32 to index
          %swap3A_248 = arith.constant 144 : index
          %swap3A_249 = tpu.vector_load %arg6[%swap3A_247, %swap3A_248] {strides = array<i32>} : memref<328x256xf32, #tpu.memory_space<vmem>>, vector<16xf32>,
          tpu.vector_store %arg6[%swap3A_247, %swap3A_248], %max3A_246 {strides = array<i32>} : memref<328x256xf32, #tpu.memory_space<vmem>>, vector<16xf32>,
          %get3A_250 = arith.index_cast %squeeze3A : i32 to index
          %get3A_251 = arith.constant 160 : index
          %get3A_252 = tpu.vector_load %arg6[%get3A_250, %get3A_251] {strides = array<i32>} : memref<328x256xf32, #tpu.memory_space<vmem>>, vector<16xf32>,
          %get3A_253 = arith.index_cast %and3A_113 : i32 to index
          %get3A_254 = arith.index_cast %scan3A_137 : i32 to index
          %get3A_255 = arith.constant 160 : index
          %get3A_256 = tpu.vector_load %arg11[%get3A_253, %get3A_254, %get3A_255] {strides = array<i32>} : memref<2x56x256xf32, #tpu.memory_space<vmem>>, vector<16xf32>,
          %max3A_257 = arith.maximumf %get3A_252, %get3A_256 : vector<16xf32>
          %swap3A_258 = arith.index_cast %squeeze3A : i32 to index
          %swap3A_259 = arith.constant 160 : index
          %swap3A_260 = tpu.vector_load %arg6[%swap3A_258, %swap3A_259] {strides = array<i32>} : memref<328x256xf32, #tpu.memory_space<vmem>>, vector<16xf32>,
          tpu.vector_store %arg6[%swap3A_258, %swap3A_259], %max3A_257 {strides = array<i32>} : memref<328x256xf32, #tpu.memory_space<vmem>>, vector<16xf32>,
          %get3A_261 = arith.index_cast %squeeze3A : i32 to index
          %get3A_262 = arith.constant 176 : index
          %get3A_263 = tpu.vector_load %arg6[%get3A_261, %get3A_262] {strides = array<i32>} : memref<328x256xf32, #tpu.memory_space<vmem>>, vector<16xf32>,
          %get3A_264 = arith.index_cast %and3A_113 : i32 to index
          %get3A_265 = arith.index_cast %scan3A_137 : i32 to index
          %get3A_266 = arith.constant 176 : index
          %get3A_267 = tpu.vector_load %arg11[%get3A_264, %get3A_265, %get3A_266] {strides = array<i32>} : memref<2x56x256xf32, #tpu.memory_space<vmem>>, vector<16xf32>,
          %max3A_268 = arith.maximumf %get3A_263, %get3A_267 : vector<16xf32>
          %swap3A_269 = arith.index_cast %squeeze3A : i32 to index
          %swap3A_270 = arith.constant 176 : index
          %swap3A_271 = tpu.vector_load %arg6[%swap3A_269, %swap3A_270] {strides = array<i32>} : memref<328x256xf32, #tpu.memory_space<vmem>>, vector<16xf32>,
          tpu.vector_store %arg6[%swap3A_269, %swap3A_270], %max3A_268 {strides = array<i32>} : memref<328x256xf32, #tpu.memory_space<vmem>>, vector<16xf32>,
          %get3A_272 = arith.index_cast %squeeze3A : i32 to index
          %get3A_273 = arith.constant 192 : index
          %get3A_274 = tpu.vector_load %arg6[%get3A_272, %get3A_273] {strides = array<i32>} : memref<328x256xf32, #tpu.memory_space<vmem>>, vector<16xf32>,
          %get3A_275 = arith.index_cast %and3A_113 : i32 to index
          %get3A_276 = arith.index_cast %scan3A_137 : i32 to index
          %get3A_277 = arith.constant 192 : index
          %get3A_278 = tpu.vector_load %arg11[%get3A_275, %get3A_276, %get3A_277] {strides = array<i32>} : memref<2x56x256xf32, #tpu.memory_space<vmem>>, vector<16xf32>,
          %max3A_279 = arith.maximumf %get3A_274, %get3A_278 : vector<16xf32>
          %swap3A_280 = arith.index_cast %squeeze3A : i32 to index
          %swap3A_281 = arith.constant 192 : index
          %swap3A_282 = tpu.vector_load %arg6[%swap3A_280, %swap3A_281] {strides = array<i32>} : memref<328x256xf32, #tpu.memory_space<vmem>>, vector<16xf32>,
          tpu.vector_store %arg6[%swap3A_280, %swap3A_281], %max3A_279 {strides = array<i32>} : memref<328x256xf32, #tpu.memory_space<vmem>>, vector<16xf32>,
          %get3A_283 = arith.index_cast %squeeze3A : i32 to index
          %get3A_284 = arith.constant 208 : index
          %get3A_285 = tpu.vector_load %arg6[%get3A_283, %get3A_284] {strides = array<i32>} : memref<328x256xf32, #tpu.memory_space<vmem>>, vector<16xf32>,
          %get3A_286 = arith.index_cast %and3A_113 : i32 to index
          %get3A_287 = arith.index_cast %scan3A_137 : i32 to index
          %get3A_288 = arith.constant 208 : index
          %get3A_289 = tpu.vector_load %arg11[%get3A_286, %get3A_287, %get3A_288] {strides = array<i32>} : memref<2x56x256xf32, #tpu.memory_space<vmem>>, vector<16xf32>,
          %max3A_290 = arith.maximumf %get3A_285, %get3A_289 : vector<16xf32>
          %swap3A_291 = arith.index_cast %squeeze3A : i32 to index
          %swap3A_292 = arith.constant 208 : index
          %swap3A_293 = tpu.vector_load %arg6[%swap3A_291, %swap3A_292] {strides = array<i32>} : memref<328x256xf32, #tpu.memory_space<vmem>>, vector<16xf32>,
          tpu.vector_store %arg6[%swap3A_291, %swap3A_292], %max3A_290 {strides = array<i32>} : memref<328x256xf32, #tpu.memory_space<vmem>>, vector<16xf32>,
          %get3A_294 = arith.index_cast %squeeze3A : i32 to index
          %get3A_295 = arith.constant 224 : index
          %get3A_296 = tpu.vector_load %arg6[%get3A_294, %get3A_295] {strides = array<i32>} : memref<328x256xf32, #tpu.memory_space<vmem>>, vector<16xf32>,
          %get3A_297 = arith.index_cast %and3A_113 : i32 to index
          %get3A_298 = arith.index_cast %scan3A_137 : i32 to index
          %get3A_299 = arith.constant 224 : index
          %get3A_300 = tpu.vector_load %arg11[%get3A_297, %get3A_298, %get3A_299] {strides = array<i32>} : memref<2x56x256xf32, #tpu.memory_space<vmem>>, vector<16xf32>,
          %max3A_301 = arith.maximumf %get3A_296, %get3A_300 : vector<16xf32>
          %swap3A_302 = arith.index_cast %squeeze3A : i32 to index
          %swap3A_303 = arith.constant 224 : index
          %swap3A_304 = tpu.vector_load %arg6[%swap3A_302, %swap3A_303] {strides = array<i32>} : memref<328x256xf32, #tpu.memory_space<vmem>>, vector<16xf32>,
          tpu.vector_store %arg6[%swap3A_302, %swap3A_303], %max3A_301 {strides = array<i32>} : memref<328x256xf32, #tpu.memory_space<vmem>>, vector<16xf32>,
          %get3A_305 = arith.index_cast %squeeze3A : i32 to index
          %get3A_306 = arith.constant 240 : index
          %get3A_307 = tpu.vector_load %arg6[%get3A_305, %get3A_306] {strides = array<i32>} : memref<328x256xf32, #tpu.memory_space<vmem>>, vector<16xf32>,
          %get3A_308 = arith.index_cast %and3A_113 : i32 to index
          %get3A_309 = arith.index_cast %scan3A_137 : i32 to index
          %get3A_310 = arith.constant 240 : index
          %get3A_311 = tpu.vector_load %arg11[%get3A_308, %get3A_309, %get3A_310] {strides = array<i32>} : memref<2x56x256xf32, #tpu.memory_space<vmem>>, vector<16xf32>,
          %max3A_312 = arith.maximumf %get3A_307, %get3A_311 : vector<16xf32>
          %swap3A_313 = arith.index_cast %squeeze3A : i32 to index
          %swap3A_314 = arith.constant 240 : index
          %swap3A_315 = tpu.vector_load %arg6[%swap3A_313, %swap3A_314] {strides = array<i32>} : memref<328x256xf32, #tpu.memory_space<vmem>>, vector<16xf32>,
          tpu.vector_store %arg6[%swap3A_313, %swap3A_314], %max3A_312 {strides = array<i32>} : memref<328x256xf32, #tpu.memory_space<vmem>>, vector<16xf32>,
          %scan3A_316 = arith.constant 0 : i32
          scf.yield %scan3A_316 : i32
        }
        %scan3A_135 = arith.constant 56 : i32
        %while3A_136 = arith.constant 0 : i32
        scf.yield %while3A_136 : i32
      }
      %cond3A_109 = arith.constant 0 : i32
      scf.yield %cond3A_109 : i32
    } else {
      scf.yield %scan3A_20 : i32
    }
    %scan3A_25 = arith.constant 0 : i32
    %scan3A_26 = arith.constant 0 : i32
    %scan3A_27 = arith.constant 320 : i32
    %scan3A_28 = arith.addi %scan3A_26, %scan3A_27 : i32
    %scan3A_29 = arith.constant 1 : i32
    %scan3A_30 = scf.for %scan3A_32 = %scan3A_26 to %scan3A_28 step %scan3A_29 iter_args(%scan3A_33 = %scan3A_25) -> (i32)  : i32 {
      %get3A = arith.index_cast %scan3A_32 : i32 to index
      %get3A_34 = arith.constant 0 : index
      %get3A_35 = tpu.vector_load %arg6[%get3A, %get3A_34] {strides = array<i32>} : memref<328x256xf32, #tpu.memory_space<vmem>>, vector<16xf32>,
      %eq3A = arith.cmpf oeq, %get3A_35, %broadcast_in_dim3A_3 : vector<16xf32>
      %select_n3A = arith.select %eq3A, %broadcast_in_dim3A_5, %get3A_35 : vector<16xi1>, vector<16xf32>
      %swap3A = arith.index_cast %scan3A_32 : i32 to index
      %swap3A_36 = arith.constant 0 : index
      %swap3A_37 = tpu.vector_load %arg6[%swap3A, %swap3A_36] {strides = array<i32>} : memref<328x256xf32, #tpu.memory_space<vmem>>, vector<16xf32>,
      tpu.vector_store %arg6[%swap3A, %swap3A_36], %select_n3A {strides = array<i32>} : memref<328x256xf32, #tpu.memory_space<vmem>>, vector<16xf32>,
      %get3A_38 = arith.index_cast %scan3A_32 : i32 to index
      %get3A_39 = arith.constant 16 : index
      %get3A_40 = tpu.vector_load %arg6[%get3A_38, %get3A_39] {strides = array<i32>} : memref<328x256xf32, #tpu.memory_space<vmem>>, vector<16xf32>,
      %eq3A_41 = arith.cmpf oeq, %get3A_40, %broadcast_in_dim3A_3 : vector<16xf32>
      %select_n3A_42 = arith.select %eq3A_41, %broadcast_in_dim3A_5, %get3A_40 : vector<16xi1>, vector<16xf32>
      %swap3A_43 = arith.index_cast %scan3A_32 : i32 to index
      %swap3A_44 = arith.constant 16 : index
      %swap3A_45 = tpu.vector_load %arg6[%swap3A_43, %swap3A_44] {strides = array<i32>} : memref<328x256xf32, #tpu.memory_space<vmem>>, vector<16xf32>,
      tpu.vector_store %arg6[%swap3A_43, %swap3A_44], %select_n3A_42 {strides = array<i32>} : memref<328x256xf32, #tpu.memory_space<vmem>>, vector<16xf32>,
      %get3A_46 = arith.index_cast %scan3A_32 : i32 to index
      %get3A_47 = arith.constant 32 : index
      %get3A_48 = tpu.vector_load %arg6[%get3A_46, %get3A_47] {strides = array<i32>} : memref<328x256xf32, #tpu.memory_space<vmem>>, vector<16xf32>,
      %eq3A_49 = arith.cmpf oeq, %get3A_48, %broadcast_in_dim3A_3 : vector<16xf32>
      %select_n3A_50 = arith.select %eq3A_49, %broadcast_in_dim3A_5, %get3A_48 : vector<16xi1>, vector<16xf32>
      %swap3A_51 = arith.index_cast %scan3A_32 : i32 to index
      %swap3A_52 = arith.constant 32 : index
      %swap3A_53 = tpu.vector_load %arg6[%swap3A_51, %swap3A_52] {strides = array<i32>} : memref<328x256xf32, #tpu.memory_space<vmem>>, vector<16xf32>,
      tpu.vector_store %arg6[%swap3A_51, %swap3A_52], %select_n3A_50 {strides = array<i32>} : memref<328x256xf32, #tpu.memory_space<vmem>>, vector<16xf32>,
      %get3A_54 = arith.index_cast %scan3A_32 : i32 to index
      %get3A_55 = arith.constant 48 : index
      %get3A_56 = tpu.vector_load %arg6[%get3A_54, %get3A_55] {strides = array<i32>} : memref<328x256xf32, #tpu.memory_space<vmem>>, vector<16xf32>,
      %eq3A_57 = arith.cmpf oeq, %get3A_56, %broadcast_in_dim3A_3 : vector<16xf32>
      %select_n3A_58 = arith.select %eq3A_57, %broadcast_in_dim3A_5, %get3A_56 : vector<16xi1>, vector<16xf32>
      %swap3A_59 = arith.index_cast %scan3A_32 : i32 to index
      %swap3A_60 = arith.constant 48 : index
      %swap3A_61 = tpu.vector_load %arg6[%swap3A_59, %swap3A_60] {strides = array<i32>} : memref<328x256xf32, #tpu.memory_space<vmem>>, vector<16xf32>,
      tpu.vector_store %arg6[%swap3A_59, %swap3A_60], %select_n3A_58 {strides = array<i32>} : memref<328x256xf32, #tpu.memory_space<vmem>>, vector<16xf32>,
      %get3A_62 = arith.index_cast %scan3A_32 : i32 to index
      %get3A_63 = arith.constant 64 : index
      %get3A_64 = tpu.vector_load %arg6[%get3A_62, %get3A_63] {strides = array<i32>} : memref<328x256xf32, #tpu.memory_space<vmem>>, vector<16xf32>,
      %eq3A_65 = arith.cmpf oeq, %get3A_64, %broadcast_in_dim3A_3 : vector<16xf32>
      %select_n3A_66 = arith.select %eq3A_65, %broadcast_in_dim3A_5, %get3A_64 : vector<16xi1>, vector<16xf32>
      %swap3A_67 = arith.index_cast %scan3A_32 : i32 to index
      %swap3A_68 = arith.constant 64 : index
      %swap3A_69 = tpu.vector_load %arg6[%swap3A_67, %swap3A_68] {strides = array<i32>} : memref<328x256xf32, #tpu.memory_space<vmem>>, vector<16xf32>,
      tpu.vector_store %arg6[%swap3A_67, %swap3A_68], %select_n3A_66 {strides = array<i32>} : memref<328x256xf32, #tpu.memory_space<vmem>>, vector<16xf32>,
      %get3A_70 = arith.index_cast %scan3A_32 : i32 to index
      %get3A_71 = arith.constant 80 : index
      %get3A_72 = tpu.vector_load %arg6[%get3A_70, %get3A_71] {strides = array<i32>} : memref<328x256xf32, #tpu.memory_space<vmem>>, vector<16xf32>,
      %eq3A_73 = arith.cmpf oeq, %get3A_72, %broadcast_in_dim3A_3 : vector<16xf32>
      %select_n3A_74 = arith.select %eq3A_73, %broadcast_in_dim3A_5, %get3A_72 : vector<16xi1>, vector<16xf32>
      %swap3A_75 = arith.index_cast %scan3A_32 : i32 to index
      %swap3A_76 = arith.constant 80 : index
      %swap3A_77 = tpu.vector_load %arg6[%swap3A_75, %swap3A_76] {strides = array<i32>} : memref<328x256xf32, #tpu.memory_space<vmem>>, vector<16xf32>,
      tpu.vector_store %arg6[%swap3A_75, %swap3A_76], %select_n3A_74 {strides = array<i32>} : memref<328x256xf32, #tpu.memory_space<vmem>>, vector<16xf32>,
      %get3A_78 = arith.index_cast %scan3A_32 : i32 to index
      %get3A_79 = arith.constant 96 : index
      %get3A_80 = tpu.vector_load %arg6[%get3A_78, %get3A_79] {strides = array<i32>} : memref<328x256xf32, #tpu.memory_space<vmem>>, vector<16xf32>,
      %eq3A_81 = arith.cmpf oeq, %get3A_80, %broadcast_in_dim3A_3 : vector<16xf32>
      %select_n3A_82 = arith.select %eq3A_81, %broadcast_in_dim3A_5, %get3A_80 : vector<16xi1>, vector<16xf32>
      %swap3A_83 = arith.index_cast %scan3A_32 : i32 to index
      %swap3A_84 = arith.constant 96 : index
      %swap3A_85 = tpu.vector_load %arg6[%swap3A_83, %swap3A_84] {strides = array<i32>} : memref<328x256xf32, #tpu.memory_space<vmem>>, vector<16xf32>,
      tpu.vector_store %arg6[%swap3A_83, %swap3A_84], %select_n3A_82 {strides = array<i32>} : memref<328x256xf32, #tpu.memory_space<vmem>>, vector<16xf32>,
      %get3A_86 = arith.index_cast %scan3A_32 : i32 to index
      %get3A_87 = arith.constant 112 : index
      %get3A_88 = tpu.vector_load %arg6[%get3A_86, %get3A_87] {strides = array<i32>} : memref<328x256xf32, #tpu.memory_space<vmem>>, vector<16xf32>,
      %eq3A_89 = arith.cmpf oeq, %get3A_88, %broadcast_in_dim3A_3 : vector<16xf32>
      %select_n3A_90 = arith.select %eq3A_89, %broadcast_in_dim3A_5, %get3A_88 : vector<16xi1>, vector<16xf32>
      %swap3A_91 = arith.index_cast %scan3A_32 : i32 to index
      %swap3A_92 = arith.constant 112 : index
      %swap3A_93 = tpu.vector_load %arg6[%swap3A_91, %swap3A_92] {strides = array<i32>} : memref<328x256xf32, #tpu.memory_space<vmem>>, vector<16xf32>,
      tpu.vector_store %arg6[%swap3A_91, %swap3A_92], %select_n3A_90 {strides = array<i32>} : memref<328x256xf32, #tpu.memory_space<vmem>>, vector<16xf32>,
      %get3A_94 = arith.index_cast %scan3A_32 : i32 to index
      %get3A_95 = arith.constant 128 : index
      %get3A_96 = tpu.vector_load %arg6[%get3A_94, %get3A_95] {strides = array<i32>} : memref<328x256xf32, #tpu.memory_space<vmem>>, vector<16xf32>,
      %eq3A_97 = arith.cmpf oeq, %get3A_96, %broadcast_in_dim3A_3 : vector<16xf32>
      %select_n3A_98 = arith.select %eq3A_97, %broadcast_in_dim3A_5, %get3A_96 : vector<16xi1>, vector<16xf32>
      %swap3A_99 = arith.index_cast %scan3A_32 : i32 to index
      %swap3A_100 = arith.constant 128 : index
      %swap3A_101 = tpu.vector_load %arg6[%swap3A_99, %swap3A_100] {strides = array<i32>} : memref<328x256xf32, #tpu.memory_space<vmem>>, vector<16xf32>,
      tpu.vector_store %arg6[%swap3A_99, %swap3A_100], %select_n3A_98 {strides = array<i32>} : memref<328x256xf32, #tpu.memory_space<vmem>>, vector<16xf32>,
      %get3A_102 = arith.index_cast %scan3A_32 : i32 to index
      %get3A_103 = arith.constant 144 : index
      %get3A_104 = tpu.vector_load %arg6[%get3A_102, %get3A_103] {strides = array<i32>} : memref<328x256xf32, #tpu.memory_space<vmem>>, vector<16xf32>,
      %eq3A_105 = arith.cmpf oeq, %get3A_104, %broadcast_in_dim3A_3 : vector<16xf32>
      %select_n3A_106 = arith.select %eq3A_105, %broadcast_in_dim3A_5, %get3A_104 : vector<16xi1>, vector<16xf32>
      %swap3A_107 = arith.index_cast %scan3A_32 : i32 to index
      %swap3A_108 = arith.constant 144 : index
      %swap3A_109 = tpu.vector_load %arg6[%swap3A_107, %swap3A_108] {strides = array<i32>} : memref<328x256xf32, #tpu.memory_space<vmem>>, vector<16xf32>,
      tpu.vector_store %arg6[%swap3A_107, %swap3A_108], %select_n3A_106 {strides = array<i32>} : memref<328x256xf32, #tpu.memory_space<vmem>>, vector<16xf32>,
      %get3A_110 = arith.index_cast %scan3A_32 : i32 to index
      %get3A_111 = arith.constant 160 : index
      %get3A_112 = tpu.vector_load %arg6[%get3A_110, %get3A_111] {strides = array<i32>} : memref<328x256xf32, #tpu.memory_space<vmem>>, vector<16xf32>,
      %eq3A_113 = arith.cmpf oeq, %get3A_112, %broadcast_in_dim3A_3 : vector<16xf32>
      %select_n3A_114 = arith.select %eq3A_113, %broadcast_in_dim3A_5, %get3A_112 : vector<16xi1>, vector<16xf32>
      %swap3A_115 = arith.index_cast %scan3A_32 : i32 to index
      %swap3A_116 = arith.constant 160 : index
      %swap3A_117 = tpu.vector_load %arg6[%swap3A_115, %swap3A_116] {strides = array<i32>} : memref<328x256xf32, #tpu.memory_space<vmem>>, vector<16xf32>,
      tpu.vector_store %arg6[%swap3A_115, %swap3A_116], %select_n3A_114 {strides = array<i32>} : memref<328x256xf32, #tpu.memory_space<vmem>>, vector<16xf32>,
      %get3A_118 = arith.index_cast %scan3A_32 : i32 to index
      %get3A_119 = arith.constant 176 : index
      %get3A_120 = tpu.vector_load %arg6[%get3A_118, %get3A_119] {strides = array<i32>} : memref<328x256xf32, #tpu.memory_space<vmem>>, vector<16xf32>,
      %eq3A_121 = arith.cmpf oeq, %get3A_120, %broadcast_in_dim3A_3 : vector<16xf32>
      %select_n3A_122 = arith.select %eq3A_121, %broadcast_in_dim3A_5, %get3A_120 : vector<16xi1>, vector<16xf32>
      %swap3A_123 = arith.index_cast %scan3A_32 : i32 to index
      %swap3A_124 = arith.constant 176 : index
      %swap3A_125 = tpu.vector_load %arg6[%swap3A_123, %swap3A_124] {strides = array<i32>} : memref<328x256xf32, #tpu.memory_space<vmem>>, vector<16xf32>,
      tpu.vector_store %arg6[%swap3A_123, %swap3A_124], %select_n3A_122 {strides = array<i32>} : memref<328x256xf32, #tpu.memory_space<vmem>>, vector<16xf32>,
      %get3A_126 = arith.index_cast %scan3A_32 : i32 to index
      %get3A_127 = arith.constant 192 : index
      %get3A_128 = tpu.vector_load %arg6[%get3A_126, %get3A_127] {strides = array<i32>} : memref<328x256xf32, #tpu.memory_space<vmem>>, vector<16xf32>,
      %eq3A_129 = arith.cmpf oeq, %get3A_128, %broadcast_in_dim3A_3 : vector<16xf32>
      %select_n3A_130 = arith.select %eq3A_129, %broadcast_in_dim3A_5, %get3A_128 : vector<16xi1>, vector<16xf32>
      %swap3A_131 = arith.index_cast %scan3A_32 : i32 to index
      %swap3A_132 = arith.constant 192 : index
      %swap3A_133 = tpu.vector_load %arg6[%swap3A_131, %swap3A_132] {strides = array<i32>} : memref<328x256xf32, #tpu.memory_space<vmem>>, vector<16xf32>,
      tpu.vector_store %arg6[%swap3A_131, %swap3A_132], %select_n3A_130 {strides = array<i32>} : memref<328x256xf32, #tpu.memory_space<vmem>>, vector<16xf32>,
      %get3A_134 = arith.index_cast %scan3A_32 : i32 to index
      %get3A_135 = arith.constant 208 : index
      %get3A_136 = tpu.vector_load %arg6[%get3A_134, %get3A_135] {strides = array<i32>} : memref<328x256xf32, #tpu.memory_space<vmem>>, vector<16xf32>,
      %eq3A_137 = arith.cmpf oeq, %get3A_136, %broadcast_in_dim3A_3 : vector<16xf32>
      %select_n3A_138 = arith.select %eq3A_137, %broadcast_in_dim3A_5, %get3A_136 : vector<16xi1>, vector<16xf32>
      %swap3A_139 = arith.index_cast %scan3A_32 : i32 to index
      %swap3A_140 = arith.constant 208 : index
      %swap3A_141 = tpu.vector_load %arg6[%swap3A_139, %swap3A_140] {strides = array<i32>} : memref<328x256xf32, #tpu.memory_space<vmem>>, vector<16xf32>,
      tpu.vector_store %arg6[%swap3A_139, %swap3A_140], %select_n3A_138 {strides = array<i32>} : memref<328x256xf32, #tpu.memory_space<vmem>>, vector<16xf32>,
      %get3A_142 = arith.index_cast %scan3A_32 : i32 to index
      %get3A_143 = arith.constant 224 : index
      %get3A_144 = tpu.vector_load %arg6[%get3A_142, %get3A_143] {strides = array<i32>} : memref<328x256xf32, #tpu.memory_space<vmem>>, vector<16xf32>,
      %eq3A_145 = arith.cmpf oeq, %get3A_144, %broadcast_in_dim3A_3 : vector<16xf32>
      %select_n3A_146 = arith.select %eq3A_145, %broadcast_in_dim3A_5, %get3A_144 : vector<16xi1>, vector<16xf32>
      %swap3A_147 = arith.index_cast %scan3A_32 : i32 to index
      %swap3A_148 = arith.constant 224 : index
      %swap3A_149 = tpu.vector_load %arg6[%swap3A_147, %swap3A_148] {strides = array<i32>} : memref<328x256xf32, #tpu.memory_space<vmem>>, vector<16xf32>,
      tpu.vector_store %arg6[%swap3A_147, %swap3A_148], %select_n3A_146 {strides = array<i32>} : memref<328x256xf32, #tpu.memory_space<vmem>>, vector<16xf32>,
      %get3A_150 = arith.index_cast %scan3A_32 : i32 to index
      %get3A_151 = arith.constant 240 : index
      %get3A_152 = tpu.vector_load %arg6[%get3A_150, %get3A_151] {strides = array<i32>} : memref<328x256xf32, #tpu.memory_space<vmem>>, vector<16xf32>,
      %eq3A_153 = arith.cmpf oeq, %get3A_152, %broadcast_in_dim3A_3 : vector<16xf32>
      %select_n3A_154 = arith.select %eq3A_153, %broadcast_in_dim3A_5, %get3A_152 : vector<16xi1>, vector<16xf32>
      %swap3A_155 = arith.index_cast %scan3A_32 : i32 to index
      %swap3A_156 = arith.constant 240 : index
      %swap3A_157 = tpu.vector_load %arg6[%swap3A_155, %swap3A_156] {strides = array<i32>} : memref<328x256xf32, #tpu.memory_space<vmem>>, vector<16xf32>,
      tpu.vector_store %arg6[%swap3A_155, %swap3A_156], %select_n3A_154 {strides = array<i32>} : memref<328x256xf32, #tpu.memory_space<vmem>>, vector<16xf32>,
      %scan3A_158 = arith.constant 0 : i32
      scf.yield %scan3A_158 : i32
    }
    %scan3A_31 = arith.constant 320 : i32
    "tpu.region"() ({
      %run_scoped3A = tpu.sem_alloc : memref<!tpu.dma_semaphore, #tpu.memory_space<semaphore_mem>>
      %dma_start3A = arith.constant 0 : i32
      %dma_start3A_32 = arith.constant 0 : i32
      %dma_start3A_33 = tpu.memref_slice %arg6[%dma_start3A, %dma_start3A_32] : memref<328x256xf32, #tpu.memory_space<vmem>> -> memref<320x256xf32, #tpu.memory_space<vmem>>
      %dma_start3A_34 = arith.constant 0 : i32
      %dma_start3A_35 = tpu.memref_slice %arg5[%mul3A_2, %dma_start3A_34] : memref<10240x256xf32, #tpu.memory_space<hbm>> -> memref<320x256xf32, #tpu.memory_space<hbm>>
      %dma_start3A_36 = arith.constant 0 : i32
      %dma_start3A_37 = tpu.memref_slice %arg5[%mul3A_2, %dma_start3A_36] : memref<10240x256xf32, #tpu.memory_space<hbm>> -> memref<320x256xf32, #tpu.memory_space<hbm>>
      %dma_start3A_38 = arith.constant 0 : i32
      %dma_start3A_39 = arith.constant 0 : i32
      %dma_start3A_40 = tpu.memref_slice %arg6[%dma_start3A_38, %dma_start3A_39] : memref<328x256xf32, #tpu.memory_space<vmem>> -> memref<320x256xf32, #tpu.memory_space<vmem>>
      tpu.enqueue_dma source(%dma_start3A_40 : memref<320x256xf32, #tpu.memory_space<vmem>>) target(%dma_start3A_37 : memref<320x256xf32, #tpu.memory_space<hbm>>) target_semaphore(%run_scoped3A : memref<!tpu.dma_semaphore, #tpu.memory_space<semaphore_mem>>)
      %dma_wait3A = arith.constant 0 : i32
      %dma_wait3A_41 = arith.constant 0 : i32
      %dma_wait3A_42 = tpu.memref_slice %arg6[%dma_wait3A, %dma_wait3A_41] : memref<328x256xf32, #tpu.memory_space<vmem>> -> memref<320x256xf32, #tpu.memory_space<vmem>>
      %dma_wait3A_43 = arith.constant 0 : i32
      %dma_wait3A_44 = tpu.memref_slice %arg5[%mul3A_2, %dma_wait3A_43] : memref<10240x256xf32, #tpu.memory_space<hbm>> -> memref<320x256xf32, #tpu.memory_space<hbm>>
      %dma_wait3A_45 = arith.constant 0 : i32
      %dma_wait3A_46 = tpu.memref_slice %arg5[%mul3A_2, %dma_wait3A_45] : memref<10240x256xf32, #tpu.memory_space<hbm>> -> memref<320x256xf32, #tpu.memory_space<hbm>>
      %dma_wait3A_47 = arith.constant 0 : i32
      %dma_wait3A_48 = arith.constant 0 : i32
      %dma_wait3A_49 = tpu.memref_slice %arg6[%dma_wait3A_47, %dma_wait3A_48] : memref<328x256xf32, #tpu.memory_space<vmem>> -> memref<320x256xf32, #tpu.memory_space<vmem>>
      tpu.wait_dma2 semaphore(%run_scoped3A : memref<!tpu.dma_semaphore, #tpu.memory_space<semaphore_mem>>) src(%dma_wait3A_49 : memref<320x256xf32, #tpu.memory_space<vmem>>) dst(%dma_wait3A_46 : memref<320x256xf32, #tpu.memory_space<hbm>>)
      tpu.yield
    }) : () -> ()
    return
  }
}

module attributes {stable_mosaic.version = 14 : i64} {
  func.func @_linear_block(%arg0: i32, %arg1: memref<2000x256xf32, #tpu.memory_space<vmem>>, %arg2: memref<256x256xf32, #tpu.memory_space<vmem>>, %arg3: memref<1x256xf32, #tpu.memory_space<vmem>>, %arg4: memref<1x256xf32, #tpu.memory_space<vmem>>, %arg5: memref<2000x256xf32, #tpu.memory_space<vmem>>) attributes {dimension_semantics = [#tpu.dimension_semantics<arbitrary>], iteration_bounds = array<i64: 5>, scalar_prefetch = 0 : i64, scratch_operands = 0 : i64, tpu.core_type = #tpu.core_type<tc>, window_params = [{transform_indices = @transform_0, window_bounds = array<i64: 2000, 256>}, {pipeline_mode = #tpu.pipeline_mode<synchronous>, transform_indices = @transform_1, window_bounds = array<i64: 256, 256>}, {pipeline_mode = #tpu.pipeline_mode<synchronous>, transform_indices = @transform_2, window_bounds = array<i64: 1, 256>}, {pipeline_mode = #tpu.pipeline_mode<synchronous>, transform_indices = @transform_3, window_bounds = array<i64: 1, 256>}, {transform_indices = @transform_4, window_bounds = array<i64: 2000, 256>}]} {
    %get3A = arith.constant 0 : index
    %get3A_0 = arith.constant 0 : index
    %get3A_1 = vector.load %arg1[%get3A, %get3A_0] : memref<2000x256xf32, #tpu.memory_space<vmem>>, vector<2000x256xf32>
    %get3A_2 = arith.constant 0 : index
    %get3A_3 = arith.constant 0 : index
    %get3A_4 = vector.load %arg2[%get3A_2, %get3A_3] : memref<256x256xf32, #tpu.memory_space<vmem>>, vector<256x256xf32>
    %dot_general3A = arith.constant dense<0.000000e+00> : vector<2000x256xf32>
    %dot_general3A_5 = tpu.matmul %get3A_1, %get3A_4, %dot_general3A {dimension_numbers = #tpu.dot_dimension_numbers<[1], [1], [0], [0], [0, 0, 1, 0], [], []>, transpose_lhs_hint = false} : vector<2000x256xf32>, vector<256x256xf32>, vector<2000x256xf32> -> vector<2000x256xf32>
    %get3A_6 = arith.constant 0 : index
    %get3A_7 = arith.constant 0 : index
    %get3A_8 = vector.load %arg3[%get3A_6, %get3A_7] : memref<1x256xf32, #tpu.memory_space<vmem>>, vector<1x256xf32>
    %add3A = vector.broadcast %get3A_8 : vector<1x256xf32> to vector<2000x256xf32>
    %add3A_9 = arith.addf %dot_general3A_5, %add3A : vector<2000x256xf32>
    %get3A_10 = arith.constant 0 : index
    %get3A_11 = arith.constant 0 : index
    %get3A_12 = vector.load %arg4[%get3A_10, %get3A_11] : memref<1x256xf32, #tpu.memory_space<vmem>>, vector<1x256xf32>
    %add3A_13 = vector.broadcast %get3A_12 : vector<1x256xf32> to vector<2000x256xf32>
    %add3A_14 = arith.addf %add3A_9, %add3A_13 : vector<2000x256xf32>
    %swap3A = arith.constant 0 : index
    %swap3A_15 = arith.constant 0 : index
    %swap3A_16 = vector.load %arg5[%swap3A, %swap3A_15] : memref<2000x256xf32, #tpu.memory_space<vmem>>, vector<2000x256xf32>
    tpu.vector_store %arg5[%swap3A, %swap3A_15], %add3A_14 {strides = array<i32>} : memref<2000x256xf32, #tpu.memory_space<vmem>>, vector<2000x256xf32>,
    return
  }
  func.func @transform_0(%arg0: i32) -> (i32, i32) {
    %c0_i32 = arith.constant 0 : i32
    %c0_i32_0 = arith.constant 0 : i32
    return %arg0, %c0_i32 : i32, i32
  }
  func.func @transform_1(%arg0: i32) -> (i32, i32) {
    %c0_i32 = arith.constant 0 : i32
    %c0_i32_0 = arith.constant 0 : i32
    %c0_i32_1 = arith.constant 0 : i32
    return %c0_i32, %c0_i32_0 : i32, i32
  }
  func.func @transform_2(%arg0: i32) -> (i32, i32) {
    %c0_i32 = arith.constant 0 : i32
    %c0_i32_0 = arith.constant 0 : i32
    %c0_i32_1 = arith.constant 0 : i32
    return %c0_i32, %c0_i32_0 : i32, i32
  }
  func.func @transform_3(%arg0: i32) -> (i32, i32) {
    %c0_i32 = arith.constant 0 : i32
    %c0_i32_0 = arith.constant 0 : i32
    %c0_i32_1 = arith.constant 0 : i32
    return %c0_i32, %c0_i32_0 : i32, i32
  }
  func.func @transform_4(%arg0: i32) -> (i32, i32) {
    %c0_i32 = arith.constant 0 : i32
    %c0_i32_0 = arith.constant 0 : i32
    return %arg0, %c0_i32 : i32, i32
  }
}

</mosaic_0001>

<sc_bundles>
// kernel: kernel.4.cloned.1.call-start
scs
__scs_entry_jumppad:
0x0: {  	(pc) =	sbr.rel $0x88, $3  }
0x1: {  	(tag) =	ssettag $0x0;
	lr =	simm.s32 $0x1  }
0x2: {  	[smem:$0x3F9C] =	sst lr;
	_ =	strace $0xD0000000  }
0x3: {  	_ = 	snop  }
0x4: {  	_ = 	snop  }
0x5: {  	_ = 	snop  }
0x6: {  	_ = 	snop  }
0x7: {  	_ = 	snop  }
__scs_overlays_trampoline_lowered:
0x8: {  	[smem:$0x3FAB] =	sst s0  }
0x9: {  	[smem:$0x3FAC] =	sst s1  }
0xa: {  	[smem:$0x3FAD] =	sst s2  }
0xb: {  	[smem:$0x3FAE] =	sst s3  }
0xc: {  	[smem:$0x3FAF] =	sst s4  }
0xd: {  	[smem:$0x3FB0] =	sst s5  }
0xe: {  	[smem:$0x3FB1] =	sst s6  }
0xf: {  	[smem:$0x3FB2] =	sst s7  }
0x10: {  	[smem:$0x3FB3] =	sst s8  }
0x11: {  	[smem:$0x3FB4] =	sst s9;
	s0 =	simm.s32 @!p0 $0x0  }
0x12: {  	s1 =	sld [smem:$0x3F9A];
	s0 =	simm.s32 @p0 $0x1  }
0x13: {  	[smem:$0x3FB5] =	sst s0;
	s0 =	simm.s32 @!p1 $0x0  }
0x14: {  	s2 =	sld [smem:$0x3F99];
	s0 =	simm.s32 @p1 $0x1  }
0x15: {  	[smem:$0x3FB6] =	sst s0;
	s0 =	simm.s32 @!p2 $0x0  }
0x16: {  	s3 =	sld [smem:$0x3FDB];
	s0 =	simm.s32 @p2 $0x1  }
0x17: {  	s4 =	simm.s32 $0x1BF5;
	[smem:$0x3FB8] =	sst s0  }
0x18: {  	s0 =	sld [smem:$0x3F9B];
	_ =	swait.ge [sflag:s4], $0x0  }
0x19: {  	s7 =	sld [smem:$0x3F9C]  }
0x1a: {  	s8 =	sadd.s32 $0xFFFFE003, lr  }
0x1b: {  	s9 =	sadd.s32 $0xFFFFFEF7, lr;
	s5 =	simm.s32 $0xFFFFFFFF;
	p2 =	slt.u32 s8, $0xFFFFF086  }
0x1c: {  	p1 =	slt.u32 s9, $0xF7A;
	s5 =	simm.s32 @!p2 $0x0  }
0x1d: {  	s5 =	simm.s32 @p1 $0x1;
	p0 =	seq.s32 s7, s2  }
0x1e: {  	s7 =	smul.u32 @!p0 $0xF7A, s2;
	p2 =	seq.s32 @!p0 s5, $0x0  }
0x1f: {  	s9 =	smul.u32 $0xF7A, s1;
	s8 =	simm.s32 @!p0 $0x1BF5;
	p2 =	por !p2, p0  }
0x20: {  	[sflag:s8] =	ssyncset.s32 @!p0 $0xFFFFF086;
	s6 =	sadd.s32 @!p0 s3, s7;
	s7 =	simm.s32 @!p0 $0x108  }
0x21: {  	s3 =	sadd.s32 s3, s9;
	s6 =	sadd.s32 @!p0 $0x88, s6;
	s7 =	simm.s32 @p2 $0x1082  }
0x22: {  	[simem:s7], [sflag:s8] =	dma.local @!p0 [hbm:s6], $0xF7A  }
0x23: {  	s9 =	sor.u32 $0xD0000000, s2;
	s6 =	simm.s32 $0x108;
	_ =	swait.ge @!p0 [sflag:s8], $0x0  }
0x24: {  	s3 =	sadd.s32 $0x88, s3;
	s6 =	simm.s32 @!p1 $0x1082;
	[sflag:s4] =	ssyncset.s32 $0xFFFFF086  }
0x25: {  	[simem:s6], [sflag:s4] =	dma.local [hbm:s3], $0xF7A  }
0x26: {  	[smem:$0x3F9C] =	sst s1;
	(tag) =	ssettag s2;
	_ =	strace s9  }
0x27: {  	s1 =	sld [smem:$0x3FAC]  }
0x28: {  	s2 =	sld [smem:$0x3FAD]  }
0x29: {  	s4 =	sld [smem:$0x3FAF]  }
0x2a: {  	p0 =	seq.s32 s5, $0x0;
	s5 =	sld [smem:$0x3FB0]  }
0x2b: {  	s6 =	sld [smem:$0x3FB1]  }
0x2c: {  	s7 =	sld [smem:$0x3FB2]  }
0x2d: {  	s3 =	simm.s32 $0x108;
	s8 =	sld [smem:$0x3FB3]  }
0x2e: {  	s3 =	simm.s32 @!p0 $0x1082;
	s9 =	sld [smem:$0x3FB4]  }
0x2f: {  	lr =	sadd.s32 s0, s3;
	s0 =	sld [smem:$0x3FAB]  }
0x30: {  	s3 =	sld [smem:$0x3FAE]  }
0x31: {  	[smem:$0x3FB7] =	sst s10  }
0x32: {  	s10 =	sld [smem:$0x3FB5];
	_ =	sdelay $0x3  }
0x33: {  	p0 =	seq.s32 s10, $0x1;
	s10 =	sld [smem:$0x3FB7];
	_ =	sdelay $0x3  }
0x34: {  	[smem:$0x3FB7] =	sst s10  }
0x35: {  	s10 =	sld [smem:$0x3FB6];
	_ =	sdelay $0x3  }
0x36: {  	p1 =	seq.s32 s10, $0x1;
	s10 =	sld [smem:$0x3FB7];
	_ =	sdelay $0x3  }
0x37: {  	[smem:$0x3FB7] =	sst s10  }
0x38: {  	s10 =	sld [smem:$0x3FB8]  }
0x39: {  	_ = 	snop;
	(pc) =	sbr.ind lr, $3  }
0x3a: {  	_ = 	snop  }
0x3b: {  	_ = 	snop  }
0x3c: {  	p2 =	seq.s32 s10, $0x1;
	s10 =	sld [smem:$0x3FB7]  }
0x3d: {  	_ =	shalt  }
0x3e: {  	_ =	shalt  }
0x3f: {  	_ =	shalt  }
0x40: {  	_ =	shalt  }
0x41: {  	_ =	shalt  }
0x42: {  	_ =	shalt  }
0x43: {  	_ =	shalt  }
0x44: {  	_ =	shalt  }
0x45: {  	_ =	shalt  }
0x46: {  	_ =	shalt  }
0x47: {  	_ =	shalt  }
0x48: {  	_ =	shalt  }
0x49: {  	_ =	shalt  }
0x4a: {  	_ =	shalt  }
0x4b: {  	_ =	shalt  }
0x4c: {  	_ =	shalt  }
0x4d: {  	_ =	shalt  }
0x4e: {  	_ =	shalt  }
0x4f: {  	_ =	shalt  }
0x50: {  	_ =	shalt  }
0x51: {  	_ =	shalt  }
0x52: {  	_ =	shalt  }
0x53: {  	_ =	shalt  }
0x54: {  	_ =	shalt  }
0x55: {  	_ =	shalt  }
0x56: {  	_ =	shalt  }
0x57: {  	_ =	shalt  }
0x58: {  	_ =	shalt  }
0x59: {  	_ =	shalt  }
0x5a: {  	_ =	shalt  }
0x5b: {  	_ =	shalt  }
0x5c: {  	_ =	shalt  }
0x5d: {  	_ =	shalt  }
0x5e: {  	_ =	shalt  }
0x5f: {  	_ =	shalt  }
0x60: {  	_ =	shalt  }
0x61: {  	_ =	shalt  }
0x62: {  	_ =	shalt  }
0x63: {  	_ =	shalt  }
0x64: {  	_ =	shalt  }
0x65: {  	_ =	shalt  }
0x66: {  	_ =	shalt  }
0x67: {  	_ =	shalt  }
0x68: {  	_ =	shalt  }
0x69: {  	_ =	shalt  }
0x6a: {  	_ =	shalt  }
0x6b: {  	_ =	shalt  }
0x6c: {  	_ =	shalt  }
0x6d: {  	_ =	shalt  }
0x6e: {  	_ =	shalt  }
0x6f: {  	_ =	shalt  }
0x70: {  	_ =	shalt  }
0x71: {  	_ =	shalt  }
0x72: {  	_ =	shalt  }
0x73: {  	_ =	shalt  }
0x74: {  	_ =	shalt  }
0x75: {  	_ =	shalt  }
0x76: {  	_ =	shalt  }
0x77: {  	_ =	shalt  }
0x78: {  	_ =	shalt  }
0x79: {  	_ =	shalt  }
0x7a: {  	_ =	shalt  }
0x7b: {  	_ =	shalt  }
0x7c: {  	_ =	shalt  }
0x7d: {  	_ =	shalt  }
0x7e: {  	_ =	shalt  }
0x7f: {  	_ =	shalt  }
0x80: {  	_ =	shalt  }
0x81: {  	_ =	shalt  }
0x82: {  	_ =	shalt  }
0x83: {  	_ =	shalt  }
0x84: {  	_ =	shalt  }
0x85: {  	_ =	shalt  }
0x86: {  	_ =	shalt  }
0x87: {  	_ =	shalt  }
.Lfunc_end0:
.L_simem_size_0:
called_computation_lowered:
.L_overlay_start_0:
0x88: {  	s2 =	sld [smem:$0x3FD9]  }
0x89: {  	s3 =	sld [smem:$0x3FFE];
	_ =	sdelay $0x1  }
0x8a: {  	s1 =	srdreg.scid  }
0x8b: {  	s0 =	sand.u32 $0x1, s1  }
0x8c: {  	s17 =	sshll.u32 s0, $0xA;
	s2 =	sadd.s32 s3, s2  }
0x8d: {  	s2 =	sadd.s32 s2, s17  }
0x8e: {  	[smem:$0x3FC3] =	sst s2  }
0x8f: {  	_ = 	snop  }
0x90: {  	s2 =	sld [smem:$0x3FD0];
	(tm) =	ssettm $0x1  }
0x91: {  	s18 =	sld [smem:$0x3FFB];
	_ =	sdelay $0x3  }
0x92: {  	_ =	strace s18  }
0x93: {  	s3 =	sld [smem:$0x3FFC];
	_ =	sdelay $0x3  }
0x94: {  	_ =	strace s3  }
0x95: {  	s3 =	sld [smem:$0x3FFD];
	_ =	sdelay $0x3  }
0x96: {  	_ =	strace s3  }
0x97: {  	_ =	strace $0x8FFFFFFF  }
0x98: {  	s19 =	sld [smem:$0x3FDB];
	_ =	sdelay $0x1  }
0x99: {  	s4 =	simm.s32 $_scs_section_size  }
0x9a: {  	s5 =	simm.s32 $_size__tile_overlayer_lowered;
	s6 =	simm.s32 $_tile_overlayer_lowered  }
0x9b: {  	s22 =	simm.s32 $0x1BFF;
	s21 =	sshll.u32 s6, $0x1;
	s3 =	sadd.s32 s4, s19  }
0x9c: {  	s7 =	simm.s32 $0x0;
	s20 =	sshll.u32 s5, $0x1;
	s5 =	sadd.s32 s21, s3  }
0x9d: {  	[timem:s7], [sflag:s22] =	dma.local [hbm:s5], s20  }
0x9e: {  	_ =	swait.ge [sflag:s22], s20  }
0x9f: {  	s4 =	ssub.s32 $0x0, s20;
	[sflag:s22] =	ssyncset.done $0x0  }
0xa0: {  	[sflag:s22] =	ssyncadd.s32 s4;
	_ =	sdelay $0x1  }
0xa1: {  	s23 =	simm.s32 $0x1B8B  }
0xa2: {  	_ =	swait.ge [sflag:s23], $0x1  }
0xa3: {  	[sflag:s23] =	ssyncset.done $0x0  }
0xa4: {  	s25 =	simm.s32 $0x1B8E;
	s24 =	sld [smem:$0x3FFE];
	[sflag:s23] =	ssyncadd.s32 $0xFFFFFFFF  }
0xa5: {  	s26 =	simm.s32 $execute0_lowered;
	[smem:$0x3FD2] =	sst s25  }
0xa6: {  	s5 =	sshll.u32 s26, $0x1;
	_ =	strace $0x80000046;
	[dreg:$0x1] =	wrdreg $0xFFFFFFFF  }
0xa7: {  	s28 =	simm.s32 $_size_execute0_lowered;
	s3 =	sadd.s32 s3, s5;
	[dreg:$0x0] =	wrdreg $0x0  }
0xa8: {  	s5 =	sshll.u32 s28, $0x1;
	[dreg:$0x2] =	wrdreg s3  }
0xa9: {  	[dreg:$0x3] =	wrdreg s5  }
0xaa: {  	[dreg:$0x4] =	wrdreg $0xC0  }
0xab: {  	_ =	task [dreg:s7], $0x5FFFF  }
0xac: {  	[dreg:$0x1] =	wrdreg $0xFFFFFFFF  }
0xad: {  	[dreg:$0x0] =	wrdreg $0x60  }
0xae: {  	[dreg:$0x2] =	wrdreg s2  }
0xaf: {  	[dreg:$0x3] =	wrdreg s24  }
0xb0: {  	[dreg:$0x4] =	wrdreg $0x9  }
0xb1: {  	_ =	task.clear_ibuf [dreg:s7], $0x5FFFF;
	_ =	strace $0x90000046  }
0xb2: {  	s29 =	simm.s32 $0x9;
	_ =	strace $0x80000048  }
0xb3: {  	_ =	swait.ge [sflag:s29], $0x1  }
0xb4: {  	[sflag:s29] =	ssyncadd.s32 $0xFFFFFFFF  }
0xb5: {  	_ =	strace $0x90000048  }
0xb6: {  	_ =	sfence  }
0xb7: {  	s30 =	sld [smem:$0x0];
	_ =	sdelay $0x2  }
0xb8: {  	s31 =	sshll.u32 s1, $0xD;
	s1 =	sshrl.u32 s1, $0x2  }
0xb9: {  	s3 =	sand.u32 $0x4000, s31;
	s1 =	sadd.s32 s1, s30  }
0xba: {  	s0 =	sor.u32 s3, s0;
	s1 =	sshll.u32 s1, $0x11  }
0xbb: {  	s0 =	sor.u32 s1, s0  }
0xbc: {  	s0 =	sadd.s32 $0x8F2B, s0  }
0xbd: {  	[sflag:s0] =	ssyncadd.remote.s32 $0x1  }
0xbe: {  	_ =	sfence.sel $0xFFFF  }
0xbf: {  	[dreg:$0x0] =	wrdreg $0xFFFFFFFF;
	(pc) =	sbr.abs _section_cstart, $3  }
0xc0: {  	[dreg:$0x1] =	wrdreg $0xFFFFFFFF  }
0xc1: {  	_ =	task.clear_ibuf [dreg:s7], $0x2FFFF;
	_ =	strace $0x9FFFFFFF  }
0xc2: {  	(tm) =	ssettm $0x7FFFFFFF  }
0xc3: {  	_ =	shalt  }
tec
execute0_lowered:
.L_overlay_start_1:
0x0: {  	(tag) =	ssettag $0x1  }
0x1: {  	s2 =	rddreg [dreg:$0x0]  }
0x2: {  	s4 =	srdreg.scid;
	s1 =	stileid.u32  }
0x3: {  	s6 =	rddreg [dreg:$0x1];
	s5 =	sand.u32 $0x1, s4;
	s30 =	sshll.u32 s1, $0x1  }
0x4: {  	s0 =	rddreg [dreg:$0x2];
	s3 =	simm.s32 $0x0;
	s7 =	sor.u32 s5, s30  }
0x5: {  	s12 =	simm.s32 $0x0;
	[smem:$0x7FF] =	sst s3;
	s8 =	smul.u32 $0x2800, s7  }
0x6: {  	s4 =	sadd.s32 $0xA400, s6;
	s9 =	ssub.s32 $0x2, s5;
	s10 =	smul.u32 $0x140, s7  }
0x7: {  	_ =	strace $0x80000047;
	s5 =	sadd.s32 $0x600, s6;
	s31 =	sshrl.u32 s9, $0x1  }
0x8: {  	s6 =	sadd.s32 s8, s6;
	s8 =	ssub.s32 s9, s31;
	s11 =	sadd.s32 $0x140, s10  }
0x9: {  	s9 =	simm.s32 $0x2;
	v1 =	vmov s10;
	s10 =	simm.s32 $0x15000;
	s6 =	sadd.s32 $0x14200, s6  }
0xa: {  	v3 =	vimm.f32 $-Inf;
	v0 =	vmov s7;
	s7 =	smax.u32 s8, $0x1;
	s8 =	simm.s32 $0x14800;
	v2 =	vmov s11;
	s11 =	simm.s32 $0x1  }
.LBB2_1:
0xb: {  	s13 =	sand.u32 $0x1F800, s3;
	s14 =	sand.u32 $0x380, s3  }
0xc: {  	s13 =	sor.u32 s14, s13  }
0xd: {  	[tilespmem:s13+$0x470] =	vst v3  }
0xe: {  	[tilespmem:s13+$0x0] =	vst v3  }
0xf: {  	[tilespmem:s13+$0x10] =	vst v3  }
0x10: {  	[tilespmem:s13+$0x20] =	vst v3  }
0x11: {  	[tilespmem:s13+$0x30] =	vst v3  }
0x12: {  	[tilespmem:s13+$0x40] =	vst v3  }
0x13: {  	[tilespmem:s13+$0x50] =	vst v3  }
0x14: {  	[tilespmem:s13+$0x60] =	vst v3  }
0x15: {  	[tilespmem:s13+$0x70] =	vst v3  }
0x16: {  	[tilespmem:s13+$0x400] =	vst v3  }
0x17: {  	[tilespmem:s13+$0x410] =	vst v3  }
0x18: {  	[tilespmem:s13+$0x420] =	vst v3  }
0x19: {  	[tilespmem:s13+$0x430] =	vst v3  }
0x1a: {  	s15 =	simm.s32 $0x100;
	s14 =	simm.s32 $0x80;
	[tilespmem:s13+$0x440] =	vst v3  }
0x1b: {  	s16 =	sand.u32 $0x1F800, s15;
	s15 =	simm.s32 $0x200;
	s17 =	sand.u32 $0x380, s14;
	[tilespmem:s13+$0x450] =	vst v3  }
.LBB2_2:
0x1c: {  	p0 =	sne.s32 s15, $0x14700;
	[tilespmem:s13+$0x460] =	vst v3;
	s13 =	sor.u32 s17, s16  }
0x1d: {  	[tilespmem:s13+$0x470] =	vst v3  }
0x1e: {  	[tilespmem:s13+$0x0] =	vst v3  }
0x1f: {  	[tilespmem:s13+$0x10] =	vst v3  }
0x20: {  	[tilespmem:s13+$0x20] =	vst v3  }
0x21: {  	[tilespmem:s13+$0x30] =	vst v3  }
0x22: {  	[tilespmem:s13+$0x40] =	vst v3  }
0x23: {  	[tilespmem:s13+$0x50] =	vst v3  }
0x24: {  	[tilespmem:s13+$0x60] =	vst v3  }
0x25: {  	[tilespmem:s13+$0x70] =	vst v3  }
0x26: {  	[tilespmem:s13+$0x400] =	vst v3  }
.Ltmp0:
0x27: {  	[tilespmem:s13+$0x410] =	vst v3;
	(pc) =	sbr.rel @p0 .LBB2_2-.Ltmp0, $4  }
0x28: {  	[tilespmem:s13+$0x420] =	vst v3  }
0x29: {  	[tilespmem:s13+$0x430] =	vst v3  }
0x2a: {  	s14 =	sadd.s32 $0x80, s14;
	[tilespmem:s13+$0x440] =	vst v3  }
0x2b: {  	s16 =	sand.u32 $0x1F800, s15;
	s15 =	sadd.s32 $0x100, s15;
	s17 =	sand.u32 $0x380, s14;
	[tilespmem:s13+$0x450] =	vst v3  }
0x2c: {  	s15 =	sor.u32 s17, s16;
	[tilespmem:s13+$0x460] =	vst v3  }
0x2d: {  	[tilespmem:s15+$0x470] =	vst v3  }
0x2e: {  	[tilespmem:s15+$0x0] =	vst v3  }
0x2f: {  	[tilespmem:s15+$0x10] =	vst v3  }
0x30: {  	[tilespmem:s15+$0x20] =	vst v3  }
0x31: {  	[tilespmem:s15+$0x30] =	vst v3  }
0x32: {  	[tilespmem:s15+$0x40] =	vst v3  }
0x33: {  	[tilespmem:s15+$0x50] =	vst v3  }
0x34: {  	[tilespmem:s15+$0x60] =	vst v3  }
0x35: {  	[tilespmem:s15+$0x70] =	vst v3  }
0x36: {  	[tilespmem:s15+$0x400] =	vst v3  }
0x37: {  	[tilespmem:s15+$0x410] =	vst v3  }
.Ltmp1:
0x38: {  	[tilespmem:s15+$0x420] =	vst v3;
	(pc) =	sbr.rel .LBB2_4-.Ltmp1, $4  }
0x39: {  	[tilespmem:s15+$0x430] =	vst v3  }
0x3a: {  	[tilespmem:s15+$0x440] =	vst v3  }
0x3b: {  	[tilespmem:s15+$0x450] =	vst v3  }
0x3c: {  	s14 =	simm.s32 $0x0;
	s13 =	simm.s32 $0x0;
	[tilespmem:s15+$0x460] =	vst v3;
	s15 =	simm.s32 $0x0  }
.LBB2_9:
0x3d: {  	s15 =	sadd.s32 $0x1, s15  }
0x3e: {  	p1 =	sne.s32 s15, $0xA0  }
.Ltmp2:
0x3f: {  	_ = 	snop;
	(pc) =	sbr.rel @!p1 .LBB2_10-.Ltmp2, $3  }
0x40: {  	_ =	sdelay $0x1  }
0x41: {  	p0 =	sgt.s32 s13, $0x89F  }
0x42: {  	s13 =	simm.s32 @p0 $0x0  }
.LBB2_4:
0x43: {  	s16 =	smul.u32 $0xFA, s15;
	_ =	sdelay $0x1  }
0x44: {  	s17 =	sadd.s32 s4, s16  }
0x45: {  	[tilespmem:s8], [sflag:$0x2] =	stream.linear.gather [hbm4b:s17+s14], $0x7D0, $0x38;
	[tilespmem:$0x1EA00] =	vst v63  }
0x46: {  	_ =	swait.ge [sflag:s9], $0x7D0  }
0x47: {  	[sflag:s9] =	ssyncset.done $0x0  }
0x48: {  	s16 =	sadd.s32 s5, s16;
	[sflag:s9] =	ssyncadd.s32 $0xFFFFF830  }
0x49: {  	[tilespmem:s10], [sflag:$0x2] =	stream.linear.gather [hbm4b:s16+s14], $0x7D0, $0x38;
	[tilespmem:$0x1EA00] =	vst v63  }
0x4a: {  	_ =	swait.ge [sflag:s9], $0x7D0  }
0x4b: {  	[sflag:s9] =	ssyncset.done $0x0  }
0x4c: {  	s16 =	simm.s32 $0x0;
	[sflag:s9] =	ssyncadd.s32 $0xFFFFF830  }
0x4d: {  	v4 =	vld [tilespmem:s16+$0x15000];
	_ =	sdelay $0x3  }
0x4e: {  	p1 =	por $0x1, $0x1  }
.Ltmp3:
0x4f: {  	vm0 =	vge.s32 v4, v1;
	vm1 =	vlt.s32 v4, v2;
	(pc) =	sbr.rel @!p1 .LBB2_5-.Ltmp3, $3  }
0x50: {  	vm0 =	vmand vm0, vm1  }
0x51: {  	v6 =	vmpcnt.ones.xlane vm0;
	_ =	sdelay $0x1  }
0x52: {  	p0 =	por $0x0, $0x0;
	v5 =	vld [tilespmem:s16+$0x14800];
	(v2sf) =	vpush v6, $0x0  }
0x53: {  	_ =	sdelay $0x3  }
0x54: {  	v4 =	vsub.s32 v4, v1;
	[tilespmem:s13+$0x15800] =	vst.msk vm0, v5  }
0x55: {  	[tilespmem:s13+$0x16900] =	vst.msk vm0, v4  }
0x56: {  	v4 =	vld [tilespmem:s16+$0x15010];
	_ =	sdelay $0x4  }
0x57: {  	vm0 =	vge.s32 v4, v1;
	vm1 =	vlt.s32 v4, v2  }
0x58: {  	v5 =	vld [tilespmem:s16+$0x14810];
	vm0 =	vmand vm0, vm1  }
0x59: {  	v6 =	vmpcnt.ones.xlane vm0;
	_ =	sdelay $0x1  }
0x5a: {  	s17 =	spop (v2sf);
	(v2sf) =	vpush v6, $0x0  }
0x5b: {  	s17 =	sadd.s32 s13, s17  }
0x5c: {  	v4 =	vsub.s32 v4, v1;
	[tilespmem:s17+$0x15800] =	vst.msk vm0, v5  }
0x5d: {  	[tilespmem:s17+$0x16900] =	vst.msk vm0, v4  }
0x5e: {  	v4 =	vld [tilespmem:s16+$0x15020];
	_ =	sdelay $0x4  }
0x5f: {  	vm0 =	vge.s32 v4, v1;
	vm1 =	vlt.s32 v4, v2  }
0x60: {  	vm0 =	vmand vm0, vm1  }
0x61: {  	v5 =	vmpcnt.ones.xlane vm0  }
0x62: {  	v6 =	vld [tilespmem:s16+$0x14820]  }
0x63: {  	(v2sf) =	vpush v5, $0x0;
	_ =	sdelay $0x1  }
0x64: {  	s18 =	spop (v2sf)  }
0x65: {  	s17 =	sadd.s32 s17, s18  }
0x66: {  	v4 =	vsub.s32 v4, v1;
	[tilespmem:s17+$0x15800] =	vst.msk vm0, v6  }
0x67: {  	[tilespmem:s17+$0x16900] =	vst.msk vm0, v4  }
0x68: {  	v4 =	vld [tilespmem:s16+$0x15030];
	_ =	sdelay $0x4  }
0x69: {  	vm0 =	vge.s32 v4, v1;
	vm1 =	vlt.s32 v4, v2  }
0x6a: {  	v5 =	vld [tilespmem:s16+$0x14830];
	vm0 =	vmand vm0, vm1  }
0x6b: {  	v6 =	vmpcnt.ones.xlane vm0;
	_ =	sdelay $0x1  }
0x6c: {  	s30 =	spop (v2sf);
	(v2sf) =	vpush v6, $0x0  }
0x6d: {  	s17 =	sadd.s32 s17, s30  }
0x6e: {  	v4 =	vsub.s32 v4, v1;
	[tilespmem:s17+$0x15800] =	vst.msk vm0, v5  }
0x6f: {  	[tilespmem:s17+$0x16900] =	vst.msk vm0, v4  }
0x70: {  	v4 =	vld [tilespmem:s16+$0x15040];
	_ =	sdelay $0x4  }
0x71: {  	vm0 =	vge.s32 v4, v1;
	vm1 =	vlt.s32 v4, v2  }
0x72: {  	vm0 =	vmand vm0, vm1  }
0x73: {  	v5 =	vmpcnt.ones.xlane vm0  }
0x74: {  	v6 =	vld [tilespmem:s16+$0x14840]  }
0x75: {  	(v2sf) =	vpush v5, $0x0;
	_ =	sdelay $0x1  }
0x76: {  	s31 =	spop (v2sf)  }
0x77: {  	s19 =	sadd.s32 s17, s31  }
0x78: {  	v4 =	vsub.s32 v4, v1;
	[tilespmem:s19+$0x15800] =	vst.msk vm0, v6  }
0x79: {  	s16 =	simm.s32 $0x50;
	[tilespmem:s19+$0x16900] =	vst.msk vm0, v4  }
0x7a: {  	v4 =	vld [tilespmem:s16+$0x15000];
	_ =	sdelay $0x3  }
0x7b: {  	p1 =	por $0x1, $0x1  }
.Ltmp4:
0x7c: {  	vm0 =	vge.s32 v4, v1;
	vm1 =	vlt.s32 v4, v2;
	(pc) =	sbr.rel @!p1 .LBB2_8-.Ltmp4, $3  }
0x7d: {  	vm0 =	vmand vm0, vm1  }
0x7e: {  	v5 =	vld [tilespmem:s16+$0x14800];
	v6 =	vmpcnt.ones.xlane vm0;
	_ =	sdelay $0x1  }
0x7f: {  	p0 =	por $0x1, $0x1;
	s17 =	simm.s32 $0x280;
	s18 =	spop (v2sf);
	(v2sf) =	vpush v6, $0x0  }
.LBB2_7:
0x80: {  	p1 =	sne.s32 s17, $0x1E00  }
0x81: {  	s19 =	sadd.s32 s19, s18;
	s18 =	smov.u32 s17;
	s17 =	sadd.s32 $0x140, s17  }
0x82: {  	v4 =	vsub.s32 v4, v1;
	[tilespmem:s19+$0x15800] =	vst.msk vm0, v5  }
0x83: {  	[tilespmem:s19+$0x16900] =	vst.msk vm0, v4  }
0x84: {  	v4 =	vld [tilespmem:s16+$0x15010];
	_ =	sdelay $0x4  }
0x85: {  	vm0 =	vge.s32 v4, v1;
	vm1 =	vlt.s32 v4, v2  }
0x86: {  	vm0 =	vmand vm0, vm1  }
0x87: {  	v5 =	vld [tilespmem:s16+$0x14810];
	v6 =	vmpcnt.ones.xlane vm0;
	_ =	sdelay $0x1  }
0x88: {  	(v2sf) =	vpush v6, $0x0  }
0x89: {  	s20 =	spop (v2sf)  }
0x8a: {  	s19 =	sadd.s32 s19, s20  }
0x8b: {  	v4 =	vsub.s32 v4, v1;
	[tilespmem:s19+$0x15800] =	vst.msk vm0, v5  }
0x8c: {  	[tilespmem:s19+$0x16900] =	vst.msk vm0, v4  }
0x8d: {  	v4 =	vld [tilespmem:s16+$0x15020];
	_ =	sdelay $0x4  }
0x8e: {  	vm0 =	vge.s32 v4, v1;
	vm1 =	vlt.s32 v4, v2  }
0x8f: {  	vm0 =	vmand vm0, vm1  }
0x90: {  	v5 =	vld [tilespmem:s16+$0x14820];
	v6 =	vmpcnt.ones.xlane vm0;
	_ =	sdelay $0x1  }
0x91: {  	(v2sf) =	vpush v6, $0x0  }
0x92: {  	s20 =	spop (v2sf)  }
0x93: {  	s19 =	sadd.s32 s19, s20  }
0x94: {  	v4 =	vsub.s32 v4, v1;
	[tilespmem:s19+$0x15800] =	vst.msk vm0, v5  }
0x95: {  	[tilespmem:s19+$0x16900] =	vst.msk vm0, v4  }
0x96: {  	v4 =	vld [tilespmem:s16+$0x15030]  }
0x97: {  	v5 =	vld [tilespmem:s16+$0x14830];
	_ =	sdelay $0x3  }
0x98: {  	vm0 =	vge.s32 v4, v1;
	vm1 =	vlt.s32 v4, v2  }
0x99: {  	vm0 =	vmand vm0, vm1  }
0x9a: {  	v6 =	vmpcnt.ones.xlane vm0;
	_ =	sdelay $0x1  }
0x9b: {  	(v2sf) =	vpush v6, $0x0  }
0x9c: {  	s20 =	spop (v2sf)  }
0x9d: {  	s19 =	sadd.s32 s19, s20  }
0x9e: {  	v4 =	vsub.s32 v4, v1;
	[tilespmem:s19+$0x15800] =	vst.msk vm0, v5  }
0x9f: {  	[tilespmem:s19+$0x16900] =	vst.msk vm0, v4  }
0xa0: {  	v4 =	vld [tilespmem:s16+$0x15040]  }
0xa1: {  	v5 =	vld [tilespmem:s16+$0x14840];
	_ =	sdelay $0x3  }
0xa2: {  	vm0 =	vge.s32 v4, v1;
	vm1 =	vlt.s32 v4, v2  }
0xa3: {  	vm0 =	vmand vm0, vm1  }
0xa4: {  	v6 =	vmpcnt.ones.xlane vm0;
	_ =	sdelay $0x1  }
0xa5: {  	(v2sf) =	vpush v6, $0x0  }
0xa6: {  	s16 =	spop (v2sf)  }
0xa7: {  	s19 =	sadd.s32 s19, s16  }
0xa8: {  	v4 =	vsub.s32 v4, v1;
	[tilespmem:s19+$0x15800] =	vst.msk vm0, v5  }
0xa9: {  	s16 =	sshra.s32 s18, $0x2;
	[tilespmem:s19+$0x16900] =	vst.msk vm0, v4  }
0xaa: {  	v4 =	vld [tilespmem:s16+$0x15000];
	_ =	sdelay $0x4  }
0xab: {  	vm0 =	vge.s32 v4, v1;
	vm1 =	vlt.s32 v4, v2  }
.Ltmp5:
0xac: {  	vm0 =	vmand vm0, vm1;
	(pc) =	sbr.rel @p1 .LBB2_7-.Ltmp5, $3  }
0xad: {  	v5 =	vld [tilespmem:s16+$0x14800];
	v6 =	vmpcnt.ones.xlane vm0;
	_ =	sdelay $0x1  }
0xae: {  	(v2sf) =	vpush v6, $0x0  }
0xaf: {  	s18 =	spop (v2sf)  }
.LBB2_8:
0xb0: {  	_ =	sdelay $0x4  }
0xb1: {  	s17 =	sadd.s32 @p0 s19, s18  }
0xb2: {  	s13 =	smov.u32 @p0 s17  }
0xb3: {  	v4 =	vsub.s32 v4, v1;
	[tilespmem:s13+$0x15800] =	vst.msk vm0, v5  }
0xb4: {  	[tilespmem:s13+$0x16900] =	vst.msk vm0, v4  }
0xb5: {  	v4 =	vld [tilespmem:s16+$0x15010];
	_ =	sdelay $0x1  }
0xb6: {  	v5 =	vld [tilespmem:s16+$0x14810];
	_ =	sdelay $0x2  }
0xb7: {  	vm9 =	vge.s32 v4, v1;
	vm1 =	vlt.s32 v4, v2;
	s26 =	spop (v2sf)  }
0xb8: {  	vm0 =	vmand vm9, vm1;
	s13 =	sadd.s32 s13, s26  }
0xb9: {  	v4 =	vsub.s32 v4, v1;
	v6 =	vmpcnt.ones.xlane vm0;
	[tilespmem:s13+$0x15800] =	vst.msk vm0, v5  }
0xba: {  	[tilespmem:s13+$0x16900] =	vst.msk vm0, v4  }
0xbb: {  	(v2sf) =	vpush v6, $0x0;
	v4 =	vld [tilespmem:s16+$0x15020];
	_ =	sdelay $0x4  }
0xbc: {  	vm10 =	vge.s32 v4, v1;
	vm11 =	vlt.s32 v4, v2  }
0xbd: {  	vm0 =	vmand vm10, vm11  }
0xbe: {  	v5 =	vmpcnt.ones.xlane vm0;
	_ =	sdelay $0x1  }
0xbf: {  	(v2sf) =	vpush v5, $0x0;
	_ =	sdelay $0x2  }
0xc0: {  	v5 =	vld [tilespmem:s16+$0x14820];
	_ =	sdelay $0x2  }
0xc1: {  	s28 =	spop (v2sf)  }
0xc2: {  	s13 =	sadd.s32 s13, s28  }
0xc3: {  	v4 =	vsub.s32 v4, v1;
	[tilespmem:s13+$0x15800] =	vst.msk vm0, v5  }
0xc4: {  	[tilespmem:s13+$0x16900] =	vst.msk vm0, v4  }
0xc5: {  	v4 =	vld [tilespmem:s16+$0x15030];
	_ =	sdelay $0x1  }
0xc6: {  	v5 =	vld [tilespmem:s16+$0x14830];
	_ =	sdelay $0x2  }
0xc7: {  	vm12 =	vge.s32 v4, v1;
	vm13 =	vlt.s32 v4, v2;
	s29 =	spop (v2sf)  }
0xc8: {  	vm0 =	vmand vm12, vm13;
	s13 =	sadd.s32 s13, s29  }
0xc9: {  	v4 =	vsub.s32 v4, v1;
	[tilespmem:s13+$0x15800] =	vst.msk vm0, v5  }
0xca: {  	[tilespmem:s13+$0x16900] =	vst.msk vm0, v4  }
0xcb: {  	v4 =	vld [tilespmem:s16+$0x15040];
	_ =	sdelay $0x4  }
0xcc: {  	vm14 =	vge.s32 v4, v1;
	vm2 =	vlt.s32 v4, v2  }
0xcd: {  	v5 =	vmpcnt.ones.xlane vm0;
	vm15 =	vmand vm14, vm2  }
0xce: {  	v63 =	vmpcnt.ones.xlane vm15  }
0xcf: {  	(v2sf) =	vpush v5, $0x0  }
0xd0: {  	(v2sf) =	vpush v63, $0x0;
	_ =	sdelay $0xa  }
0xd1: {  	v5 =	vld [tilespmem:s16+$0x14840];
	_ =	sdelay $0x2  }
0xd2: {  	s30 =	spop (v2sf)  }
0xd3: {  	s16 =	sadd.s32 s13, s30;
	s31 =	spop (v2sf)  }
0xd4: {  	v4 =	vsub.s32 v4, v1;
	[tilespmem:s16+$0x15800] =	vst.msk vm15, v5;
	s13 =	sadd.s32 s16, s31  }
0xd5: {  	[tilespmem:s16+$0x16900] =	vst.msk vm15, v4;
	p0 =	slt.s32 s13, $0x8A0  }
0xd6: {  	[tilespmem:s13+$0x15800] =	vst @!p0 v0  }
0xd7: {  	[tilespmem:s13+$0x15810] =	vst @!p0 v0  }
0xd8: {  	[tilespmem:s13+$0x15820] =	vst @!p0 v0  }
0xd9: {  	[tilespmem:s13+$0x15830] =	vst @!p0 v0  }
0xda: {  	v4 =	vimm.s32 @!p0 $0x140;
	[tilespmem:s13+$0x15840] =	vst @!p0 v0  }
0xdb: {  	[tilespmem:s13+$0x16900] =	vst @!p0 v4  }
0xdc: {  	[tilespmem:s13+$0x16910] =	vst @!p0 v4  }
0xdd: {  	[tilespmem:s13+$0x16920] =	vst @!p0 v4  }
0xde: {  	[tilespmem:s13+$0x16930] =	vst @!p0 v4  }
0xdf: {  	[tilespmem:s13+$0x16940] =	vst @!p0 v4  }
0xe0: {  	v4 =	vld @!p0 [tilespmem:$0x15800];
	_ =	sdelay $0x4  }
0xe1: {  	v5 =	vshll.u32 @!p0 v4, $0x1  }
0xe2: {  	v6 =	vlaneseq.u32 @!p0;
	v4 =	vand.u32 @!p0 $0x7, v4;
	v5 =	vand.u32 @!p0 $0xFFFFFFF0, v5  }
0xe3: {  	v7 =	vshrl.u32 @!p0 v6, $0x3;
	v4 =	vor.u32 @!p0 v4, v5;
	v5 =	vand.u32 @!p0 $0x7, v6  }
0xe4: {  	v7 =	vmul.u32 @!p0 $0x8, v7;
	v8 =	vperm.xlane @!p0 v4, v5  }
0xe5: {  	v6 =	vor.u32 @!p0 $0x8, v6  }
0xe6: {  	v4 =	vperm.xlane @!p0 v4, v6;
	v8 =	vadd.s32 @!p0 v7, v8;
	_ =	sdelay $0x1  }
0xe7: {  	v4 =	vadd.s32 @!p0 v7, v4;
	_ =	sdelay $0x1  }
0xe8: {  	vm0 =	vmmov @!p0 $0xffff;
	s16 =	simm.s32 @!p0 $0x0;
	s17 =	simm.s32 @!p0 $0x17A00  }
0xe9: {  	[tilespmem:s17], [sflag:$0x1] =	stream.indirect_vreg.gather @!p0 [hbm4b:s2+s16], $0x80, v8, vm0, $0xb8;
	[tilespmem:$0x1EA00] =	vst v63  }
0xea: {  	s17 =	simm.s32 @!p0 $0x18200  }
0xeb: {  	[tilespmem:s17], [sflag:$0x1] =	stream.indirect_vreg.gather @!p0 [hbm4b:s2+s16], $0x80, v4, vm0, $0xb8;
	[tilespmem:$0x1EA00] =	vst v63  }
0xec: {  	v4 =	vld @!p0 [tilespmem:$0x15810];
	_ =	sdelay $0x4  }
0xed: {  	v8 =	vshll.u32 @!p0 v4, $0x1  }
0xee: {  	v4 =	vand.u32 @!p0 $0x7, v4;
	v8 =	vand.u32 @!p0 $0xFFFFFFF0, v8  }
0xef: {  	v4 =	vor.u32 @!p0 v4, v8  }
0xf0: {  	v8 =	vperm.xlane @!p0 v4, v5;
	_ =	sdelay $0x1  }
0xf1: {  	v4 =	vperm.xlane @!p0 v4, v6;
	v8 =	vadd.s32 @!p0 v7, v8;
	_ =	sdelay $0x1  }
0xf2: {  	v4 =	vadd.s32 @!p0 v7, v4;
	_ =	sdelay $0x1  }
0xf3: {  	s17 =	simm.s32 @!p0 $0x18A00  }
0xf4: {  	[tilespmem:s17], [sflag:$0x1] =	stream.indirect_vreg.gather @!p0 [hbm4b:s2+s16], $0x80, v8, vm0, $0xb8;
	[tilespmem:$0x1EA00] =	vst v63  }
0xf5: {  	s17 =	simm.s32 @!p0 $0x19200  }
0xf6: {  	[tilespmem:s17], [sflag:$0x1] =	stream.indirect_vreg.gather @!p0 [hbm4b:s2+s16], $0x80, v4, vm0, $0xb8;
	[tilespmem:$0x1EA00] =	vst v63  }
0xf7: {  	v4 =	vld @!p0 [tilespmem:$0x15820];
	_ =	sdelay $0x4  }
0xf8: {  	v8 =	vshll.u32 @!p0 v4, $0x1  }
0xf9: {  	v4 =	vand.u32 @!p0 $0x7, v4;
	v8 =	vand.u32 @!p0 $0xFFFFFFF0, v8  }
0xfa: {  	v4 =	vor.u32 @!p0 v4, v8  }
0xfb: {  	v8 =	vperm.xlane @!p0 v4, v5;
	_ =	sdelay $0x1  }
0xfc: {  	v4 =	vperm.xlane @!p0 v4, v6;
	v8 =	vadd.s32 @!p0 v7, v8;
	_ =	sdelay $0x1  }
0xfd: {  	v4 =	vadd.s32 @!p0 v7, v4;
	_ =	sdelay $0x1  }
0xfe: {  	s17 =	simm.s32 @!p0 $0x19A00  }
0xff: {  	[tilespmem:s17], [sflag:$0x1] =	stream.indirect_vreg.gather @!p0 [hbm4b:s2+s16], $0x80, v8, vm0, $0xb8;
	[tilespmem:$0x1EA00] =	vst v63  }
0x100: {  	s18 =	simm.s32 @!p0 $0x1A200;
	s17 =	sadd.s32 @!p0 $0x37, s13  }
0x101: {  	[tilespmem:s18], [sflag:$0x1] =	stream.indirect_vreg.gather @!p0 [hbm4b:s2+s16], $0x80, v4, vm0, $0xb8;
	[tilespmem:$0x1EA00] =	vst v63  }
0x102: {  	s19 =	sshra.s32 @!p0 s17, $0x1F;
	s18 =	smulhi.u32 @!p0 $0x92492493, s17  }
0x103: {  	s20 =	ssub.s32 @!p0 $0xFFFFFFC9, s13;
	s19 =	smul.u32 @!p0 $0x92492493, s19  }
0x104: {  	s18 =	sadd.s32 @!p0 s20, s18  }
0x105: {  	s18 =	sadd.s32 @!p0 s19, s18  }
0x106: {  	s18 =	sadd.s32 @!p0 s17, s18  }
0x107: {  	v4 =	vld.msk @!p0 [tilespmem:$0x15830], $0xff;
	s19 =	sshrl.u32 @!p0 s18, $0x1F;
	s18 =	sshra.s32 @!p0 s18, $0x5  }
0x108: {  	s18 =	sadd.s32 @!p0 s19, s18  }
0x109: {  	s19 =	smul.u32 @!p0 $0xFFFFFFC8, s18;
	_ =	sdelay $0x1  }
0x10a: {  	p1 =	slt.s32 @!p0 s17, $0x0;
	p2 =	sne.s32 @!p0 s19, s20  }
0x10b: {  	v6 =	vshll.u32 @!p0 v4, $0x1;
	p1 =	por @!p0 !p1, !p2  }
0x10c: {  	v4 =	vand.u32 @!p0 $0x7, v4;
	v6 =	vand.u32 @!p0 $0xFFFFFFF0, v6;
	p1 =	por @!p0 !p1, !p1  }
0x10d: {  	s17 =	simm.s32 @!p0 $0x1;
	v4 =	vor.u32 @!p0 v4, v6;
	p1 =	por !p1, p0  }
0x10e: {  	v4 =	vperm.xlane @!p0 v4, v5;
	s17 =	simm.s32 @p1 $0x0  }
0x10f: {  	s17 =	ssub.s32 @!p0 s18, s17  }
0x110: {  	v4 =	vadd.s32 @!p0 v7, v4;
	p1 =	sgt.s32 @!p0 s17, $0x0  }
0x111: {  	p1 =	por p0, !p1  }
.Ltmp6:
0x112: {  	_ = 	snop;
	(pc) =	sbr.rel @p1 .LBB2_9-.Ltmp6, $4  }
0x113: {  	_ = 	snop  }
0x114: {  	s18 =	simm.s32 @!p0 $0x1AA00  }
0x115: {  	[tilespmem:s18], [sflag:$0x1] =	stream.indirect_vreg.gather @!p0 [hbm4b:s2+s16], $0x80, v4, vm0, $0xb8;
	[tilespmem:$0x1EA00] =	vst v63  }
0x116: {  	s18 =	simm.s32 @!p0 $0x16900  }
.LBB2_16:
0x117: {  	s19 =	sand.u32 $0x1, s16;
	s16 =	sadd.s32 $0x1, s16  }
0x118: {  	p0 =	sge.s32 s16, s17  }
0x119: {  	_ =	swait.ge [sflag:s11], $0x3800;
	s20 =	smul.u32 @!p0 $0xE0, s16  }
0x11a: {  	[sflag:s11] =	ssyncset.done $0x0  }
0x11b: {  	[sflag:s11] =	ssyncadd.s32 $0xFFFFC800;
	s20 =	sshra.s32 @!p0 s20, $0x2  }
0x11c: {  	v4 =	vld @!p0 [tilespmem:s20+$0x15800];
	_ =	sdelay $0x4  }
0x11d: {  	v5 =	vshll.u32 @!p0 v4, $0x1  }
0x11e: {  	v6 =	vlaneseq.u32 @!p0;
	v4 =	vand.u32 @!p0 $0x7, v4;
	v5 =	vand.u32 @!p0 $0xFFFFFFF0, v5  }
0x11f: {  	v7 =	vshrl.u32 @!p0 v6, $0x3;
	v4 =	vor.u32 @!p0 v4, v5;
	v5 =	vand.u32 @!p0 $0x7, v6  }
0x120: {  	v7 =	vmul.u32 @!p0 $0x8, v7;
	v8 =	vperm.xlane @!p0 v4, v5  }
0x121: {  	v6 =	vor.u32 @!p0 $0x8, v6  }
0x122: {  	s21 =	sxor.u32 @!p0 $0x1, s19;
	v4 =	vperm.xlane @!p0 v4, v6;
	v8 =	vadd.s32 @!p0 v7, v8  }
0x123: {  	s21 =	smul.u32 @!p0 $0xE000, s21  }
0x124: {  	v4 =	vadd.s32 @!p0 v7, v4  }
0x125: {  	s21 =	sshrl.u32 @!p0 s21, $0x2  }
0x126: {  	vm0 =	vmmov @!p0 $0xffff;
	s23 =	simm.s32 @!p0 $0x0;
	s22 =	sadd.s32 @!p0 $0x17A00, s21  }
0x127: {  	[tilespmem:s22], [sflag:$0x1] =	stream.indirect_vreg.gather @!p0 [hbm4b:s2+s23], $0x80, v8, vm0, $0xb8;
	[tilespmem:$0x1EA00] =	vst v63  }
0x128: {  	s22 =	sor.u32 @!p0 $0x18200, s21  }
0x129: {  	[tilespmem:s22], [sflag:$0x1] =	stream.indirect_vreg.gather @!p0 [hbm4b:s2+s23], $0x80, v4, vm0, $0xb8;
	[tilespmem:$0x1EA00] =	vst v63  }
0x12a: {  	v4 =	vld @!p0 [tilespmem:s20+$0x15810];
	_ =	sdelay $0x4  }
0x12b: {  	v8 =	vshll.u32 @!p0 v4, $0x1  }
0x12c: {  	v4 =	vand.u32 @!p0 $0x7, v4;
	v8 =	vand.u32 @!p0 $0xFFFFFFF0, v8  }
0x12d: {  	v4 =	vor.u32 @!p0 v4, v8  }
0x12e: {  	v8 =	vperm.xlane @!p0 v4, v5;
	_ =	sdelay $0x1  }
0x12f: {  	v4 =	vperm.xlane @!p0 v4, v6;
	v8 =	vadd.s32 @!p0 v7, v8;
	_ =	sdelay $0x1  }
0x130: {  	v4 =	vadd.s32 @!p0 v7, v4;
	_ =	sdelay $0x1  }
0x131: {  	s22 =	sadd.s32 @!p0 $0x18A00, s21  }
0x132: {  	[tilespmem:s22], [sflag:$0x1] =	stream.indirect_vreg.gather @!p0 [hbm4b:s2+s23], $0x80, v8, vm0, $0xb8;
	[tilespmem:$0x1EA00] =	vst v63  }
0x133: {  	s22 =	sadd.s32 @!p0 $0x19200, s21  }
0x134: {  	[tilespmem:s22], [sflag:$0x1] =	stream.indirect_vreg.gather @!p0 [hbm4b:s2+s23], $0x80, v4, vm0, $0xb8;
	[tilespmem:$0x1EA00] =	vst v63  }
0x135: {  	v4 =	vld @!p0 [tilespmem:s20+$0x15820];
	_ =	sdelay $0x4  }
0x136: {  	v8 =	vshll.u32 @!p0 v4, $0x1  }
0x137: {  	v4 =	vand.u32 @!p0 $0x7, v4;
	v8 =	vand.u32 @!p0 $0xFFFFFFF0, v8  }
0x138: {  	v4 =	vor.u32 @!p0 v4, v8  }
0x139: {  	v8 =	vperm.xlane @!p0 v4, v5;
	_ =	sdelay $0x1  }
0x13a: {  	v4 =	vperm.xlane @!p0 v4, v6;
	v8 =	vadd.s32 @!p0 v7, v8;
	_ =	sdelay $0x1  }
0x13b: {  	v4 =	vadd.s32 @!p0 v7, v4;
	_ =	sdelay $0x1  }
0x13c: {  	s22 =	sadd.s32 @!p0 $0x19A00, s21  }
0x13d: {  	[tilespmem:s22], [sflag:$0x1] =	stream.indirect_vreg.gather @!p0 [hbm4b:s2+s23], $0x80, v8, vm0, $0xb8;
	[tilespmem:$0x1EA00] =	vst v63  }
0x13e: {  	s22 =	sadd.s32 @!p0 $0x1A200, s21  }
0x13f: {  	[tilespmem:s22], [sflag:$0x1] =	stream.indirect_vreg.gather @!p0 [hbm4b:s2+s23], $0x80, v4, vm0, $0xb8;
	[tilespmem:$0x1EA00] =	vst v63  }
0x140: {  	v4 =	vld.msk @!p0 [tilespmem:s20+$0x15830], $0xff;
	_ =	sdelay $0x4  }
0x141: {  	v6 =	vshll.u32 @!p0 v4, $0x1  }
0x142: {  	v4 =	vand.u32 @!p0 $0x7, v4;
	v6 =	vand.u32 @!p0 $0xFFFFFFF0, v6  }
0x143: {  	v4 =	vor.u32 @!p0 v4, v6  }
0x144: {  	v4 =	vperm.xlane @!p0 v4, v5;
	_ =	sdelay $0x1  }
0x145: {  	v4 =	vadd.s32 @!p0 v7, v4;
	_ =	sdelay $0x3  }
0x146: {  	s20 =	sadd.s32 @!p0 $0x1AA00, s21  }
0x147: {  	[tilespmem:s20], [sflag:$0x1] =	stream.indirect_vreg.gather @!p0 [hbm4b:s2+s23], $0x80, v4, vm0, $0xb8;
	[tilespmem:$0x1EA00] =	vst v63  }
0x148: {  	v4 =	vld [tilespmem:s18+$0x0];
	_ =	sdelay $0x4  }
0x149: {  	(v2sf) =	vpush v4, $0x0;
	_ =	sdelay $0xa  }
0x14a: {  	s19 =	smul.u32 $0xE000, s19;
	_ =	sdelay $0x1  }
0x14b: {  	s19 =	sshrl.u32 s19, $0x2  }
0x14c: {  	s19 =	sadd.s32 $0x17A00, s19;
	s20 =	simm.s32 $0x0  }
0x14d: {  	s28 =	sand.u32 $0x3800, s20;
	s29 =	sand.u32 $0x380, s20;
	s30 =	spop (v2sf)  }
0x14e: {  	s21 =	sadd.s32 s28, s19;
	s24 =	sshll.u32 s30, $0x8;
	s23 =	sshll.u32 s30, $0x7  }
0x14f: {  	s31 =	sadd.s32 s29, s21;
	s24 =	sand.u32 $0xFFFFF800, s24;
	s25 =	sand.u32 $0x380, s23  }
0x150: {  	v4 =	vld [tilespmem:s31+$0x0];
	s21 =	sor.u32 s25, s24  }
0x151: {  	v5 =	vld [tilespmem:s21+$0x0];
	_ =	sdelay $0x4  }
0x152: {  	v4 =	vmax.f32 v5, v4  }
0x153: {  	[tilespmem:s21+$0x0] =	vst v4;
	v4 =	vld [tilespmem:s21+$0x10]  }
0x154: {  	v5 =	vld [tilespmem:s31+$0x10];
	_ =	sdelay $0x4  }
0x155: {  	v4 =	vmax.f32 v4, v5  }
0x156: {  	[tilespmem:s21+$0x10] =	vst v4;
	v4 =	vld [tilespmem:s21+$0x20]  }
0x157: {  	v5 =	vld [tilespmem:s31+$0x20];
	_ =	sdelay $0x4  }
0x158: {  	v4 =	vmax.f32 v4, v5  }
0x159: {  	[tilespmem:s21+$0x20] =	vst v4;
	v4 =	vld [tilespmem:s21+$0x30]  }
0x15a: {  	v5 =	vld [tilespmem:s31+$0x30];
	_ =	sdelay $0x4  }
0x15b: {  	v4 =	vmax.f32 v4, v5  }
0x15c: {  	[tilespmem:s21+$0x30] =	vst v4;
	v4 =	vld [tilespmem:s21+$0x40]  }
0x15d: {  	v5 =	vld [tilespmem:s31+$0x40];
	_ =	sdelay $0x4  }
0x15e: {  	v4 =	vmax.f32 v4, v5  }
0x15f: {  	[tilespmem:s21+$0x40] =	vst v4;
	v4 =	vld [tilespmem:s21+$0x50]  }
0x160: {  	v5 =	vld [tilespmem:s31+$0x50];
	_ =	sdelay $0x4  }
0x161: {  	v4 =	vmax.f32 v4, v5  }
0x162: {  	[tilespmem:s21+$0x50] =	vst v4;
	v4 =	vld [tilespmem:s21+$0x60]  }
0x163: {  	v5 =	vld [tilespmem:s31+$0x60];
	_ =	sdelay $0x4  }
0x164: {  	v4 =	vmax.f32 v4, v5  }
0x165: {  	[tilespmem:s21+$0x60] =	vst v4;
	v4 =	vld [tilespmem:s21+$0x70]  }
0x166: {  	v5 =	vld [tilespmem:s31+$0x70];
	_ =	sdelay $0x4  }
0x167: {  	v4 =	vmax.f32 v4, v5  }
0x168: {  	[tilespmem:s21+$0x70] =	vst v4;
	v4 =	vld [tilespmem:s21+$0x400]  }
0x169: {  	v5 =	vld [tilespmem:s31+$0x400];
	_ =	sdelay $0x4  }
0x16a: {  	v4 =	vmax.f32 v4, v5  }
0x16b: {  	[tilespmem:s21+$0x400] =	vst v4;
	v4 =	vld [tilespmem:s21+$0x410]  }
0x16c: {  	v5 =	vld [tilespmem:s31+$0x410];
	_ =	sdelay $0x4  }
0x16d: {  	v4 =	vmax.f32 v4, v5  }
0x16e: {  	[tilespmem:s21+$0x410] =	vst v4;
	v4 =	vld [tilespmem:s21+$0x420]  }
0x16f: {  	v5 =	vld [tilespmem:s31+$0x420];
	_ =	sdelay $0x4  }
0x170: {  	v4 =	vmax.f32 v4, v5  }
0x171: {  	[tilespmem:s21+$0x420] =	vst v4;
	v4 =	vld [tilespmem:s21+$0x430]  }
0x172: {  	v5 =	vld [tilespmem:s31+$0x430];
	_ =	sdelay $0x4  }
0x173: {  	v4 =	vmax.f32 v4, v5  }
0x174: {  	[tilespmem:s21+$0x430] =	vst v4;
	v4 =	vld [tilespmem:s21+$0x440]  }
0x175: {  	v5 =	vld [tilespmem:s31+$0x440];
	_ =	sdelay $0x4  }
0x176: {  	v4 =	vmax.f32 v4, v5  }
0x177: {  	[tilespmem:s21+$0x440] =	vst v4;
	v4 =	vld [tilespmem:s21+$0x450]  }
0x178: {  	v5 =	vld [tilespmem:s31+$0x450];
	_ =	sdelay $0x4  }
0x179: {  	v4 =	vmax.f32 v4, v5  }
0x17a: {  	[tilespmem:s21+$0x450] =	vst v4;
	v4 =	vld [tilespmem:s21+$0x460]  }
0x17b: {  	v5 =	vld [tilespmem:s31+$0x460];
	_ =	sdelay $0x4  }
0x17c: {  	v4 =	vmax.f32 v4, v5  }
0x17d: {  	[tilespmem:s21+$0x460] =	vst v4;
	v4 =	vld [tilespmem:s21+$0x470]  }
0x17e: {  	s22 =	simm.s32 $0x100;
	s23 =	smov.u32 s18;
	v5 =	vld [tilespmem:s31+$0x470]  }
.LBB2_17:
0x17f: {  	_ =	sdelay $0x3  }
0x180: {  	p0 =	seq.s32 s22, $0x3700;
	s20 =	sadd.s32 $0x80, s20;
	s23 =	sadd.s32 $0x1, s23;
	v4 =	vmax.f32 v4, v5  }
0x181: {  	[tilespmem:s21+$0x470] =	vst v4;
	s21 =	smov.u32 s22;
	s22 =	sadd.s32 $0x100, s22  }
0x182: {  	v4 =	vld [tilespmem:s23+$0x0];
	_ =	sdelay $0x4  }
0x183: {  	(v2sf) =	vpush v4, $0x0;
	_ =	sdelay $0xe  }
0x184: {  	s24 =	sand.u32 $0x380, s20;
	s21 =	sand.u32 $0x3800, s21;
	s25 =	spop (v2sf)  }
0x185: {  	s21 =	sadd.s32 s21, s19;
	s26 =	sshll.u32 s25, $0x8;
	s25 =	sshll.u32 s25, $0x7  }
0x186: {  	s24 =	sadd.s32 s24, s21;
	s26 =	sand.u32 $0xFFFFF800, s26;
	s25 =	sand.u32 $0x380, s25  }
0x187: {  	s21 =	sor.u32 s25, s26;
	v4 =	vld [tilespmem:s24+$0x0]  }
0x188: {  	v5 =	vld [tilespmem:s21+$0x0];
	_ =	sdelay $0x4  }
0x189: {  	v4 =	vmax.f32 v5, v4  }
0x18a: {  	[tilespmem:s21+$0x0] =	vst v4;
	v4 =	vld [tilespmem:s21+$0x10]  }
0x18b: {  	v5 =	vld [tilespmem:s24+$0x10];
	_ =	sdelay $0x4  }
0x18c: {  	v4 =	vmax.f32 v4, v5  }
0x18d: {  	[tilespmem:s21+$0x10] =	vst v4;
	v4 =	vld [tilespmem:s21+$0x20]  }
0x18e: {  	v5 =	vld [tilespmem:s24+$0x20];
	_ =	sdelay $0x4  }
0x18f: {  	v4 =	vmax.f32 v4, v5  }
0x190: {  	[tilespmem:s21+$0x20] =	vst v4;
	v4 =	vld [tilespmem:s21+$0x30]  }
0x191: {  	v5 =	vld [tilespmem:s24+$0x30];
	_ =	sdelay $0x4  }
0x192: {  	v4 =	vmax.f32 v4, v5  }
0x193: {  	[tilespmem:s21+$0x30] =	vst v4;
	v4 =	vld [tilespmem:s21+$0x40]  }
0x194: {  	v5 =	vld [tilespmem:s24+$0x40];
	_ =	sdelay $0x4  }
0x195: {  	v4 =	vmax.f32 v4, v5  }
0x196: {  	[tilespmem:s21+$0x40] =	vst v4;
	v4 =	vld [tilespmem:s21+$0x50]  }
0x197: {  	v5 =	vld [tilespmem:s24+$0x50];
	_ =	sdelay $0x4  }
0x198: {  	v4 =	vmax.f32 v4, v5  }
0x199: {  	[tilespmem:s21+$0x50] =	vst v4;
	v4 =	vld [tilespmem:s21+$0x60]  }
0x19a: {  	v5 =	vld [tilespmem:s24+$0x60];
	_ =	sdelay $0x4  }
0x19b: {  	v4 =	vmax.f32 v4, v5  }
0x19c: {  	[tilespmem:s21+$0x60] =	vst v4;
	v4 =	vld [tilespmem:s21+$0x70]  }
0x19d: {  	v5 =	vld [tilespmem:s24+$0x70];
	_ =	sdelay $0x4  }
0x19e: {  	v4 =	vmax.f32 v4, v5  }
0x19f: {  	[tilespmem:s21+$0x70] =	vst v4;
	v4 =	vld [tilespmem:s21+$0x400]  }
0x1a0: {  	v5 =	vld [tilespmem:s24+$0x400];
	_ =	sdelay $0x4  }
0x1a1: {  	v4 =	vmax.f32 v4, v5  }
0x1a2: {  	[tilespmem:s21+$0x400] =	vst v4;
	v4 =	vld [tilespmem:s21+$0x410]  }
0x1a3: {  	v5 =	vld [tilespmem:s24+$0x410];
	_ =	sdelay $0x4  }
0x1a4: {  	v4 =	vmax.f32 v4, v5  }
0x1a5: {  	[tilespmem:s21+$0x410] =	vst v4;
	v4 =	vld [tilespmem:s21+$0x420]  }
0x1a6: {  	v5 =	vld [tilespmem:s24+$0x420];
	_ =	sdelay $0x4  }
0x1a7: {  	v4 =	vmax.f32 v4, v5  }
0x1a8: {  	[tilespmem:s21+$0x420] =	vst v4;
	v4 =	vld [tilespmem:s21+$0x430]  }
0x1a9: {  	v5 =	vld [tilespmem:s24+$0x430];
	_ =	sdelay $0x4  }
0x1aa: {  	v4 =	vmax.f32 v4, v5  }
0x1ab: {  	[tilespmem:s21+$0x430] =	vst v4;
	v4 =	vld [tilespmem:s21+$0x440]  }
0x1ac: {  	v5 =	vld [tilespmem:s24+$0x440];
	_ =	sdelay $0x4  }
0x1ad: {  	v4 =	vmax.f32 v4, v5  }
0x1ae: {  	[tilespmem:s21+$0x440] =	vst v4;
	v4 =	vld [tilespmem:s21+$0x450]  }
0x1af: {  	v5 =	vld [tilespmem:s24+$0x450];
	_ =	sdelay $0x4  }
0x1b0: {  	v4 =	vmax.f32 v4, v5  }
0x1b1: {  	[tilespmem:s21+$0x450] =	vst v4;
	v4 =	vld [tilespmem:s21+$0x460]  }
0x1b2: {  	v5 =	vld [tilespmem:s24+$0x460];
	_ =	sdelay $0x2  }
.Ltmp7:
0x1b3: {  	(pc) =	sbr.rel @!p0 .LBB2_17-.Ltmp7, $4  }
0x1b4: {  	_ = 	snop  }
0x1b5: {  	v4 =	vmax.f32 v4, v5  }
0x1b6: {  	[tilespmem:s21+$0x460] =	vst v4;
	v4 =	vld [tilespmem:s21+$0x470]  }
0x1b7: {  	v5 =	vld [tilespmem:s24+$0x470]  }
0x1b8: {  	_ =	sdelay $0x3  }
0x1b9: {  	v4 =	vmax.f32 v4, v5  }
0x1ba: {  	[tilespmem:s21+$0x470] =	vst v4  }
0x1bb: {  	p0 =	seq.s32 s16, s17  }
.Ltmp8:
0x1bc: {  	_ = 	snop;
	(pc) =	sbr.rel @!p0 .LBB2_16-.Ltmp8, $4  }
.Ltmp9:
0x1bd: {  	_ = 	snop;
	(pc) =	sbr.rel @p0 .LBB2_9-.Ltmp9, $4  }
0x1be: {  	_ = 	snop  }
0x1bf: {  	_ = 	snop  }
0x1c0: {  	s18 =	sadd.s32 $0x38, s18  }
0x1c1: {  	_ = 	snop  }
.LBB2_5:
.Ltmp10:
0x1c2: {  	(pc) =	sbr.rel .LBB2_8-.Ltmp10, $2  }
0x1c3: {  	_ =	sdelay $0x2  }
0x1c4: {  	_ = 	snop  }
.LBB2_10:
0x1c5: {  	p0 =	sgt.s32 s13, $0x0  }
0x1c6: {  	[tilespmem:s13+$0x15800] =	vst @p0 v0  }
0x1c7: {  	[tilespmem:s13+$0x15810] =	vst @p0 v0  }
0x1c8: {  	[tilespmem:s13+$0x15820] =	vst @p0 v0  }
0x1c9: {  	[tilespmem:s13+$0x15830] =	vst @p0 v0  }
0x1ca: {  	v4 =	vimm.s32 @p0 $0x140;
	[tilespmem:s13+$0x15840] =	vst @p0 v0  }
0x1cb: {  	[tilespmem:s13+$0x16900] =	vst @p0 v4  }
0x1cc: {  	[tilespmem:s13+$0x16910] =	vst @p0 v4  }
0x1cd: {  	[tilespmem:s13+$0x16920] =	vst @p0 v4  }
0x1ce: {  	[tilespmem:s13+$0x16930] =	vst @p0 v4  }
0x1cf: {  	[tilespmem:s13+$0x16940] =	vst @p0 v4  }
0x1d0: {  	v4 =	vld @p0 [tilespmem:$0x15800];
	_ =	sdelay $0x4  }
0x1d1: {  	v5 =	vshll.u32 @p0 v4, $0x1  }
0x1d2: {  	v6 =	vlaneseq.u32 @p0;
	v4 =	vand.u32 @p0 $0x7, v4;
	v5 =	vand.u32 @p0 $0xFFFFFFF0, v5  }
0x1d3: {  	v7 =	vshrl.u32 @p0 v6, $0x3;
	v4 =	vor.u32 @p0 v4, v5;
	v5 =	vand.u32 @p0 $0x7, v6  }
0x1d4: {  	v7 =	vmul.u32 @p0 $0x8, v7;
	v8 =	vperm.xlane @p0 v4, v5  }
0x1d5: {  	v6 =	vor.u32 @p0 $0x8, v6  }
0x1d6: {  	v4 =	vperm.xlane @p0 v4, v6;
	v8 =	vadd.s32 @p0 v7, v8;
	_ =	sdelay $0x1  }
0x1d7: {  	v4 =	vadd.s32 @p0 v7, v4;
	_ =	sdelay $0x1  }
0x1d8: {  	vm0 =	vmmov @p0 $0xffff;
	s14 =	simm.s32 @p0 $0x0;
	s15 =	simm.s32 @p0 $0x17A00  }
0x1d9: {  	[tilespmem:s15], [sflag:$0x1] =	stream.indirect_vreg.gather @p0 [hbm4b:s2+s14], $0x80, v8, vm0, $0xb8;
	[tilespmem:$0x1EA00] =	vst v63  }
0x1da: {  	s15 =	simm.s32 @p0 $0x18200  }
0x1db: {  	[tilespmem:s15], [sflag:$0x1] =	stream.indirect_vreg.gather @p0 [hbm4b:s2+s14], $0x80, v4, vm0, $0xb8;
	[tilespmem:$0x1EA00] =	vst v63  }
0x1dc: {  	v4 =	vld @p0 [tilespmem:$0x15810];
	_ =	sdelay $0x4  }
0x1dd: {  	v8 =	vshll.u32 @p0 v4, $0x1  }
0x1de: {  	v4 =	vand.u32 @p0 $0x7, v4;
	v8 =	vand.u32 @p0 $0xFFFFFFF0, v8  }
0x1df: {  	v4 =	vor.u32 @p0 v4, v8  }
0x1e0: {  	v8 =	vperm.xlane @p0 v4, v5;
	_ =	sdelay $0x1  }
0x1e1: {  	v4 =	vperm.xlane @p0 v4, v6;
	v8 =	vadd.s32 @p0 v7, v8;
	_ =	sdelay $0x1  }
0x1e2: {  	v4 =	vadd.s32 @p0 v7, v4;
	_ =	sdelay $0x1  }
0x1e3: {  	s15 =	simm.s32 @p0 $0x18A00  }
0x1e4: {  	[tilespmem:s15], [sflag:$0x1] =	stream.indirect_vreg.gather @p0 [hbm4b:s2+s14], $0x80, v8, vm0, $0xb8;
	[tilespmem:$0x1EA00] =	vst v63  }
0x1e5: {  	s15 =	simm.s32 @p0 $0x19200  }
0x1e6: {  	[tilespmem:s15], [sflag:$0x1] =	stream.indirect_vreg.gather @p0 [hbm4b:s2+s14], $0x80, v4, vm0, $0xb8;
	[tilespmem:$0x1EA00] =	vst v63  }
0x1e7: {  	v4 =	vld @p0 [tilespmem:$0x15820];
	_ =	sdelay $0x4  }
0x1e8: {  	v8 =	vshll.u32 @p0 v4, $0x1  }
0x1e9: {  	v4 =	vand.u32 @p0 $0x7, v4;
	v8 =	vand.u32 @p0 $0xFFFFFFF0, v8  }
0x1ea: {  	v4 =	vor.u32 @p0 v4, v8  }
0x1eb: {  	v8 =	vperm.xlane @p0 v4, v5;
	_ =	sdelay $0x1  }
0x1ec: {  	v4 =	vperm.xlane @p0 v4, v6;
	v8 =	vadd.s32 @p0 v7, v8;
	_ =	sdelay $0x1  }
0x1ed: {  	v4 =	vadd.s32 @p0 v7, v4;
	_ =	sdelay $0x1  }
0x1ee: {  	s15 =	simm.s32 @p0 $0x19A00  }
0x1ef: {  	[tilespmem:s15], [sflag:$0x1] =	stream.indirect_vreg.gather @p0 [hbm4b:s2+s14], $0x80, v8, vm0, $0xb8;
	[tilespmem:$0x1EA00] =	vst v63  }
0x1f0: {  	s16 =	simm.s32 @p0 $0x1A200;
	s15 =	sadd.s32 @p0 $0x37, s13  }
0x1f1: {  	[tilespmem:s16], [sflag:$0x1] =	stream.indirect_vreg.gather @p0 [hbm4b:s2+s14], $0x80, v4, vm0, $0xb8;
	[tilespmem:$0x1EA00] =	vst v63  }
0x1f2: {  	s17 =	sshra.s32 @p0 s15, $0x1F;
	s16 =	smulhi.u32 @p0 $0x92492493, s15  }
0x1f3: {  	s13 =	ssub.s32 @p0 $0xFFFFFFC9, s13;
	s17 =	smul.u32 @p0 $0x92492493, s17  }
0x1f4: {  	s16 =	sadd.s32 @p0 s13, s16  }
0x1f5: {  	s16 =	sadd.s32 @p0 s17, s16  }
0x1f6: {  	s16 =	sadd.s32 @p0 s15, s16  }
0x1f7: {  	v4 =	vld.msk @p0 [tilespmem:$0x15830], $0xff;
	s17 =	sshrl.u32 @p0 s16, $0x1F;
	s16 =	sshra.s32 @p0 s16, $0x5  }
0x1f8: {  	s16 =	sadd.s32 @p0 s17, s16  }
0x1f9: {  	s17 =	smul.u32 @p0 $0xFFFFFFC8, s16;
	_ =	sdelay $0x1  }
0x1fa: {  	p1 =	slt.s32 @p0 s15, $0x0;
	p2 =	sne.s32 @p0 s17, s13  }
0x1fb: {  	v6 =	vshll.u32 @p0 v4, $0x1;
	p1 =	por @p0 !p1, !p2  }
0x1fc: {  	v4 =	vand.u32 @p0 $0x7, v4;
	v6 =	vand.u32 @p0 $0xFFFFFFF0, v6;
	p1 =	por @p0 !p1, !p1  }
0x1fd: {  	v4 =	vor.u32 @p0 v4, v6;
	s13 =	simm.s32 @p0 $0x1;
	p1 =	por !p1, !p0  }
0x1fe: {  	v4 =	vperm.xlane @p0 v4, v5;
	s13 =	simm.s32 @p1 $0x0  }
0x1ff: {  	s13 =	ssub.s32 @p0 s16, s13  }
0x200: {  	v4 =	vadd.s32 @p0 v7, v4;
	p1 =	sgt.s32 @p0 s13, $0x0  }
0x201: {  	p1 =	por !p0, !p1  }
.Ltmp11:
0x202: {  	_ = 	snop;
	(pc) =	sbr.rel @p1 .LBB2_11-.Ltmp11, $4  }
0x203: {  	_ = 	snop  }
0x204: {  	s15 =	simm.s32 @p0 $0x1AA00  }
0x205: {  	[tilespmem:s15], [sflag:$0x1] =	stream.indirect_vreg.gather @p0 [hbm4b:s2+s14], $0x80, v4, vm0, $0xb8;
	[tilespmem:$0x1EA00] =	vst v63  }
0x206: {  	s15 =	simm.s32 @p0 $0x16900  }
.LBB2_20:
0x207: {  	s16 =	sand.u32 $0x1, s14;
	s14 =	sadd.s32 $0x1, s14  }
0x208: {  	p0 =	sge.s32 s14, s13  }
0x209: {  	_ =	swait.ge [sflag:s11], $0x3800;
	s17 =	smul.u32 @!p0 $0xE0, s14  }
0x20a: {  	[sflag:s11] =	ssyncset.done $0x0  }
0x20b: {  	[sflag:s11] =	ssyncadd.s32 $0xFFFFC800;
	s17 =	sshra.s32 @!p0 s17, $0x2  }
0x20c: {  	v4 =	vld @!p0 [tilespmem:s17+$0x15800];
	_ =	sdelay $0x4  }
0x20d: {  	v5 =	vshll.u32 @!p0 v4, $0x1  }
0x20e: {  	v6 =	vlaneseq.u32 @!p0;
	v4 =	vand.u32 @!p0 $0x7, v4;
	v5 =	vand.u32 @!p0 $0xFFFFFFF0, v5  }
0x20f: {  	v7 =	vshrl.u32 @!p0 v6, $0x3;
	v4 =	vor.u32 @!p0 v4, v5;
	v5 =	vand.u32 @!p0 $0x7, v6  }
0x210: {  	v7 =	vmul.u32 @!p0 $0x8, v7;
	v8 =	vperm.xlane @!p0 v4, v5  }
0x211: {  	v6 =	vor.u32 @!p0 $0x8, v6  }
0x212: {  	s18 =	sxor.u32 @!p0 $0x1, s16;
	v4 =	vperm.xlane @!p0 v4, v6;
	v8 =	vadd.s32 @!p0 v7, v8  }
0x213: {  	s18 =	smul.u32 @!p0 $0xE000, s18  }
0x214: {  	v4 =	vadd.s32 @!p0 v7, v4  }
0x215: {  	s18 =	sshrl.u32 @!p0 s18, $0x2  }
0x216: {  	vm0 =	vmmov @!p0 $0xffff;
	s20 =	simm.s32 @!p0 $0x0;
	s19 =	sadd.s32 @!p0 $0x17A00, s18  }
0x217: {  	[tilespmem:s19], [sflag:$0x1] =	stream.indirect_vreg.gather @!p0 [hbm4b:s2+s20], $0x80, v8, vm0, $0xb8;
	[tilespmem:$0x1EA00] =	vst v63  }
0x218: {  	s19 =	sor.u32 @!p0 $0x18200, s18  }
0x219: {  	[tilespmem:s19], [sflag:$0x1] =	stream.indirect_vreg.gather @!p0 [hbm4b:s2+s20], $0x80, v4, vm0, $0xb8;
	[tilespmem:$0x1EA00] =	vst v63  }
0x21a: {  	v4 =	vld @!p0 [tilespmem:s17+$0x15810];
	_ =	sdelay $0x4  }
0x21b: {  	v8 =	vshll.u32 @!p0 v4, $0x1  }
0x21c: {  	v4 =	vand.u32 @!p0 $0x7, v4;
	v8 =	vand.u32 @!p0 $0xFFFFFFF0, v8  }
0x21d: {  	v4 =	vor.u32 @!p0 v4, v8  }
0x21e: {  	v8 =	vperm.xlane @!p0 v4, v5;
	_ =	sdelay $0x1  }
0x21f: {  	v4 =	vperm.xlane @!p0 v4, v6;
	v8 =	vadd.s32 @!p0 v7, v8;
	_ =	sdelay $0x1  }
0x220: {  	v4 =	vadd.s32 @!p0 v7, v4;
	_ =	sdelay $0x1  }
0x221: {  	s19 =	sadd.s32 @!p0 $0x18A00, s18  }
0x222: {  	[tilespmem:s19], [sflag:$0x1] =	stream.indirect_vreg.gather @!p0 [hbm4b:s2+s20], $0x80, v8, vm0, $0xb8;
	[tilespmem:$0x1EA00] =	vst v63  }
0x223: {  	s19 =	sadd.s32 @!p0 $0x19200, s18  }
0x224: {  	[tilespmem:s19], [sflag:$0x1] =	stream.indirect_vreg.gather @!p0 [hbm4b:s2+s20], $0x80, v4, vm0, $0xb8;
	[tilespmem:$0x1EA00] =	vst v63  }
0x225: {  	v4 =	vld @!p0 [tilespmem:s17+$0x15820];
	_ =	sdelay $0x4  }
0x226: {  	v8 =	vshll.u32 @!p0 v4, $0x1  }
0x227: {  	v4 =	vand.u32 @!p0 $0x7, v4;
	v8 =	vand.u32 @!p0 $0xFFFFFFF0, v8  }
0x228: {  	v4 =	vor.u32 @!p0 v4, v8  }
0x229: {  	v8 =	vperm.xlane @!p0 v4, v5;
	_ =	sdelay $0x1  }
0x22a: {  	v4 =	vperm.xlane @!p0 v4, v6;
	v8 =	vadd.s32 @!p0 v7, v8;
	_ =	sdelay $0x1  }
0x22b: {  	v4 =	vadd.s32 @!p0 v7, v4;
	_ =	sdelay $0x1  }
0x22c: {  	s19 =	sadd.s32 @!p0 $0x19A00, s18  }
0x22d: {  	[tilespmem:s19], [sflag:$0x1] =	stream.indirect_vreg.gather @!p0 [hbm4b:s2+s20], $0x80, v8, vm0, $0xb8;
	[tilespmem:$0x1EA00] =	vst v63  }
0x22e: {  	s19 =	sadd.s32 @!p0 $0x1A200, s18  }
0x22f: {  	[tilespmem:s19], [sflag:$0x1] =	stream.indirect_vreg.gather @!p0 [hbm4b:s2+s20], $0x80, v4, vm0, $0xb8;
	[tilespmem:$0x1EA00] =	vst v63  }
0x230: {  	v4 =	vld.msk @!p0 [tilespmem:s17+$0x15830], $0xff;
	_ =	sdelay $0x4  }
0x231: {  	v6 =	vshll.u32 @!p0 v4, $0x1  }
0x232: {  	v4 =	vand.u32 @!p0 $0x7, v4;
	v6 =	vand.u32 @!p0 $0xFFFFFFF0, v6  }
0x233: {  	v4 =	vor.u32 @!p0 v4, v6  }
0x234: {  	v4 =	vperm.xlane @!p0 v4, v5;
	_ =	sdelay $0x1  }
0x235: {  	v4 =	vadd.s32 @!p0 v7, v4;
	_ =	sdelay $0x3  }
0x236: {  	s17 =	sadd.s32 @!p0 $0x1AA00, s18  }
0x237: {  	[tilespmem:s17], [sflag:$0x1] =	stream.indirect_vreg.gather @!p0 [hbm4b:s2+s20], $0x80, v4, vm0, $0xb8;
	[tilespmem:$0x1EA00] =	vst v63  }
0x238: {  	v4 =	vld [tilespmem:s15+$0x0];
	_ =	sdelay $0x4  }
0x239: {  	(v2sf) =	vpush v4, $0x0;
	_ =	sdelay $0xa  }
0x23a: {  	s16 =	smul.u32 $0xE000, s16;
	_ =	sdelay $0x1  }
0x23b: {  	s16 =	sshrl.u32 s16, $0x2  }
0x23c: {  	s16 =	sadd.s32 $0x17A00, s16;
	s17 =	simm.s32 $0x0  }
0x23d: {  	s28 =	sand.u32 $0x3800, s17;
	s29 =	sand.u32 $0x380, s17;
	s30 =	spop (v2sf)  }
0x23e: {  	s18 =	sadd.s32 s28, s16;
	s21 =	sshll.u32 s30, $0x8;
	s20 =	sshll.u32 s30, $0x7  }
0x23f: {  	s31 =	sadd.s32 s29, s18;
	s21 =	sand.u32 $0xFFFFF800, s21;
	s22 =	sand.u32 $0x380, s20  }
0x240: {  	v4 =	vld [tilespmem:s31+$0x0];
	s18 =	sor.u32 s22, s21  }
0x241: {  	v5 =	vld [tilespmem:s18+$0x0];
	_ =	sdelay $0x4  }
0x242: {  	v4 =	vmax.f32 v5, v4  }
0x243: {  	[tilespmem:s18+$0x0] =	vst v4;
	v4 =	vld [tilespmem:s18+$0x10]  }
0x244: {  	v5 =	vld [tilespmem:s31+$0x10];
	_ =	sdelay $0x4  }
0x245: {  	v4 =	vmax.f32 v4, v5  }
0x246: {  	[tilespmem:s18+$0x10] =	vst v4;
	v4 =	vld [tilespmem:s18+$0x20]  }
0x247: {  	v5 =	vld [tilespmem:s31+$0x20];
	_ =	sdelay $0x4  }
0x248: {  	v4 =	vmax.f32 v4, v5  }
0x249: {  	[tilespmem:s18+$0x20] =	vst v4;
	v4 =	vld [tilespmem:s18+$0x30]  }
0x24a: {  	v5 =	vld [tilespmem:s31+$0x30];
	_ =	sdelay $0x4  }
0x24b: {  	v4 =	vmax.f32 v4, v5  }
0x24c: {  	[tilespmem:s18+$0x30] =	vst v4;
	v4 =	vld [tilespmem:s18+$0x40]  }
0x24d: {  	v5 =	vld [tilespmem:s31+$0x40];
	_ =	sdelay $0x4  }
0x24e: {  	v4 =	vmax.f32 v4, v5  }
0x24f: {  	[tilespmem:s18+$0x40] =	vst v4;
	v4 =	vld [tilespmem:s18+$0x50]  }
0x250: {  	v5 =	vld [tilespmem:s31+$0x50];
	_ =	sdelay $0x4  }
0x251: {  	v4 =	vmax.f32 v4, v5  }
0x252: {  	[tilespmem:s18+$0x50] =	vst v4;
	v4 =	vld [tilespmem:s18+$0x60]  }
0x253: {  	v5 =	vld [tilespmem:s31+$0x60];
	_ =	sdelay $0x4  }
0x254: {  	v4 =	vmax.f32 v4, v5  }
0x255: {  	[tilespmem:s18+$0x60] =	vst v4;
	v4 =	vld [tilespmem:s18+$0x70]  }
0x256: {  	v5 =	vld [tilespmem:s31+$0x70];
	_ =	sdelay $0x4  }
0x257: {  	v4 =	vmax.f32 v4, v5  }
0x258: {  	[tilespmem:s18+$0x70] =	vst v4;
	v4 =	vld [tilespmem:s18+$0x400]  }
0x259: {  	v5 =	vld [tilespmem:s31+$0x400];
	_ =	sdelay $0x4  }
0x25a: {  	v4 =	vmax.f32 v4, v5  }
0x25b: {  	[tilespmem:s18+$0x400] =	vst v4;
	v4 =	vld [tilespmem:s18+$0x410]  }
0x25c: {  	v5 =	vld [tilespmem:s31+$0x410];
	_ =	sdelay $0x4  }
0x25d: {  	v4 =	vmax.f32 v4, v5  }
0x25e: {  	[tilespmem:s18+$0x410] =	vst v4;
	v4 =	vld [tilespmem:s18+$0x420]  }
0x25f: {  	v5 =	vld [tilespmem:s31+$0x420];
	_ =	sdelay $0x4  }
0x260: {  	v4 =	vmax.f32 v4, v5  }
0x261: {  	[tilespmem:s18+$0x420] =	vst v4;
	v4 =	vld [tilespmem:s18+$0x430]  }
0x262: {  	v5 =	vld [tilespmem:s31+$0x430];
	_ =	sdelay $0x4  }
0x263: {  	v4 =	vmax.f32 v4, v5  }
0x264: {  	[tilespmem:s18+$0x430] =	vst v4;
	v4 =	vld [tilespmem:s18+$0x440]  }
0x265: {  	v5 =	vld [tilespmem:s31+$0x440];
	_ =	sdelay $0x4  }
0x266: {  	v4 =	vmax.f32 v4, v5  }
0x267: {  	[tilespmem:s18+$0x440] =	vst v4;
	v4 =	vld [tilespmem:s18+$0x450]  }
0x268: {  	v5 =	vld [tilespmem:s31+$0x450];
	_ =	sdelay $0x4  }
0x269: {  	v4 =	vmax.f32 v4, v5  }
0x26a: {  	[tilespmem:s18+$0x450] =	vst v4;
	v4 =	vld [tilespmem:s18+$0x460]  }
0x26b: {  	v5 =	vld [tilespmem:s31+$0x460];
	_ =	sdelay $0x4  }
0x26c: {  	v4 =	vmax.f32 v4, v5  }
0x26d: {  	[tilespmem:s18+$0x460] =	vst v4;
	v4 =	vld [tilespmem:s18+$0x470]  }
0x26e: {  	s19 =	simm.s32 $0x100;
	s20 =	smov.u32 s15;
	v5 =	vld [tilespmem:s31+$0x470]  }
.LBB2_21:
0x26f: {  	_ =	sdelay $0x3  }
0x270: {  	p0 =	seq.s32 s19, $0x3700;
	s17 =	sadd.s32 $0x80, s17;
	s20 =	sadd.s32 $0x1, s20;
	v4 =	vmax.f32 v4, v5  }
0x271: {  	[tilespmem:s18+$0x470] =	vst v4;
	s18 =	smov.u32 s19;
	s19 =	sadd.s32 $0x100, s19  }
0x272: {  	v4 =	vld [tilespmem:s20+$0x0];
	_ =	sdelay $0x4  }
0x273: {  	(v2sf) =	vpush v4, $0x0;
	_ =	sdelay $0xe  }
0x274: {  	s21 =	sand.u32 $0x380, s17;
	s18 =	sand.u32 $0x3800, s18;
	s22 =	spop (v2sf)  }
0x275: {  	s18 =	sadd.s32 s18, s16;
	s23 =	sshll.u32 s22, $0x8;
	s22 =	sshll.u32 s22, $0x7  }
0x276: {  	s21 =	sadd.s32 s21, s18;
	s23 =	sand.u32 $0xFFFFF800, s23;
	s22 =	sand.u32 $0x380, s22  }
0x277: {  	s18 =	sor.u32 s22, s23;
	v4 =	vld [tilespmem:s21+$0x0]  }
0x278: {  	v5 =	vld [tilespmem:s18+$0x0];
	_ =	sdelay $0x4  }
0x279: {  	v4 =	vmax.f32 v5, v4  }
0x27a: {  	[tilespmem:s18+$0x0] =	vst v4;
	v4 =	vld [tilespmem:s18+$0x10]  }
0x27b: {  	v5 =	vld [tilespmem:s21+$0x10];
	_ =	sdelay $0x4  }
0x27c: {  	v4 =	vmax.f32 v4, v5  }
0x27d: {  	[tilespmem:s18+$0x10] =	vst v4;
	v4 =	vld [tilespmem:s18+$0x20]  }
0x27e: {  	v5 =	vld [tilespmem:s21+$0x20];
	_ =	sdelay $0x4  }
0x27f: {  	v4 =	vmax.f32 v4, v5  }
0x280: {  	[tilespmem:s18+$0x20] =	vst v4;
	v4 =	vld [tilespmem:s18+$0x30]  }
0x281: {  	v5 =	vld [tilespmem:s21+$0x30];
	_ =	sdelay $0x4  }
0x282: {  	v4 =	vmax.f32 v4, v5  }
0x283: {  	[tilespmem:s18+$0x30] =	vst v4;
	v4 =	vld [tilespmem:s18+$0x40]  }
0x284: {  	v5 =	vld [tilespmem:s21+$0x40];
	_ =	sdelay $0x4  }
0x285: {  	v4 =	vmax.f32 v4, v5  }
0x286: {  	[tilespmem:s18+$0x40] =	vst v4;
	v4 =	vld [tilespmem:s18+$0x50]  }
0x287: {  	v5 =	vld [tilespmem:s21+$0x50];
	_ =	sdelay $0x4  }
0x288: {  	v4 =	vmax.f32 v4, v5  }
0x289: {  	[tilespmem:s18+$0x50] =	vst v4;
	v4 =	vld [tilespmem:s18+$0x60]  }
0x28a: {  	v5 =	vld [tilespmem:s21+$0x60];
	_ =	sdelay $0x4  }
0x28b: {  	v4 =	vmax.f32 v4, v5  }
0x28c: {  	[tilespmem:s18+$0x60] =	vst v4;
	v4 =	vld [tilespmem:s18+$0x70]  }
0x28d: {  	v5 =	vld [tilespmem:s21+$0x70];
	_ =	sdelay $0x4  }
0x28e: {  	v4 =	vmax.f32 v4, v5  }
0x28f: {  	[tilespmem:s18+$0x70] =	vst v4;
	v4 =	vld [tilespmem:s18+$0x400]  }
0x290: {  	v5 =	vld [tilespmem:s21+$0x400];
	_ =	sdelay $0x4  }
0x291: {  	v4 =	vmax.f32 v4, v5  }
0x292: {  	[tilespmem:s18+$0x400] =	vst v4;
	v4 =	vld [tilespmem:s18+$0x410]  }
0x293: {  	v5 =	vld [tilespmem:s21+$0x410];
	_ =	sdelay $0x4  }
0x294: {  	v4 =	vmax.f32 v4, v5  }
0x295: {  	[tilespmem:s18+$0x410] =	vst v4;
	v4 =	vld [tilespmem:s18+$0x420]  }
0x296: {  	v5 =	vld [tilespmem:s21+$0x420];
	_ =	sdelay $0x4  }
0x297: {  	v4 =	vmax.f32 v4, v5  }
0x298: {  	[tilespmem:s18+$0x420] =	vst v4;
	v4 =	vld [tilespmem:s18+$0x430]  }
0x299: {  	v5 =	vld [tilespmem:s21+$0x430];
	_ =	sdelay $0x4  }
0x29a: {  	v4 =	vmax.f32 v4, v5  }
0x29b: {  	[tilespmem:s18+$0x430] =	vst v4;
	v4 =	vld [tilespmem:s18+$0x440]  }
0x29c: {  	v5 =	vld [tilespmem:s21+$0x440];
	_ =	sdelay $0x4  }
0x29d: {  	v4 =	vmax.f32 v4, v5  }
0x29e: {  	[tilespmem:s18+$0x440] =	vst v4;
	v4 =	vld [tilespmem:s18+$0x450]  }
0x29f: {  	v5 =	vld [tilespmem:s21+$0x450];
	_ =	sdelay $0x4  }
0x2a0: {  	v4 =	vmax.f32 v4, v5  }
0x2a1: {  	[tilespmem:s18+$0x450] =	vst v4;
	v4 =	vld [tilespmem:s18+$0x460]  }
0x2a2: {  	v5 =	vld [tilespmem:s21+$0x460];
	_ =	sdelay $0x2  }
.Ltmp12:
0x2a3: {  	(pc) =	sbr.rel @!p0 .LBB2_21-.Ltmp12, $4  }
0x2a4: {  	_ = 	snop  }
0x2a5: {  	v4 =	vmax.f32 v4, v5  }
0x2a6: {  	[tilespmem:s18+$0x460] =	vst v4;
	v4 =	vld [tilespmem:s18+$0x470]  }
0x2a7: {  	v5 =	vld [tilespmem:s21+$0x470]  }
0x2a8: {  	_ =	sdelay $0x3  }
0x2a9: {  	v4 =	vmax.f32 v4, v5  }
0x2aa: {  	[tilespmem:s18+$0x470] =	vst v4  }
0x2ab: {  	p0 =	seq.s32 s14, s13  }
.Ltmp13:
0x2ac: {  	_ = 	snop;
	(pc) =	sbr.rel @!p0 .LBB2_20-.Ltmp13, $2  }
0x2ad: {  	_ =	sdelay $0x2  }
0x2ae: {  	s15 =	sadd.s32 $0x38, s15  }
.LBB2_11:
0x2af: {  	s13 =	simm.s32 $0x0  }
0x2b0: {  	s14 =	sand.u32 $0x1F800, s13;
	s13 =	sand.u32 $0x380, s13  }
0x2b1: {  	s13 =	sor.u32 s13, s14  }
0x2b2: {  	v4 =	vld [tilespmem:s13+$0x0]  }
0x2b3: {  	v5 =	vld [tilespmem:s13+$0x10]  }
0x2b4: {  	v6 =	vld [tilespmem:s13+$0x20]  }
0x2b5: {  	v8 =	vld [tilespmem:s13+$0x30]  }
0x2b6: {  	v9 =	vld [tilespmem:s13+$0x40]  }
0x2b7: {  	v10 =	vld [tilespmem:s13+$0x50];
	vm0 =	veq.f32 v4, $-Inf  }
0x2b8: {  	v11 =	vld [tilespmem:s13+$0x60];
	v4 =	vsel vm0, $0x0, v4;
	vm0 =	veq.f32 v5, $-Inf  }
0x2b9: {  	v12 =	vld [tilespmem:s13+$0x70];
	[tilespmem:s13+$0x0] =	vst v4;
	v4 =	vsel vm0, $0x0, v5;
	vm0 =	veq.f32 v6, $-Inf  }
0x2ba: {  	v7 =	vld [tilespmem:s13+$0x400];
	[tilespmem:s13+$0x10] =	vst v4;
	v4 =	vsel vm0, $0x0, v6;
	vm0 =	veq.f32 v8, $-Inf  }
0x2bb: {  	v5 =	vld [tilespmem:s13+$0x410];
	[tilespmem:s13+$0x20] =	vst v4;
	v4 =	vsel vm0, $0x0, v8;
	vm0 =	veq.f32 v9, $-Inf  }
0x2bc: {  	[tilespmem:s13+$0x30] =	vst v4;
	v6 =	vsel vm0, $0x0, v9;
	vm0 =	veq.f32 v10, $-Inf;
	v4 =	vld [tilespmem:s13+$0x420]  }
0x2bd: {  	[tilespmem:s13+$0x40] =	vst v6;
	v8 =	vsel vm0, $0x0, v10;
	vm0 =	veq.f32 v11, $-Inf;
	v6 =	vld [tilespmem:s13+$0x430]  }
0x2be: {  	[tilespmem:s13+$0x50] =	vst v8;
	v9 =	vsel vm0, $0x0, v11;
	vm0 =	veq.f32 v12, $-Inf;
	v8 =	vld [tilespmem:s13+$0x440]  }
0x2bf: {  	s15 =	simm.s32 $0x100;
	s14 =	simm.s32 $0x80;
	[tilespmem:s13+$0x60] =	vst v9;
	v10 =	vsel vm0, $0x0, v12;
	vm0 =	veq.f32 v7, $-Inf;
	v9 =	vld [tilespmem:s13+$0x450]  }
.LBB2_12:
0x2c0: {  	s16 =	sand.u32 $0x1F800, s15;
	s17 =	sand.u32 $0x380, s14;
	p0 =	sne.s32 s15, $0x13F00;
	[tilespmem:s13+$0x70] =	vst v10;
	v7 =	vsel vm0, $0x0, v7;
	vm0 =	veq.f32 v5, $-Inf;
	v10 =	vld [tilespmem:s13+$0x460]  }
0x2c1: {  	s16 =	sor.u32 s17, s16;
	[tilespmem:s13+$0x400] =	vst v7;
	v5 =	vsel vm0, $0x0, v5;
	vm0 =	veq.f32 v4, $-Inf;
	v7 =	vld [tilespmem:s13+$0x470]  }
0x2c2: {  	v11 =	vld [tilespmem:s16+$0x0];
	[tilespmem:s13+$0x410] =	vst v5;
	v4 =	vsel vm0, $0x0, v4;
	vm0 =	veq.f32 v6, $-Inf  }
0x2c3: {  	v5 =	vld [tilespmem:s16+$0x10];
	[tilespmem:s13+$0x420] =	vst v4;
	v4 =	vsel vm0, $0x0, v6;
	vm0 =	veq.f32 v8, $-Inf  }
0x2c4: {  	v6 =	vld [tilespmem:s16+$0x20];
	[tilespmem:s13+$0x430] =	vst v4;
	v4 =	vsel vm0, $0x0, v8;
	vm0 =	veq.f32 v9, $-Inf  }
0x2c5: {  	v8 =	vld [tilespmem:s16+$0x30];
	[tilespmem:s13+$0x440] =	vst v4;
	v4 =	vsel vm0, $0x0, v9;
	vm0 =	veq.f32 v10, $-Inf  }
0x2c6: {  	v9 =	vld [tilespmem:s16+$0x40];
	[tilespmem:s13+$0x450] =	vst v4;
	v4 =	vsel vm0, $0x0, v10;
	vm0 =	veq.f32 v7, $-Inf  }
0x2c7: {  	vm1 =	veq.f32 v11, $-Inf;
	v10 =	vld [tilespmem:s16+$0x50];
	[tilespmem:s13+$0x460] =	vst v4;
	v4 =	vsel vm0, $0x0, v7  }
0x2c8: {  	v7 =	vsel vm1, $0x0, v11;
	vm0 =	veq.f32 v5, $-Inf;
	v11 =	vld [tilespmem:s16+$0x60];
	[tilespmem:s13+$0x470] =	vst v4;
	s13 =	smov.u32 s16  }
0x2c9: {  	[tilespmem:s13+$0x0] =	vst v7;
	v4 =	vsel vm0, $0x0, v5;
	vm0 =	veq.f32 v6, $-Inf;
	v12 =	vld [tilespmem:s13+$0x70]  }
0x2ca: {  	[tilespmem:s13+$0x10] =	vst v4;
	v4 =	vsel vm0, $0x0, v6;
	vm0 =	veq.f32 v8, $-Inf;
	v7 =	vld [tilespmem:s13+$0x400]  }
.Ltmp14:
0x2cb: {  	[tilespmem:s13+$0x20] =	vst v4;
	v4 =	vsel vm0, $0x0, v8;
	vm0 =	veq.f32 v9, $-Inf;
	v5 =	vld [tilespmem:s13+$0x410];
	(pc) =	sbr.rel @p0 .LBB2_12-.Ltmp14, $4  }
0x2cc: {  	[tilespmem:s13+$0x30] =	vst v4;
	v6 =	vsel vm0, $0x0, v9;
	vm0 =	veq.f32 v10, $-Inf;
	v4 =	vld [tilespmem:s13+$0x420]  }
0x2cd: {  	[tilespmem:s13+$0x40] =	vst v6;
	v8 =	vsel vm0, $0x0, v10;
	vm0 =	veq.f32 v11, $-Inf;
	v6 =	vld [tilespmem:s13+$0x430]  }
0x2ce: {  	[tilespmem:s13+$0x50] =	vst v8;
	v9 =	vsel vm0, $0x0, v11;
	vm0 =	veq.f32 v12, $-Inf;
	v8 =	vld [tilespmem:s13+$0x440]  }
0x2cf: {  	s14 =	sadd.s32 $0x80, s14;
	s15 =	sadd.s32 $0x100, s15;
	[tilespmem:s13+$0x60] =	vst v9;
	v10 =	vsel vm0, $0x0, v12;
	vm0 =	veq.f32 v7, $-Inf;
	v9 =	vld [tilespmem:s13+$0x450]  }
0x2d0: {  	[tilespmem:s13+$0x70] =	vst v10;
	v7 =	vsel vm0, $0x0, v7;
	vm9 =	veq.f32 v5, $-Inf;
	v62 =	vld [tilespmem:s13+$0x460]  }
0x2d1: {  	v63 =	vld [tilespmem:s13+$0x470];
	[tilespmem:s13+$0x400] =	vst v7;
	v5 =	vsel vm9, $0x0, v5;
	vm10 =	veq.f32 v4, $-Inf  }
0x2d2: {  	[tilespmem:s13+$0x410] =	vst v5;
	v4 =	vsel vm10, $0x0, v4;
	vm11 =	veq.f32 v6, $-Inf  }
0x2d3: {  	[tilespmem:s13+$0x420] =	vst v4;
	v4 =	vsel vm11, $0x0, v6;
	vm12 =	veq.f32 v8, $-Inf  }
0x2d4: {  	[tilespmem:s13+$0x430] =	vst v4;
	v4 =	vsel vm12, $0x0, v8;
	vm13 =	veq.f32 v9, $-Inf  }
0x2d5: {  	[tilespmem:s13+$0x440] =	vst v4;
	v4 =	vsel vm13, $0x0, v9;
	vm14 =	veq.f32 v62, $-Inf  }
0x2d6: {  	s12 =	sadd.s32 $0x1, s12;
	vm15 =	veq.f32 v63, $-Inf;
	[tilespmem:s13+$0x450] =	vst v4;
	v4 =	vsel vm14, $0x0, v62  }
0x2d7: {  	p0 =	sne.s32 s12, s7;
	[tilespmem:s13+$0x460] =	vst v4;
	v4 =	vsel vm15, $0x0, v63  }
.Ltmp15:
0x2d8: {  	[tilespmem:s13+$0x470] =	vst v4;
	(pc) =	sbr.rel @p0 .LBB2_1-.Ltmp15, $4  }
0x2d9: {  	[hbm4b:s6+s3] =	stream.linear.scatter [tilespmem:s3], [sflag:$0x2], $0x14000, $0x38;
	[tilespmem:$0x1EA00] =	vst v63  }
0x2da: {  	_ =	swait.ge [sflag:s9], $0x14000  }
0x2db: {  	[sflag:s9] =	ssyncset.done $0x0  }
0x2dc: {  	[sflag:s9] =	ssyncadd.s32 $0xFFFEC000  }
0x2dd: {  	_ =	sfence.sel $0x180000  }
0x2de: {  	[bflag:$0x0] =	sbarrier.arrive $0xFFFF  }
0x2df: {  	p0 =	sne.s32 s1, $0x0;
	_ =	strace $0x90000047  }
0x2e0: {  	s0 =	sadd.s32 @!p0 $0x100000, s0;
	[bflag:$0x2] =	sbarrier.arrive $0xFFFF  }
0x2e1: {  	[sflag:s0] =	ssyncadd.tile.s32 @!p0 $0x1;
	_ =	shalt  }
.Lfunc_end2:
_tile_overlayer_lowered:
.L_overlay_start_2:
0x2e2: {  	(tag) =	ssettag $0x2  }
0x2e3: {  	s0 =	rddreg [dreg:$0x0];
	s2 =	stileid.u32  }
0x2e4: {  	s1 =	rddreg [dreg:$0x1];
	p0 =	sne.s32 s2, $0x0  }
0x2e5: {  	s3 =	rddreg [dreg:$0x2];
	[bflag:$0x3] =	sbarrier.arrive $0xFFFF;
	s2 =	simm.s32 @!p0 $0x1C02  }
0x2e6: {  	[timem:s3], [sflag:s2] =	dma.local @!p0 [hbm:s0], s1  }
0x2e7: {  	s0 =	simm.s32 @!p0 $0x2  }
0x2e8: {  	_ =	swait.ge @!p0 [sflag:s0], s1  }
0x2e9: {  	s1 =	ssub.s32 @!p0 $0x0, s1;
	[sflag:s0] =	ssyncset.done @!p0 $0x0  }
0x2ea: {  	[sflag:s0] =	ssyncadd.s32 @!p0 s1  }
0x2eb: {  	[bflag:$0x3] =	sbarrier.arrive $0xFFFF  }
0x2ec: {  	_ =	shalt  }

</sc_bundles>
